<compile_context>
chip_gen: v7x
topology: tpu7x:2x2x1
jax: 0.10.2.dev20260603
libtpu: 0.0.44.dev20260713+nightly
codegen_flags: <defaults>
</compile_context>

<pallas_src>
import jax
import jax.numpy as jnp
from jax import lax
from jax.experimental import pallas as pl
from jax.experimental.pallas import tpu as pltpu
from jax.experimental.pallas import tpu_sc as plsc

N = 10000
E = 320000
F = 128
H = 64
BN_EPS = 1e-5

import functools


@functools.cache
def _sc_mesh():
    return plsc.VectorSubcoreMesh(core_axis_name="c", subcore_axis_name="s",
                                  num_cores=2, num_subcores=16)


NP = N + 16
EPROWS = 2560
RPT = EPROWS // 16
NBUF = 4
CROWS = 1
NCH = RPT // CROWS


def _mp_pass(xsrc, xdst, srcbuf, dstbuf, rbufs, gsems):

    def gidx(buf, k):
        if CROWS == 1:
            return buf.at[k]
        return buf.at[pl.ds(CROWS * k, CROWS)]

    for b in range(NBUF):
        pltpu.async_copy(xsrc.at[gidx(srcbuf, b)], rbufs[b], gsems[b])

    def outer(q, carry):
        for b in range(NBUF):
            k = q * NBUF + b
            pltpu.make_async_copy(xsrc.at[gidx(srcbuf, k)], rbufs[b],
                                  gsems[b]).wait()
            pltpu.sync_copy(rbufs[b], xdst.at[gidx(dstbuf, k)], add=True)

            @pl.when(k < NCH - NBUF)
            def _():
                pltpu.async_copy(xsrc.at[gidx(srcbuf, k + NBUF)], rbufs[b],
                                 gsems[b])
        return carry

    lax.fori_loop(0, NCH // NBUF, outer, 0)
    for k in range((NCH // NBUF) * NBUF, NCH):
        b = k % NBUF
        pltpu.make_async_copy(xsrc.at[gidx(srcbuf, k)], rbufs[b],
                              gsems[b]).wait()
        pltpu.sync_copy(rbufs[b], xdst.at[gidx(dstbuf, k)], add=True)
    plsc.subcore_barrier()


def _seg_chain_body(srcp, dstp, x_hbm, zeros_hbm, y1, y2, y3, y4,
                    srcbuf, dstbuf, r0, r1, r2, r3, accum,
                    g0, g1, g2, g3):
    c = lax.axis_index("c")
    s = lax.axis_index("s")
    cN = c * N
    rbufs = [r0, r1, r2, r3]
    gsems = [g0, g1, g2, g3]

    pltpu.sync_copy(srcp.at[pl.ds(s * RPT, RPT)], srcbuf)
    pltpu.sync_copy(dstp.at[pl.ds(s * RPT, RPT)], dstbuf)

    def shift(r, carry):
        for i in range(128 // 16):
            srcbuf[r, pl.ds(i * 16, 16)] = srcbuf[r, pl.ds(i * 16, 16)] + cN
        return carry

    lax.fori_loop(0, RPT, shift, 0)

    @pl.when(s < 15)
    def _():
        pltpu.sync_copy(zeros_hbm.at[pl.ds(s * 640, 640)],
                        accum.at[pl.ds(s * 640, 640)])

    @pl.when(s == 15)
    def _():
        pltpu.sync_copy(zeros_hbm.at[pl.ds(9600, 416)],
                        accum.at[pl.ds(9600, 416)])

    plsc.subcore_barrier()

    def flush(yout, last=False):
        @pl.when(s < 15)
        def _():
            pltpu.sync_copy(accum.at[pl.ds(s * 640, 640)],
                            yout.at[pl.ds(cN + s * 640, 640)])
            if not last:
                pltpu.sync_copy(zeros_hbm.at[pl.ds(s * 640, 640)],
                                accum.at[pl.ds(s * 640, 640)])

        @pl.when(s == 15)
        def _():
            pltpu.sync_copy(accum.at[pl.ds(9600, 400)],
                            yout.at[pl.ds(cN + 9600, 400)])
            if not last:
                pltpu.sync_copy(zeros_hbm.at[pl.ds(9600, 416)],
                                accum.at[pl.ds(9600, 416)])

        plsc.subcore_barrier()

    _mp_pass(x_hbm, accum, srcbuf, dstbuf, rbufs, gsems)
    flush(y1)
    _mp_pass(y1, accum, srcbuf, dstbuf, rbufs, gsems)
    flush(y2)
    _mp_pass(y2, accum, srcbuf, dstbuf, rbufs, gsems)
    flush(y3)
    _mp_pass(y3, accum, srcbuf, dstbuf, rbufs, gsems)
    flush(y4, last=True)


@functools.cache
def _seg_chain_kernel():
    ytype = jax.ShapeDtypeStruct((2 * N, H), jnp.float32)
    return pl.kernel(
        _seg_chain_body,
        out_type=[ytype, ytype, ytype, ytype],
        mesh=_sc_mesh(),
        scratch_types=[
            pltpu.VMEM((RPT, 128), jnp.int32),
            pltpu.VMEM((RPT, 128), jnp.int32),
        ] + [pltpu.VMEM((CROWS * 128, H), jnp.float32)] * 4 + [
            pltpu.VMEM_SHARED((NP, H), jnp.float32),
        ] + [pltpu.SemaphoreType.DMA] * 4,
        compiler_params=pltpu.CompilerParams(use_tc_tiling_on_sc=False),
        cost_estimate=pl.CostEstimate(flops=170_000_000,
                                      bytes_accessed=1_300_000_000,
                                      transcendentals=0),
    )


def _seg_chain(srcp, dstp, x_hbm, zeros_hbm):
    y1, y2, _, y4 = _seg_chain_kernel()(srcp, dstp, x_hbm, zeros_hbm)
    return y1, y2, y4



_RB = 1000
_AB = 200


def _g_body(fb_ref, wt_ref, o_ref):
    o_ref[...] = jnp.dot(fb_ref[...], wt_ref[...],
                         preferred_element_type=jnp.float32)


def _compute_g(feat_b, wt):
    return pl.pallas_call(
        _g_body,
        grid=(N // _RB,),
        in_specs=[pl.BlockSpec((_RB, F), lambda i: (i, 0)),
                  pl.BlockSpec((F, F), lambda i: (0, 0))],
        out_specs=pl.BlockSpec((_RB, F), lambda i: (i, 0)),
        out_shape=jax.ShapeDtypeStruct((N, F), jnp.float32),
    )(feat_b, wt)


def _dense_body(pm, g, fa, dg, wpt, wdt, bsum, o):
    acc = jnp.dot(pm[...].astype(jnp.bfloat16), g[...].astype(jnp.bfloat16),
                  preferred_element_type=jnp.float32)
    o[...] = (acc
              + jnp.dot(fa[...], wpt[...], preferred_element_type=jnp.float32)
              + jnp.dot(dg[...] * fa[...], wdt[...],
                        preferred_element_type=jnp.float32)
              + bsum[...])


def _compute_dense(pm_pd, g, feat_a, deg, wpt, wdt, bsum):
    return pl.pallas_call(
        _dense_body,
        grid=(N // _AB,),
        in_specs=[
            pl.BlockSpec((_AB, N), lambda i: (i, 0)),
            pl.BlockSpec((N, F), lambda i: (0, 0)),
            pl.BlockSpec((_AB, F), lambda i: (i, 0)),
            pl.BlockSpec((_AB, 1), lambda i: (i, 0)),
            pl.BlockSpec((F, F), lambda i: (0, 0)),
            pl.BlockSpec((F, F), lambda i: (0, 0)),
            pl.BlockSpec((1, F), lambda i: (0, 0)),
        ],
        out_specs=pl.BlockSpec((_AB, F), lambda i: (i, 0)),
        out_shape=jax.ShapeDtypeStruct((N, F), jnp.float32),
    )(pm_pd, g, feat_a, deg, wpt, wdt, bsum)


def _radius_body(dn, y1l, y1h, y2l, y2h, y4l, y4h,
                 w0l, w0h, w1l, w1h, w2l, w2h, raw, sums, sumsq):
    r = dn[...]
    r += jnp.dot(y1l[...], w0l[...], preferred_element_type=jnp.float32)
    r += jnp.dot(y1h[...], w0h[...], preferred_element_type=jnp.float32)
    r += jnp.dot(y2l[...], w1l[...], preferred_element_type=jnp.float32)
    r += jnp.dot(y2h[...], w1h[...], preferred_element_type=jnp.float32)
    r += jnp.dot(y4l[...], w2l[...], preferred_element_type=jnp.float32)
    r += jnp.dot(y4h[...], w2h[...], preferred_element_type=jnp.float32)
    raw[...] = r
    sums[0] = jnp.sum(r, axis=0, keepdims=True)
    sumsq[0] = jnp.sum(r * r, axis=0, keepdims=True)


def _compute_radius(dense, y1, y2, y4, wmats):
    nb = N // _RB
    yspec_l = pl.BlockSpec((_RB, H), lambda i: (i, 0))
    yspec_h = pl.BlockSpec((_RB, H), lambda i: (i + nb, 0))
    wspec = pl.BlockSpec((H, F), lambda i: (0, 0))
    return pl.pallas_call(
        _radius_body,
        grid=(nb,),
        in_specs=[pl.BlockSpec((_RB, F), lambda i: (i, 0)),
                  yspec_l, yspec_h, yspec_l, yspec_h, yspec_l, yspec_h,
                  wspec, wspec, wspec, wspec, wspec, wspec],
        out_specs=[pl.BlockSpec((_RB, F), lambda i: (i, 0)),
                   pl.BlockSpec((1, 1, F), lambda i: (i, 0, 0)),
                   pl.BlockSpec((1, 1, F), lambda i: (i, 0, 0))],
        out_shape=[jax.ShapeDtypeStruct((N, F), jnp.float32),
                   jax.ShapeDtypeStruct((nb, 1, F), jnp.float32),
                   jax.ShapeDtypeStruct((nb, 1, F), jnp.float32)],
    )(dense, y1, y1, y2, y2, y4, y4, *wmats)


def _bn_body(raw, sums, sumsq, gm, bt, o):
    S = jnp.sum(sums[...], axis=0)
    Q = jnp.sum(sumsq[...], axis=0)
    mean = S / N
    var = Q / N - mean * mean
    rstd = lax.rsqrt(var + BN_EPS)
    scale = gm[...] * rstd
    o[...] = raw[...] * scale + (bt[...] - mean * scale)


def _compute_bn(raw, sums, sumsq, gamma, beta):
    nb = N // _RB
    return pl.pallas_call(
        _bn_body,
        grid=(nb,),
        in_specs=[pl.BlockSpec((_RB, F), lambda i: (i, 0)),
                  pl.BlockSpec((nb, 1, F), lambda i: (0, 0, 0)),
                  pl.BlockSpec((nb, 1, F), lambda i: (0, 0, 0)),
                  pl.BlockSpec((1, F), lambda i: (0, 0)),
                  pl.BlockSpec((1, F), lambda i: (0, 0))],
        out_specs=pl.BlockSpec((_RB, F), lambda i: (i, 0)),
        out_shape=jax.ShapeDtypeStruct((N, F), jnp.float32),
    )(raw, sums, sumsq, gamma, beta)


def kernel(edge_index, feat_a, feat_b, deg, pm_pd, W_prev, b_prev, W_deg, b_deg,
           W_rad_0, b_rad_0, W_rad_1, b_rad_1, W_rad_2, b_rad_2,
           W_fuse, b_fuse, bn_gamma, bn_beta):
    npad = EPROWS * 128 - E
    pad_src = (jnp.arange(npad, dtype=jnp.int32) * 37) % N
    pad_dst = N + (jnp.arange(npad, dtype=jnp.int32) % 16)
    srcp = jnp.concatenate([edge_index[0].astype(jnp.int32), pad_src]
                           ).reshape(EPROWS, 128)
    dstp = jnp.concatenate([edge_index[1].astype(jnp.int32), pad_dst]
                           ).reshape(EPROWS, 128)

    x0 = jnp.concatenate([feat_a[:, :H], feat_a[:, H:]], axis=0)
    zeros = jnp.zeros((NP, H), jnp.float32)

    y1, y2, y4 = _seg_chain(srcp, dstp, x0, zeros)

    g = _compute_g(feat_b, W_fuse.T)
    bsum = (b_prev + b_deg + b_fuse + b_rad_0 + b_rad_1 + b_rad_2)[None, :]
    dense = _compute_dense(pm_pd, g, feat_a, deg, W_prev.T, W_deg.T, bsum)

    wmats = [W_rad_0[:, :H].T, W_rad_0[:, H:].T,
             W_rad_1[:, :H].T, W_rad_1[:, H:].T,
             W_rad_2[:, :H].T, W_rad_2[:, H:].T]
    raw, sums, sumsq = _compute_radius(dense, y1, y2, y4, wmats)

    return _compute_bn(raw, sums, sumsq, bn_gamma[None, :], bn_beta[None, :])

# --- scband reference (transcript-rebuilt; emitter-appended) ---
"""Pipeline reference for scband-lgnncore-5677946765612 (READ-ONLY COPY).

The authoritative reference and input builder live on the scoring server;
editing this copy changes nothing except your own understanding.
"""

import jax, jax.numpy as jnp
import numpy as np

N = 10000
E = 320000
M = 10000
IN_FEATS = 128
OUT_FEATS = 128
RADIUS = 3
BN_EPS = 1e-5


def setup_inputs(seed: int = 0) -> dict:
    key = jax.random.key(seed)
    ks = jax.random.split(key, 24)
    inp = {}
    inp['edge_index'] = jax.random.randint(ks[0], (2, E), 0, N)
    inp['feat_a'] = jax.random.normal(ks[1], (N, IN_FEATS), dtype=jnp.float32)
    inp['feat_b'] = jax.random.normal(ks[2], (M, IN_FEATS), dtype=jnp.float32)
    inp['deg'] = jax.random.uniform(ks[3], (N, 1), dtype=jnp.float32) * 64.0
    inp['pm_pd'] = jax.random.uniform(ks[4], (N, M), dtype=jnp.float32)
    s = 0.05
    inp['W_prev'] = jax.random.normal(ks[5], (OUT_FEATS, IN_FEATS), dtype=jnp.float32) * s
    inp['b_prev'] = jnp.zeros((OUT_FEATS,), dtype=jnp.float32)
    inp['W_deg'] = jax.random.normal(ks[6], (OUT_FEATS, IN_FEATS), dtype=jnp.float32) * s
    inp['b_deg'] = jnp.zeros((OUT_FEATS,), dtype=jnp.float32)
    inp['W_rad_0'] = jax.random.normal(ks[7], (OUT_FEATS, IN_FEATS), dtype=jnp.float32) * s
    inp['b_rad_0'] = jnp.zeros((OUT_FEATS,), dtype=jnp.float32)
    inp['W_rad_1'] = jax.random.normal(ks[8], (OUT_FEATS, IN_FEATS), dtype=jnp.float32) * s
    inp['b_rad_1'] = jnp.zeros((OUT_FEATS,), dtype=jnp.float32)
    inp['W_rad_2'] = jax.random.normal(ks[9], (OUT_FEATS, IN_FEATS), dtype=jnp.float32) * s
    inp['b_rad_2'] = jnp.zeros((OUT_FEATS,), dtype=jnp.float32)
    inp['W_fuse'] = jax.random.normal(ks[10], (OUT_FEATS, IN_FEATS), dtype=jnp.float32) * s
    inp['b_fuse'] = jnp.zeros((OUT_FEATS,), dtype=jnp.float32)
    inp['bn_gamma'] = jnp.ones((OUT_FEATS,), dtype=jnp.float32)
    inp['bn_beta'] = jnp.zeros((OUT_FEATS,), dtype=jnp.float32)
    return inp


def _aggregate_radius(radius, edge_index, z):
    src = edge_index[0]
    dst = edge_index[1]

    def mp(h):
        return jax.ops.segment_sum(h[src], dst, num_segments=N)

    z = mp(z)
    z_list = [z]
    for i in range(radius - 1):
        for j in range(2 ** i):
            z = mp(z)
        z_list.append(z)
    return z_list


def reference(edge_index, feat_a, feat_b, deg, pm_pd, W_prev, b_prev, W_deg, b_deg,
              W_rad_0, b_rad_0, W_rad_1, b_rad_1, W_rad_2, b_rad_2,
              W_fuse, b_fuse, bn_gamma, bn_beta):
    prev_proj = feat_a @ W_prev.T + b_prev
    deg_proj = (deg * feat_a) @ W_deg.T + b_deg
    hop2j_list = _aggregate_radius(RADIUS, edge_index, feat_a)
    Ws = [(W_rad_0, b_rad_0), (W_rad_1, b_rad_1), (W_rad_2, b_rad_2)]
    radius_proj = sum(x @ W.T + b for (W, b), x in zip(Ws, hop2j_list))
    fuse = (pm_pd @ feat_b) @ W_fuse.T + b_fuse
    result = prev_proj + deg_proj + radius_proj + fuse
    n = OUT_FEATS
    result = jnp.concatenate([result[:, :n], jax.nn.relu(result[:, n:])], axis=1)
    # BatchNorm1d in training mode (batch statistics, biased variance)
    mean = jnp.mean(result, axis=0)
    var = jnp.var(result, axis=0)
    result = (result - mean) / jnp.sqrt(var + BN_EPS) * bn_gamma + bn_beta
    return result

if __name__ == "__main__":
    import jax
    _d = setup_inputs()
    print(jax.jit(kernel)(*tuple(_d.values())))

</pallas_src>

<mosaic_0001>
#map = affine_map<(d0, d1) -> (0, 0)>
module attributes {stable_mosaic.version = 14 : i64} {
  func.func @_seg_chain_body(%arg0: i32, %arg1: i32, %arg2: memref<2560x128xi32, #tpu.memory_space<hbm>>, %arg3: memref<2560x128xi32, #tpu.memory_space<hbm>>, %arg4: memref<20000x64xf32, #tpu.memory_space<hbm>>, %arg5: memref<10016x64xf32, #tpu.memory_space<hbm>>, %arg6: memref<20000x64xf32, #tpu.memory_space<hbm>>, %arg7: memref<20000x64xf32, #tpu.memory_space<hbm>>, %arg8: memref<20000x64xf32, #tpu.memory_space<hbm>>, %arg9: memref<20000x64xf32, #tpu.memory_space<hbm>>, %arg10: memref<160x128xi32, #tpu.memory_space<vmem>>, %arg11: memref<160x128xi32, #tpu.memory_space<vmem>>, %arg12: memref<128x64xf32, #tpu.memory_space<vmem>>, %arg13: memref<128x64xf32, #tpu.memory_space<vmem>>, %arg14: memref<128x64xf32, #tpu.memory_space<vmem>>, %arg15: memref<128x64xf32, #tpu.memory_space<vmem>>, %arg16: memref<10016x64xf32, #tpu.memory_space<vmem_shared>>, %arg17: memref<!tpu.dma_semaphore, #tpu.memory_space<semaphore_mem>>, %arg18: memref<!tpu.dma_semaphore, #tpu.memory_space<semaphore_mem>>, %arg19: memref<!tpu.dma_semaphore, #tpu.memory_space<semaphore_mem>>, %arg20: memref<!tpu.dma_semaphore, #tpu.memory_space<semaphore_mem>>) attributes {dimension_semantics = [#tpu.dimension_semantics<core_parallel>, #tpu.dimension_semantics<subcore_parallel>], iteration_bounds = array<i64: 2, 16>, scalar_prefetch = 0 : i64, scratch_operands = 11 : i64, tpu.core_type = #tpu.core_type<sc_vector_subcore>, window_params = [{transform_indices = #map}, {transform_indices = #map}, {transform_indices = #map}, {transform_indices = #map}, {transform_indices = #map}, {transform_indices = #map}, {transform_indices = #map}, {transform_indices = #map}]} {
    %mul3A = arith.constant 10000 : i32
    %mul3A_0 = arith.muli %arg0, %mul3A : i32
    %mul3A_1 = arith.constant 160 : i32
    %mul3A_2 = arith.muli %arg1, %mul3A_1 : i32
    "tpu.region"() ({
      %run_scoped3A = tpu.sem_alloc : memref<!tpu.dma_semaphore, #tpu.memory_space<semaphore_mem>>
      %dma_start3A_199 = arith.constant 0 : i32
      %dma_start3A_200 = tpu.memref_slice %arg2[%mul3A_2, %dma_start3A_199] : memref<2560x128xi32, #tpu.memory_space<hbm>> -> memref<160x128xi32, #tpu.memory_space<hbm>>
      %dma_start3A_201 = arith.constant 0 : i32
      %dma_start3A_202 = tpu.memref_slice %arg2[%mul3A_2, %dma_start3A_201] : memref<2560x128xi32, #tpu.memory_space<hbm>> -> memref<160x128xi32, #tpu.memory_space<hbm>>
      tpu.enqueue_dma source(%dma_start3A_202 : memref<160x128xi32, #tpu.memory_space<hbm>>) target(%arg10 : memref<160x128xi32, #tpu.memory_space<vmem>>) target_semaphore(%run_scoped3A : memref<!tpu.dma_semaphore, #tpu.memory_space<semaphore_mem>>)
      %dma_wait3A = arith.constant 0 : i32
      %dma_wait3A_203 = tpu.memref_slice %arg2[%mul3A_2, %dma_wait3A] : memref<2560x128xi32, #tpu.memory_space<hbm>> -> memref<160x128xi32, #tpu.memory_space<hbm>>
      %dma_wait3A_204 = arith.constant 0 : i32
      %dma_wait3A_205 = tpu.memref_slice %arg2[%mul3A_2, %dma_wait3A_204] : memref<2560x128xi32, #tpu.memory_space<hbm>> -> memref<160x128xi32, #tpu.memory_space<hbm>>
      tpu.wait_dma2 semaphore(%run_scoped3A : memref<!tpu.dma_semaphore, #tpu.memory_space<semaphore_mem>>) src(%dma_wait3A_205 : memref<160x128xi32, #tpu.memory_space<hbm>>) dst(%arg10 : memref<160x128xi32, #tpu.memory_space<vmem>>)
      tpu.yield
    }) : () -> ()
    %mul3A_3 = arith.constant 160 : i32
    %mul3A_4 = arith.muli %arg1, %mul3A_3 : i32
    "tpu.region"() ({
      %run_scoped3A = tpu.sem_alloc : memref<!tpu.dma_semaphore, #tpu.memory_space<semaphore_mem>>
      %dma_start3A_199 = arith.constant 0 : i32
      %dma_start3A_200 = tpu.memref_slice %arg3[%mul3A_4, %dma_start3A_199] : memref<2560x128xi32, #tpu.memory_space<hbm>> -> memref<160x128xi32, #tpu.memory_space<hbm>>
      %dma_start3A_201 = arith.constant 0 : i32
      %dma_start3A_202 = tpu.memref_slice %arg3[%mul3A_4, %dma_start3A_201] : memref<2560x128xi32, #tpu.memory_space<hbm>> -> memref<160x128xi32, #tpu.memory_space<hbm>>
      tpu.enqueue_dma source(%dma_start3A_202 : memref<160x128xi32, #tpu.memory_space<hbm>>) target(%arg11 : memref<160x128xi32, #tpu.memory_space<vmem>>) target_semaphore(%run_scoped3A : memref<!tpu.dma_semaphore, #tpu.memory_space<semaphore_mem>>)
      %dma_wait3A = arith.constant 0 : i32
      %dma_wait3A_203 = tpu.memref_slice %arg3[%mul3A_4, %dma_wait3A] : memref<2560x128xi32, #tpu.memory_space<hbm>> -> memref<160x128xi32, #tpu.memory_space<hbm>>
      %dma_wait3A_204 = arith.constant 0 : i32
      %dma_wait3A_205 = tpu.memref_slice %arg3[%mul3A_4, %dma_wait3A_204] : memref<2560x128xi32, #tpu.memory_space<hbm>> -> memref<160x128xi32, #tpu.memory_space<hbm>>
      tpu.wait_dma2 semaphore(%run_scoped3A : memref<!tpu.dma_semaphore, #tpu.memory_space<semaphore_mem>>) src(%dma_wait3A_205 : memref<160x128xi32, #tpu.memory_space<hbm>>) dst(%arg11 : memref<160x128xi32, #tpu.memory_space<vmem>>)
      tpu.yield
    }) : () -> ()
    %scan3A = arith.constant 0 : i32
    %scan3A_5 = arith.constant 0 : i32
    %scan3A_6 = arith.constant 160 : i32
    %scan3A_7 = arith.addi %scan3A_5, %scan3A_6 : i32
    %scan3A_8 = arith.constant 1 : i32
    scf.for %scan3A_199 = %scan3A_5 to %scan3A_7 step %scan3A_8  : i32 {
      %get3A = arith.index_cast %scan3A_199 : i32 to index
      %get3A_200 = arith.constant 0 : index
      %get3A_201 = tpu.vector_load %arg10[%get3A, %get3A_200] {strides = array<i32>} : memref<160x128xi32, #tpu.memory_space<vmem>>, vector<1x16xi32>,
      %get3A_202 = vector.shape_cast %get3A_201 : vector<1x16xi32> to vector<16xi32>
      %add3A = vector.broadcast %mul3A_0 : i32 to vector<16xi32>
      %add3A_203 = arith.addi %get3A_202, %add3A : vector<16xi32>
      %swap3A = arith.index_cast %scan3A_199 : i32 to index
      %swap3A_204 = arith.constant 0 : index
      %swap3A_205 = tpu.vector_load %arg10[%swap3A, %swap3A_204] {strides = array<i32>} : memref<160x128xi32, #tpu.memory_space<vmem>>, vector<1x16xi32>,
      %swap3A_206 = vector.shape_cast %swap3A_205 : vector<1x16xi32> to vector<16xi32>
      %swap3A_207 = vector.shape_cast %add3A_203 : vector<16xi32> to vector<1x16xi32>
      tpu.vector_store %arg10[%swap3A, %swap3A_204], %swap3A_207 {strides = array<i32>} : memref<160x128xi32, #tpu.memory_space<vmem>>, vector<1x16xi32>,
      %get3A_208 = arith.index_cast %scan3A_199 : i32 to index
      %get3A_209 = arith.constant 16 : index
      %get3A_210 = tpu.vector_load %arg10[%get3A_208, %get3A_209] {strides = array<i32>} : memref<160x128xi32, #tpu.memory_space<vmem>>, vector<1x16xi32>,
      %get3A_211 = vector.shape_cast %get3A_210 : vector<1x16xi32> to vector<16xi32>
      %add3A_212 = vector.broadcast %mul3A_0 : i32 to vector<16xi32>
      %add3A_213 = arith.addi %get3A_211, %add3A_212 : vector<16xi32>
      %swap3A_214 = arith.index_cast %scan3A_199 : i32 to index
      %swap3A_215 = arith.constant 16 : index
      %swap3A_216 = tpu.vector_load %arg10[%swap3A_214, %swap3A_215] {strides = array<i32>} : memref<160x128xi32, #tpu.memory_space<vmem>>, vector<1x16xi32>,
      %swap3A_217 = vector.shape_cast %swap3A_216 : vector<1x16xi32> to vector<16xi32>
      %swap3A_218 = vector.shape_cast %add3A_213 : vector<16xi32> to vector<1x16xi32>
      tpu.vector_store %arg10[%swap3A_214, %swap3A_215], %swap3A_218 {strides = array<i32>} : memref<160x128xi32, #tpu.memory_space<vmem>>, vector<1x16xi32>,
      %get3A_219 = arith.index_cast %scan3A_199 : i32 to index
      %get3A_220 = arith.constant 32 : index
      %get3A_221 = tpu.vector_load %arg10[%get3A_219, %get3A_220] {strides = array<i32>} : memref<160x128xi32, #tpu.memory_space<vmem>>, vector<1x16xi32>,
      %get3A_222 = vector.shape_cast %get3A_221 : vector<1x16xi32> to vector<16xi32>
      %add3A_223 = vector.broadcast %mul3A_0 : i32 to vector<16xi32>
      %add3A_224 = arith.addi %get3A_222, %add3A_223 : vector<16xi32>
      %swap3A_225 = arith.index_cast %scan3A_199 : i32 to index
      %swap3A_226 = arith.constant 32 : index
      %swap3A_227 = tpu.vector_load %arg10[%swap3A_225, %swap3A_226] {strides = array<i32>} : memref<160x128xi32, #tpu.memory_space<vmem>>, vector<1x16xi32>,
      %swap3A_228 = vector.shape_cast %swap3A_227 : vector<1x16xi32> to vector<16xi32>
      %swap3A_229 = vector.shape_cast %add3A_224 : vector<16xi32> to vector<1x16xi32>
      tpu.vector_store %arg10[%swap3A_225, %swap3A_226], %swap3A_229 {strides = array<i32>} : memref<160x128xi32, #tpu.memory_space<vmem>>, vector<1x16xi32>,
      %get3A_230 = arith.index_cast %scan3A_199 : i32 to index
      %get3A_231 = arith.constant 48 : index
      %get3A_232 = tpu.vector_load %arg10[%get3A_230, %get3A_231] {strides = array<i32>} : memref<160x128xi32, #tpu.memory_space<vmem>>, vector<1x16xi32>,
      %get3A_233 = vector.shape_cast %get3A_232 : vector<1x16xi32> to vector<16xi32>
      %add3A_234 = vector.broadcast %mul3A_0 : i32 to vector<16xi32>
      %add3A_235 = arith.addi %get3A_233, %add3A_234 : vector<16xi32>
      %swap3A_236 = arith.index_cast %scan3A_199 : i32 to index
      %swap3A_237 = arith.constant 48 : index
      %swap3A_238 = tpu.vector_load %arg10[%swap3A_236, %swap3A_237] {strides = array<i32>} : memref<160x128xi32, #tpu.memory_space<vmem>>, vector<1x16xi32>,
      %swap3A_239 = vector.shape_cast %swap3A_238 : vector<1x16xi32> to vector<16xi32>
      %swap3A_240 = vector.shape_cast %add3A_235 : vector<16xi32> to vector<1x16xi32>
      tpu.vector_store %arg10[%swap3A_236, %swap3A_237], %swap3A_240 {strides = array<i32>} : memref<160x128xi32, #tpu.memory_space<vmem>>, vector<1x16xi32>,
      %get3A_241 = arith.index_cast %scan3A_199 : i32 to index
      %get3A_242 = arith.constant 64 : index
      %get3A_243 = tpu.vector_load %arg10[%get3A_241, %get3A_242] {strides = array<i32>} : memref<160x128xi32, #tpu.memory_space<vmem>>, vector<1x16xi32>,
      %get3A_244 = vector.shape_cast %get3A_243 : vector<1x16xi32> to vector<16xi32>
      %add3A_245 = vector.broadcast %mul3A_0 : i32 to vector<16xi32>
      %add3A_246 = arith.addi %get3A_244, %add3A_245 : vector<16xi32>
      %swap3A_247 = arith.index_cast %scan3A_199 : i32 to index
      %swap3A_248 = arith.constant 64 : index
      %swap3A_249 = tpu.vector_load %arg10[%swap3A_247, %swap3A_248] {strides = array<i32>} : memref<160x128xi32, #tpu.memory_space<vmem>>, vector<1x16xi32>,
      %swap3A_250 = vector.shape_cast %swap3A_249 : vector<1x16xi32> to vector<16xi32>
      %swap3A_251 = vector.shape_cast %add3A_246 : vector<16xi32> to vector<1x16xi32>
      tpu.vector_store %arg10[%swap3A_247, %swap3A_248], %swap3A_251 {strides = array<i32>} : memref<160x128xi32, #tpu.memory_space<vmem>>, vector<1x16xi32>,
      %get3A_252 = arith.index_cast %scan3A_199 : i32 to index
      %get3A_253 = arith.constant 80 : index
      %get3A_254 = tpu.vector_load %arg10[%get3A_252, %get3A_253] {strides = array<i32>} : memref<160x128xi32, #tpu.memory_space<vmem>>, vector<1x16xi32>,
      %get3A_255 = vector.shape_cast %get3A_254 : vector<1x16xi32> to vector<16xi32>
      %add3A_256 = vector.broadcast %mul3A_0 : i32 to vector<16xi32>
      %add3A_257 = arith.addi %get3A_255, %add3A_256 : vector<16xi32>
      %swap3A_258 = arith.index_cast %scan3A_199 : i32 to index
      %swap3A_259 = arith.constant 80 : index
      %swap3A_260 = tpu.vector_load %arg10[%swap3A_258, %swap3A_259] {strides = array<i32>} : memref<160x128xi32, #tpu.memory_space<vmem>>, vector<1x16xi32>,
      %swap3A_261 = vector.shape_cast %swap3A_260 : vector<1x16xi32> to vector<16xi32>
      %swap3A_262 = vector.shape_cast %add3A_257 : vector<16xi32> to vector<1x16xi32>
      tpu.vector_store %arg10[%swap3A_258, %swap3A_259], %swap3A_262 {strides = array<i32>} : memref<160x128xi32, #tpu.memory_space<vmem>>, vector<1x16xi32>,
      %get3A_263 = arith.index_cast %scan3A_199 : i32 to index
      %get3A_264 = arith.constant 96 : index
      %get3A_265 = tpu.vector_load %arg10[%get3A_263, %get3A_264] {strides = array<i32>} : memref<160x128xi32, #tpu.memory_space<vmem>>, vector<1x16xi32>,
      %get3A_266 = vector.shape_cast %get3A_265 : vector<1x16xi32> to vector<16xi32>
      %add3A_267 = vector.broadcast %mul3A_0 : i32 to vector<16xi32>
      %add3A_268 = arith.addi %get3A_266, %add3A_267 : vector<16xi32>
      %swap3A_269 = arith.index_cast %scan3A_199 : i32 to index
      %swap3A_270 = arith.constant 96 : index
      %swap3A_271 = tpu.vector_load %arg10[%swap3A_269, %swap3A_270] {strides = array<i32>} : memref<160x128xi32, #tpu.memory_space<vmem>>, vector<1x16xi32>,
      %swap3A_272 = vector.shape_cast %swap3A_271 : vector<1x16xi32> to vector<16xi32>
      %swap3A_273 = vector.shape_cast %add3A_268 : vector<16xi32> to vector<1x16xi32>
      tpu.vector_store %arg10[%swap3A_269, %swap3A_270], %swap3A_273 {strides = array<i32>} : memref<160x128xi32, #tpu.memory_space<vmem>>, vector<1x16xi32>,
      %get3A_274 = arith.index_cast %scan3A_199 : i32 to index
      %get3A_275 = arith.constant 112 : index
      %get3A_276 = tpu.vector_load %arg10[%get3A_274, %get3A_275] {strides = array<i32>} : memref<160x128xi32, #tpu.memory_space<vmem>>, vector<1x16xi32>,
      %get3A_277 = vector.shape_cast %get3A_276 : vector<1x16xi32> to vector<16xi32>
      %add3A_278 = vector.broadcast %mul3A_0 : i32 to vector<16xi32>
      %add3A_279 = arith.addi %get3A_277, %add3A_278 : vector<16xi32>
      %swap3A_280 = arith.index_cast %scan3A_199 : i32 to index
      %swap3A_281 = arith.constant 112 : index
      %swap3A_282 = tpu.vector_load %arg10[%swap3A_280, %swap3A_281] {strides = array<i32>} : memref<160x128xi32, #tpu.memory_space<vmem>>, vector<1x16xi32>,
      %swap3A_283 = vector.shape_cast %swap3A_282 : vector<1x16xi32> to vector<16xi32>
      %swap3A_284 = vector.shape_cast %add3A_279 : vector<16xi32> to vector<1x16xi32>
      tpu.vector_store %arg10[%swap3A_280, %swap3A_281], %swap3A_284 {strides = array<i32>} : memref<160x128xi32, #tpu.memory_space<vmem>>, vector<1x16xi32>,
    }
    %scan3A_9 = arith.constant 160 : i32
    %lt3A = arith.constant 15 : i32
    %lt3A_10 = arith.cmpi slt, %arg1, %lt3A : i32
    %convert_element_type3A = arith.extui %lt3A_10 : i1 to i32
    %cond3A = arith.constant 0 : i32
    %cond3A_11 = arith.cmpi ne, %convert_element_type3A, %cond3A : i32
    scf.if %cond3A_11 {
      %mul3A_199 = arith.constant 640 : i32
      %mul3A_200 = arith.muli %arg1, %mul3A_199 : i32
      %mul3A_201 = arith.constant 640 : i32
      %mul3A_202 = arith.muli %arg1, %mul3A_201 : i32
      "tpu.region"() ({
        %run_scoped3A = tpu.sem_alloc : memref<!tpu.dma_semaphore, #tpu.memory_space<semaphore_mem>>
        %dma_start3A_203 = arith.constant 0 : i32
        %dma_start3A_204 = tpu.memref_slice %arg16[%mul3A_202, %dma_start3A_203] : memref<10016x64xf32, #tpu.memory_space<vmem_shared>> -> memref<640x64xf32, #tpu.memory_space<vmem_shared>>
        %dma_start3A_205 = arith.constant 0 : i32
        %dma_start3A_206 = tpu.memref_slice %arg5[%mul3A_200, %dma_start3A_205] : memref<10016x64xf32, #tpu.memory_space<hbm>> -> memref<640x64xf32, #tpu.memory_space<hbm>>
        tpu.enqueue_dma source(%dma_start3A_206 : memref<640x64xf32, #tpu.memory_space<hbm>>) target(%dma_start3A_204 : memref<640x64xf32, #tpu.memory_space<vmem_shared>>) target_semaphore(%run_scoped3A : memref<!tpu.dma_semaphore, #tpu.memory_space<semaphore_mem>>)
        %dma_wait3A = arith.constant 0 : i32
        %dma_wait3A_207 = tpu.memref_slice %arg16[%mul3A_202, %dma_wait3A] : memref<10016x64xf32, #tpu.memory_space<vmem_shared>> -> memref<640x64xf32, #tpu.memory_space<vmem_shared>>
        %dma_wait3A_208 = arith.constant 0 : i32
        %dma_wait3A_209 = tpu.memref_slice %arg5[%mul3A_200, %dma_wait3A_208] : memref<10016x64xf32, #tpu.memory_space<hbm>> -> memref<640x64xf32, #tpu.memory_space<hbm>>
        tpu.wait_dma2 semaphore(%run_scoped3A : memref<!tpu.dma_semaphore, #tpu.memory_space<semaphore_mem>>) src(%dma_wait3A_209 : memref<640x64xf32, #tpu.memory_space<hbm>>) dst(%dma_wait3A_207 : memref<640x64xf32, #tpu.memory_space<vmem_shared>>)
        tpu.yield
      }) : () -> ()
    } else {
    }
    %eq3A = arith.constant 15 : i32
    %eq3A_12 = arith.cmpi eq, %arg1, %eq3A : i32
    %convert_element_type3A_13 = arith.extui %eq3A_12 : i1 to i32
    %cond3A_14 = arith.constant 0 : i32
    %cond3A_15 = arith.cmpi ne, %convert_element_type3A_13, %cond3A_14 : i32
    scf.if %cond3A_15 {
      "tpu.region"() ({
        %run_scoped3A = tpu.sem_alloc : memref<!tpu.dma_semaphore, #tpu.memory_space<semaphore_mem>>
        %dma_start3A_199 = arith.constant 9600 : i32
        %dma_start3A_200 = arith.constant 0 : i32
        %dma_start3A_201 = tpu.memref_slice %arg16[%dma_start3A_199, %dma_start3A_200] : memref<10016x64xf32, #tpu.memory_space<vmem_shared>> -> memref<416x64xf32, #tpu.memory_space<vmem_shared>>
        %dma_start3A_202 = arith.constant 9600 : i32
        %dma_start3A_203 = arith.constant 0 : i32
        %dma_start3A_204 = tpu.memref_slice %arg5[%dma_start3A_202, %dma_start3A_203] : memref<10016x64xf32, #tpu.memory_space<hbm>> -> memref<416x64xf32, #tpu.memory_space<hbm>>
        tpu.enqueue_dma source(%dma_start3A_204 : memref<416x64xf32, #tpu.memory_space<hbm>>) target(%dma_start3A_201 : memref<416x64xf32, #tpu.memory_space<vmem_shared>>) target_semaphore(%run_scoped3A : memref<!tpu.dma_semaphore, #tpu.memory_space<semaphore_mem>>)
        %dma_wait3A = arith.constant 9600 : i32
        %dma_wait3A_205 = arith.constant 0 : i32
        %dma_wait3A_206 = tpu.memref_slice %arg16[%dma_wait3A, %dma_wait3A_205] : memref<10016x64xf32, #tpu.memory_space<vmem_shared>> -> memref<416x64xf32, #tpu.memory_space<vmem_shared>>
        %dma_wait3A_207 = arith.constant 9600 : i32
        %dma_wait3A_208 = arith.constant 0 : i32
        %dma_wait3A_209 = tpu.memref_slice %arg5[%dma_wait3A_207, %dma_wait3A_208] : memref<10016x64xf32, #tpu.memory_space<hbm>> -> memref<416x64xf32, #tpu.memory_space<hbm>>
        tpu.wait_dma2 semaphore(%run_scoped3A : memref<!tpu.dma_semaphore, #tpu.memory_space<semaphore_mem>>) src(%dma_wait3A_209 : memref<416x64xf32, #tpu.memory_space<hbm>>) dst(%dma_wait3A_206 : memref<416x64xf32, #tpu.memory_space<vmem_shared>>)
        tpu.yield
      }) : () -> ()
    } else {
    }
    %barrier3A = arith.constant 0 : index
    tpu.barrier barrier_id(%barrier3A)
    %dma_start3A = arith.constant 0 : i32
    %dma_start3A_16 = arith.constant 0 : i32
    %dma_start3A_17 = tpu.memref_slice %arg10[%dma_start3A, %dma_start3A_16] : memref<160x128xi32, #tpu.memory_space<vmem>> -> memref<1x128xi32, #tpu.memory_space<vmem>>
    %dma_start3A_18 = tpu.memref_squeeze %dma_start3A_17 : memref<1x128xi32, #tpu.memory_space<vmem>> -> memref<128xi32, #tpu.memory_space<vmem>>
    %dma_start3A_19 = arith.constant 0 : i32
    %dma_start3A_20 = arith.constant 0 : i32
    %dma_start3A_21 = tpu.memref_slice %arg4[%dma_start3A_19, %dma_start3A_20] : memref<20000x64xf32, #tpu.memory_space<hbm>> -> memref<20000x64xf32, #tpu.memory_space<hbm>>
    tpu.enqueue_indirect_dma source(%dma_start3A_21 : memref<20000x64xf32, #tpu.memory_space<hbm>>) target(%arg12 : memref<128x64xf32, #tpu.memory_space<vmem>>) offsets(%dma_start3A_18 : memref<128xi32, #tpu.memory_space<vmem>>) semaphore(%arg17 : memref<!tpu.dma_semaphore, #tpu.memory_space<semaphore_mem>>)
    %dma_start3A_22 = arith.constant 1 : i32
    %dma_start3A_23 = arith.constant 0 : i32
    %dma_start3A_24 = tpu.memref_slice %arg10[%dma_start3A_22, %dma_start3A_23] : memref<160x128xi32, #tpu.memory_space<vmem>> -> memref<1x128xi32, #tpu.memory_space<vmem>>
    %dma_start3A_25 = tpu.memref_squeeze %dma_start3A_24 : memref<1x128xi32, #tpu.memory_space<vmem>> -> memref<128xi32, #tpu.memory_space<vmem>>
    %dma_start3A_26 = arith.constant 0 : i32
    %dma_start3A_27 = arith.constant 0 : i32
    %dma_start3A_28 = tpu.memref_slice %arg4[%dma_start3A_26, %dma_start3A_27] : memref<20000x64xf32, #tpu.memory_space<hbm>> -> memref<20000x64xf32, #tpu.memory_space<hbm>>
    tpu.enqueue_indirect_dma source(%dma_start3A_28 : memref<20000x64xf32, #tpu.memory_space<hbm>>) target(%arg13 : memref<128x64xf32, #tpu.memory_space<vmem>>) offsets(%dma_start3A_25 : memref<128xi32, #tpu.memory_space<vmem>>) semaphore(%arg18 : memref<!tpu.dma_semaphore, #tpu.memory_space<semaphore_mem>>)
    %dma_start3A_29 = arith.constant 2 : i32
    %dma_start3A_30 = arith.constant 0 : i32
    %dma_start3A_31 = tpu.memref_slice %arg10[%dma_start3A_29, %dma_start3A_30] : memref<160x128xi32, #tpu.memory_space<vmem>> -> memref<1x128xi32, #tpu.memory_space<vmem>>
    %dma_start3A_32 = tpu.memref_squeeze %dma_start3A_31 : memref<1x128xi32, #tpu.memory_space<vmem>> -> memref<128xi32, #tpu.memory_space<vmem>>
    %dma_start3A_33 = arith.constant 0 : i32
    %dma_start3A_34 = arith.constant 0 : i32
    %dma_start3A_35 = tpu.memref_slice %arg4[%dma_start3A_33, %dma_start3A_34] : memref<20000x64xf32, #tpu.memory_space<hbm>> -> memref<20000x64xf32, #tpu.memory_space<hbm>>
    tpu.enqueue_indirect_dma source(%dma_start3A_35 : memref<20000x64xf32, #tpu.memory_space<hbm>>) target(%arg14 : memref<128x64xf32, #tpu.memory_space<vmem>>) offsets(%dma_start3A_32 : memref<128xi32, #tpu.memory_space<vmem>>) semaphore(%arg19 : memref<!tpu.dma_semaphore, #tpu.memory_space<semaphore_mem>>)
    %dma_start3A_36 = arith.constant 3 : i32
    %dma_start3A_37 = arith.constant 0 : i32
    %dma_start3A_38 = tpu.memref_slice %arg10[%dma_start3A_36, %dma_start3A_37] : memref<160x128xi32, #tpu.memory_space<vmem>> -> memref<1x128xi32, #tpu.memory_space<vmem>>
    %dma_start3A_39 = tpu.memref_squeeze %dma_start3A_38 : memref<1x128xi32, #tpu.memory_space<vmem>> -> memref<128xi32, #tpu.memory_space<vmem>>
    %dma_start3A_40 = arith.constant 0 : i32
    %dma_start3A_41 = arith.constant 0 : i32
    %dma_start3A_42 = tpu.memref_slice %arg4[%dma_start3A_40, %dma_start3A_41] : memref<20000x64xf32, #tpu.memory_space<hbm>> -> memref<20000x64xf32, #tpu.memory_space<hbm>>
    tpu.enqueue_indirect_dma source(%dma_start3A_42 : memref<20000x64xf32, #tpu.memory_space<hbm>>) target(%arg15 : memref<128x64xf32, #tpu.memory_space<vmem>>) offsets(%dma_start3A_39 : memref<128xi32, #tpu.memory_space<vmem>>) semaphore(%arg20 : memref<!tpu.dma_semaphore, #tpu.memory_space<semaphore_mem>>)
    %scan3A_43 = arith.constant 0 : i32
    %scan3A_44 = arith.constant 0 : i32
    %scan3A_45 = arith.constant 40 : i32
    %scan3A_46 = arith.addi %scan3A_44, %scan3A_45 : i32
    %scan3A_47 = arith.constant 1 : i32
    scf.for %scan3A_199 = %scan3A_44 to %scan3A_46 step %scan3A_47  : i32 {
      %mul3A_200 = arith.constant 4 : i32
      %mul3A_201 = arith.muli %scan3A_199, %mul3A_200 : i32
      %add3A = arith.constant 0 : i32
      %add3A_202 = arith.addi %mul3A_201, %add3A : i32
      %dma_wait3A = arith.constant 0 : i32
      %dma_wait3A_203 = tpu.memref_slice %arg10[%add3A_202, %dma_wait3A] : memref<160x128xi32, #tpu.memory_space<vmem>> -> memref<1x128xi32, #tpu.memory_space<vmem>>
      %dma_wait3A_204 = tpu.memref_squeeze %dma_wait3A_203 : memref<1x128xi32, #tpu.memory_space<vmem>> -> memref<128xi32, #tpu.memory_space<vmem>>
      %dma_wait3A_205 = arith.constant 0 : i32
      %dma_wait3A_206 = arith.constant 0 : i32
      %dma_wait3A_207 = tpu.memref_slice %arg4[%dma_wait3A_205, %dma_wait3A_206] : memref<20000x64xf32, #tpu.memory_space<hbm>> -> memref<20000x64xf32, #tpu.memory_space<hbm>>
      tpu.wait_indirect_dma semaphore(%arg17 : memref<!tpu.dma_semaphore, #tpu.memory_space<semaphore_mem>>) src(%dma_wait3A_207 : memref<20000x64xf32, #tpu.memory_space<hbm>>) dst(%arg12 : memref<128x64xf32, #tpu.memory_space<vmem>>)
      "tpu.region"() ({
        %run_scoped3A = tpu.sem_alloc : memref<!tpu.dma_semaphore, #tpu.memory_space<semaphore_mem>>
        %dma_start3A_258 = arith.constant 0 : i32
        %dma_start3A_259 = tpu.memref_slice %arg11[%add3A_202, %dma_start3A_258] : memref<160x128xi32, #tpu.memory_space<vmem>> -> memref<1x128xi32, #tpu.memory_space<vmem>>
        %dma_start3A_260 = tpu.memref_squeeze %dma_start3A_259 : memref<1x128xi32, #tpu.memory_space<vmem>> -> memref<128xi32, #tpu.memory_space<vmem>>
        %dma_start3A_261 = arith.constant 0 : i32
        %dma_start3A_262 = arith.constant 0 : i32
        %dma_start3A_263 = tpu.memref_slice %arg16[%dma_start3A_261, %dma_start3A_262] : memref<10016x64xf32, #tpu.memory_space<vmem_shared>> -> memref<10016x64xf32, #tpu.memory_space<vmem_shared>>
        tpu.enqueue_indirect_dma source(%arg12 : memref<128x64xf32, #tpu.memory_space<vmem>>) target(%dma_start3A_263 : memref<10016x64xf32, #tpu.memory_space<vmem_shared>>) offsets(%dma_start3A_260 : memref<128xi32, #tpu.memory_space<vmem>>) semaphore(%run_scoped3A : memref<!tpu.dma_semaphore, #tpu.memory_space<semaphore_mem>>) {add = true}
        %dma_wait3A_264 = arith.constant 0 : i32
        %dma_wait3A_265 = tpu.memref_slice %arg11[%add3A_202, %dma_wait3A_264] : memref<160x128xi32, #tpu.memory_space<vmem>> -> memref<1x128xi32, #tpu.memory_space<vmem>>
        %dma_wait3A_266 = tpu.memref_squeeze %dma_wait3A_265 : memref<1x128xi32, #tpu.memory_space<vmem>> -> memref<128xi32, #tpu.memory_space<vmem>>
        %dma_wait3A_267 = arith.constant 0 : i32
        %dma_wait3A_268 = arith.constant 0 : i32
        %dma_wait3A_269 = tpu.memref_slice %arg16[%dma_wait3A_267, %dma_wait3A_268] : memref<10016x64xf32, #tpu.memory_space<vmem_shared>> -> memref<10016x64xf32, #tpu.memory_space<vmem_shared>>
        tpu.wait_indirect_dma semaphore(%run_scoped3A : memref<!tpu.dma_semaphore, #tpu.memory_space<semaphore_mem>>) src(%arg12 : memref<128x64xf32, #tpu.memory_space<vmem>>) dst(%dma_wait3A_269 : memref<10016x64xf32, #tpu.memory_space<vmem_shared>>)
        tpu.yield
      }) : () -> ()
      %lt3A_208 = arith.constant 156 : i32
      %lt3A_209 = arith.cmpi slt, %add3A_202, %lt3A_208 : i32
      %convert_element_type3A_210 = arith.extui %lt3A_209 : i1 to i32
      %cond3A_211 = arith.constant 0 : i32
      %cond3A_212 = arith.cmpi ne, %convert_element_type3A_210, %cond3A_211 : i32
      scf.if %cond3A_212 {
        %add3A_258 = arith.constant 4 : i32
        %add3A_259 = arith.addi %add3A_202, %add3A_258 : i32
        %dma_start3A_260 = arith.constant 0 : i32
        %dma_start3A_261 = tpu.memref_slice %arg10[%add3A_259, %dma_start3A_260] : memref<160x128xi32, #tpu.memory_space<vmem>> -> memref<1x128xi32, #tpu.memory_space<vmem>>
        %dma_start3A_262 = tpu.memref_squeeze %dma_start3A_261 : memref<1x128xi32, #tpu.memory_space<vmem>> -> memref<128xi32, #tpu.memory_space<vmem>>
        %dma_start3A_263 = arith.constant 0 : i32
        %dma_start3A_264 = arith.constant 0 : i32
        %dma_start3A_265 = tpu.memref_slice %arg4[%dma_start3A_263, %dma_start3A_264] : memref<20000x64xf32, #tpu.memory_space<hbm>> -> memref<20000x64xf32, #tpu.memory_space<hbm>>
        tpu.enqueue_indirect_dma source(%dma_start3A_265 : memref<20000x64xf32, #tpu.memory_space<hbm>>) target(%arg12 : memref<128x64xf32, #tpu.memory_space<vmem>>) offsets(%dma_start3A_262 : memref<128xi32, #tpu.memory_space<vmem>>) semaphore(%arg17 : memref<!tpu.dma_semaphore, #tpu.memory_space<semaphore_mem>>)
      } else {
      }
      %mul3A_213 = arith.constant 4 : i32
      %mul3A_214 = arith.muli %scan3A_199, %mul3A_213 : i32
      %add3A_215 = arith.constant 1 : i32
      %add3A_216 = arith.addi %mul3A_214, %add3A_215 : i32
      %dma_wait3A_217 = arith.constant 0 : i32
      %dma_wait3A_218 = tpu.memref_slice %arg10[%add3A_216, %dma_wait3A_217] : memref<160x128xi32, #tpu.memory_space<vmem>> -> memref<1x128xi32, #tpu.memory_space<vmem>>
      %dma_wait3A_219 = tpu.memref_squeeze %dma_wait3A_218 : memref<1x128xi32, #tpu.memory_space<vmem>> -> memref<128xi32, #tpu.memory_space<vmem>>
      %dma_wait3A_220 = arith.constant 0 : i32
      %dma_wait3A_221 = arith.constant 0 : i32
      %dma_wait3A_222 = tpu.memref_slice %arg4[%dma_wait3A_220, %dma_wait3A_221] : memref<20000x64xf32, #tpu.memory_space<hbm>> -> memref<20000x64xf32, #tpu.memory_space<hbm>>
      tpu.wait_indirect_dma semaphore(%arg18 : memref<!tpu.dma_semaphore, #tpu.memory_space<semaphore_mem>>) src(%dma_wait3A_222 : memref<20000x64xf32, #tpu.memory_space<hbm>>) dst(%arg13 : memref<128x64xf32, #tpu.memory_space<vmem>>)
      "tpu.region"() ({
        %run_scoped3A = tpu.sem_alloc : memref<!tpu.dma_semaphore, #tpu.memory_space<semaphore_mem>>
        %dma_start3A_258 = arith.constant 0 : i32
        %dma_start3A_259 = tpu.memref_slice %arg11[%add3A_216, %dma_start3A_258] : memref<160x128xi32, #tpu.memory_space<vmem>> -> memref<1x128xi32, #tpu.memory_space<vmem>>
        %dma_start3A_260 = tpu.memref_squeeze %dma_start3A_259 : memref<1x128xi32, #tpu.memory_space<vmem>> -> memref<128xi32, #tpu.memory_space<vmem>>
        %dma_start3A_261 = arith.constant 0 : i32
        %dma_start3A_262 = arith.constant 0 : i32
        %dma_start3A_263 = tpu.memref_slice %arg16[%dma_start3A_261, %dma_start3A_262] : memref<10016x64xf32, #tpu.memory_space<vmem_shared>> -> memref<10016x64xf32, #tpu.memory_space<vmem_shared>>
        tpu.enqueue_indirect_dma source(%arg13 : memref<128x64xf32, #tpu.memory_space<vmem>>) target(%dma_start3A_263 : memref<10016x64xf32, #tpu.memory_space<vmem_shared>>) offsets(%dma_start3A_260 : memref<128xi32, #tpu.memory_space<vmem>>) semaphore(%run_scoped3A : memref<!tpu.dma_semaphore, #tpu.memory_space<semaphore_mem>>) {add = true}
        %dma_wait3A_264 = arith.constant 0 : i32
        %dma_wait3A_265 = tpu.memref_slice %arg11[%add3A_216, %dma_wait3A_264] : memref<160x128xi32, #tpu.memory_space<vmem>> -> memref<1x128xi32, #tpu.memory_space<vmem>>
        %dma_wait3A_266 = tpu.memref_squeeze %dma_wait3A_265 : memref<1x128xi32, #tpu.memory_space<vmem>> -> memref<128xi32, #tpu.memory_space<vmem>>
        %dma_wait3A_267 = arith.constant 0 : i32
        %dma_wait3A_268 = arith.constant 0 : i32
        %dma_wait3A_269 = tpu.memref_slice %arg16[%dma_wait3A_267, %dma_wait3A_268] : memref<10016x64xf32, #tpu.memory_space<vmem_shared>> -> memref<10016x64xf32, #tpu.memory_space<vmem_shared>>
        tpu.wait_indirect_dma semaphore(%run_scoped3A : memref<!tpu.dma_semaphore, #tpu.memory_space<semaphore_mem>>) src(%arg13 : memref<128x64xf32, #tpu.memory_space<vmem>>) dst(%dma_wait3A_269 : memref<10016x64xf32, #tpu.memory_space<vmem_shared>>)
        tpu.yield
      }) : () -> ()
      %lt3A_223 = arith.constant 156 : i32
      %lt3A_224 = arith.cmpi slt, %add3A_216, %lt3A_223 : i32
      %convert_element_type3A_225 = arith.extui %lt3A_224 : i1 to i32
      %cond3A_226 = arith.constant 0 : i32
      %cond3A_227 = arith.cmpi ne, %convert_element_type3A_225, %cond3A_226 : i32
      scf.if %cond3A_227 {
        %add3A_258 = arith.constant 4 : i32
        %add3A_259 = arith.addi %add3A_216, %add3A_258 : i32
        %dma_start3A_260 = arith.constant 0 : i32
        %dma_start3A_261 = tpu.memref_slice %arg10[%add3A_259, %dma_start3A_260] : memref<160x128xi32, #tpu.memory_space<vmem>> -> memref<1x128xi32, #tpu.memory_space<vmem>>
        %dma_start3A_262 = tpu.memref_squeeze %dma_start3A_261 : memref<1x128xi32, #tpu.memory_space<vmem>> -> memref<128xi32, #tpu.memory_space<vmem>>
        %dma_start3A_263 = arith.constant 0 : i32
        %dma_start3A_264 = arith.constant 0 : i32
        %dma_start3A_265 = tpu.memref_slice %arg4[%dma_start3A_263, %dma_start3A_264] : memref<20000x64xf32, #tpu.memory_space<hbm>> -> memref<20000x64xf32, #tpu.memory_space<hbm>>
        tpu.enqueue_indirect_dma source(%dma_start3A_265 : memref<20000x64xf32, #tpu.memory_space<hbm>>) target(%arg13 : memref<128x64xf32, #tpu.memory_space<vmem>>) offsets(%dma_start3A_262 : memref<128xi32, #tpu.memory_space<vmem>>) semaphore(%arg18 : memref<!tpu.dma_semaphore, #tpu.memory_space<semaphore_mem>>)
      } else {
      }
      %mul3A_228 = arith.constant 4 : i32
      %mul3A_229 = arith.muli %scan3A_199, %mul3A_228 : i32
      %add3A_230 = arith.constant 2 : i32
      %add3A_231 = arith.addi %mul3A_229, %add3A_230 : i32
      %dma_wait3A_232 = arith.constant 0 : i32
      %dma_wait3A_233 = tpu.memref_slice %arg10[%add3A_231, %dma_wait3A_232] : memref<160x128xi32, #tpu.memory_space<vmem>> -> memref<1x128xi32, #tpu.memory_space<vmem>>
      %dma_wait3A_234 = tpu.memref_squeeze %dma_wait3A_233 : memref<1x128xi32, #tpu.memory_space<vmem>> -> memref<128xi32, #tpu.memory_space<vmem>>
      %dma_wait3A_235 = arith.constant 0 : i32
      %dma_wait3A_236 = arith.constant 0 : i32
      %dma_wait3A_237 = tpu.memref_slice %arg4[%dma_wait3A_235, %dma_wait3A_236] : memref<20000x64xf32, #tpu.memory_space<hbm>> -> memref<20000x64xf32, #tpu.memory_space<hbm>>
      tpu.wait_indirect_dma semaphore(%arg19 : memref<!tpu.dma_semaphore, #tpu.memory_space<semaphore_mem>>) src(%dma_wait3A_237 : memref<20000x64xf32, #tpu.memory_space<hbm>>) dst(%arg14 : memref<128x64xf32, #tpu.memory_space<vmem>>)
      "tpu.region"() ({
        %run_scoped3A = tpu.sem_alloc : memref<!tpu.dma_semaphore, #tpu.memory_space<semaphore_mem>>
        %dma_start3A_258 = arith.constant 0 : i32
        %dma_start3A_259 = tpu.memref_slice %arg11[%add3A_231, %dma_start3A_258] : memref<160x128xi32, #tpu.memory_space<vmem>> -> memref<1x128xi32, #tpu.memory_space<vmem>>
        %dma_start3A_260 = tpu.memref_squeeze %dma_start3A_259 : memref<1x128xi32, #tpu.memory_space<vmem>> -> memref<128xi32, #tpu.memory_space<vmem>>
        %dma_start3A_261 = arith.constant 0 : i32
        %dma_start3A_262 = arith.constant 0 : i32
        %dma_start3A_263 = tpu.memref_slice %arg16[%dma_start3A_261, %dma_start3A_262] : memref<10016x64xf32, #tpu.memory_space<vmem_shared>> -> memref<10016x64xf32, #tpu.memory_space<vmem_shared>>
        tpu.enqueue_indirect_dma source(%arg14 : memref<128x64xf32, #tpu.memory_space<vmem>>) target(%dma_start3A_263 : memref<10016x64xf32, #tpu.memory_space<vmem_shared>>) offsets(%dma_start3A_260 : memref<128xi32, #tpu.memory_space<vmem>>) semaphore(%run_scoped3A : memref<!tpu.dma_semaphore, #tpu.memory_space<semaphore_mem>>) {add = true}
        %dma_wait3A_264 = arith.constant 0 : i32
        %dma_wait3A_265 = tpu.memref_slice %arg11[%add3A_231, %dma_wait3A_264] : memref<160x128xi32, #tpu.memory_space<vmem>> -> memref<1x128xi32, #tpu.memory_space<vmem>>
        %dma_wait3A_266 = tpu.memref_squeeze %dma_wait3A_265 : memref<1x128xi32, #tpu.memory_space<vmem>> -> memref<128xi32, #tpu.memory_space<vmem>>
        %dma_wait3A_267 = arith.constant 0 : i32
        %dma_wait3A_268 = arith.constant 0 : i32
        %dma_wait3A_269 = tpu.memref_slice %arg16[%dma_wait3A_267, %dma_wait3A_268] : memref<10016x64xf32, #tpu.memory_space<vmem_shared>> -> memref<10016x64xf32, #tpu.memory_space<vmem_shared>>
        tpu.wait_indirect_dma semaphore(%run_scoped3A : memref<!tpu.dma_semaphore, #tpu.memory_space<semaphore_mem>>) src(%arg14 : memref<128x64xf32, #tpu.memory_space<vmem>>) dst(%dma_wait3A_269 : memref<10016x64xf32, #tpu.memory_space<vmem_shared>>)
        tpu.yield
      }) : () -> ()
      %lt3A_238 = arith.constant 156 : i32
      %lt3A_239 = arith.cmpi slt, %add3A_231, %lt3A_238 : i32
      %convert_element_type3A_240 = arith.extui %lt3A_239 : i1 to i32
      %cond3A_241 = arith.constant 0 : i32
      %cond3A_242 = arith.cmpi ne, %convert_element_type3A_240, %cond3A_241 : i32
      scf.if %cond3A_242 {
        %add3A_258 = arith.constant 4 : i32
        %add3A_259 = arith.addi %add3A_231, %add3A_258 : i32
        %dma_start3A_260 = arith.constant 0 : i32
        %dma_start3A_261 = tpu.memref_slice %arg10[%add3A_259, %dma_start3A_260] : memref<160x128xi32, #tpu.memory_space<vmem>> -> memref<1x128xi32, #tpu.memory_space<vmem>>
        %dma_start3A_262 = tpu.memref_squeeze %dma_start3A_261 : memref<1x128xi32, #tpu.memory_space<vmem>> -> memref<128xi32, #tpu.memory_space<vmem>>
        %dma_start3A_263 = arith.constant 0 : i32
        %dma_start3A_264 = arith.constant 0 : i32
        %dma_start3A_265 = tpu.memref_slice %arg4[%dma_start3A_263, %dma_start3A_264] : memref<20000x64xf32, #tpu.memory_space<hbm>> -> memref<20000x64xf32, #tpu.memory_space<hbm>>
        tpu.enqueue_indirect_dma source(%dma_start3A_265 : memref<20000x64xf32, #tpu.memory_space<hbm>>) target(%arg14 : memref<128x64xf32, #tpu.memory_space<vmem>>) offsets(%dma_start3A_262 : memref<128xi32, #tpu.memory_space<vmem>>) semaphore(%arg19 : memref<!tpu.dma_semaphore, #tpu.memory_space<semaphore_mem>>)
      } else {
      }
      %mul3A_243 = arith.constant 4 : i32
      %mul3A_244 = arith.muli %scan3A_199, %mul3A_243 : i32
      %add3A_245 = arith.constant 3 : i32
      %add3A_246 = arith.addi %mul3A_244, %add3A_245 : i32
      %dma_wait3A_247 = arith.constant 0 : i32
      %dma_wait3A_248 = tpu.memref_slice %arg10[%add3A_246, %dma_wait3A_247] : memref<160x128xi32, #tpu.memory_space<vmem>> -> memref<1x128xi32, #tpu.memory_space<vmem>>
      %dma_wait3A_249 = tpu.memref_squeeze %dma_wait3A_248 : memref<1x128xi32, #tpu.memory_space<vmem>> -> memref<128xi32, #tpu.memory_space<vmem>>
      %dma_wait3A_250 = arith.constant 0 : i32
      %dma_wait3A_251 = arith.constant 0 : i32
      %dma_wait3A_252 = tpu.memref_slice %arg4[%dma_wait3A_250, %dma_wait3A_251] : memref<20000x64xf32, #tpu.memory_space<hbm>> -> memref<20000x64xf32, #tpu.memory_space<hbm>>
      tpu.wait_indirect_dma semaphore(%arg20 : memref<!tpu.dma_semaphore, #tpu.memory_space<semaphore_mem>>) src(%dma_wait3A_252 : memref<20000x64xf32, #tpu.memory_space<hbm>>) dst(%arg15 : memref<128x64xf32, #tpu.memory_space<vmem>>)
      "tpu.region"() ({
        %run_scoped3A = tpu.sem_alloc : memref<!tpu.dma_semaphore, #tpu.memory_space<semaphore_mem>>
        %dma_start3A_258 = arith.constant 0 : i32
        %dma_start3A_259 = tpu.memref_slice %arg11[%add3A_246, %dma_start3A_258] : memref<160x128xi32, #tpu.memory_space<vmem>> -> memref<1x128xi32, #tpu.memory_space<vmem>>
        %dma_start3A_260 = tpu.memref_squeeze %dma_start3A_259 : memref<1x128xi32, #tpu.memory_space<vmem>> -> memref<128xi32, #tpu.memory_space<vmem>>
        %dma_start3A_261 = arith.constant 0 : i32
        %dma_start3A_262 = arith.constant 0 : i32
        %dma_start3A_263 = tpu.memref_slice %arg16[%dma_start3A_261, %dma_start3A_262] : memref<10016x64xf32, #tpu.memory_space<vmem_shared>> -> memref<10016x64xf32, #tpu.memory_space<vmem_shared>>
        tpu.enqueue_indirect_dma source(%arg15 : memref<128x64xf32, #tpu.memory_space<vmem>>) target(%dma_start3A_263 : memref<10016x64xf32, #tpu.memory_space<vmem_shared>>) offsets(%dma_start3A_260 : memref<128xi32, #tpu.memory_space<vmem>>) semaphore(%run_scoped3A : memref<!tpu.dma_semaphore, #tpu.memory_space<semaphore_mem>>) {add = true}
        %dma_wait3A_264 = arith.constant 0 : i32
        %dma_wait3A_265 = tpu.memref_slice %arg11[%add3A_246, %dma_wait3A_264] : memref<160x128xi32, #tpu.memory_space<vmem>> -> memref<1x128xi32, #tpu.memory_space<vmem>>
        %dma_wait3A_266 = tpu.memref_squeeze %dma_wait3A_265 : memref<1x128xi32, #tpu.memory_space<vmem>> -> memref<128xi32, #tpu.memory_space<vmem>>
        %dma_wait3A_267 = arith.constant 0 : i32
        %dma_wait3A_268 = arith.constant 0 : i32
        %dma_wait3A_269 = tpu.memref_slice %arg16[%dma_wait3A_267, %dma_wait3A_268] : memref<10016x64xf32, #tpu.memory_space<vmem_shared>> -> memref<10016x64xf32, #tpu.memory_space<vmem_shared>>
        tpu.wait_indirect_dma semaphore(%run_scoped3A : memref<!tpu.dma_semaphore, #tpu.memory_space<semaphore_mem>>) src(%arg15 : memref<128x64xf32, #tpu.memory_space<vmem>>) dst(%dma_wait3A_269 : memref<10016x64xf32, #tpu.memory_space<vmem_shared>>)
        tpu.yield
      }) : () -> ()
      %lt3A_253 = arith.constant 156 : i32
      %lt3A_254 = arith.cmpi slt, %add3A_246, %lt3A_253 : i32
      %convert_element_type3A_255 = arith.extui %lt3A_254 : i1 to i32
      %cond3A_256 = arith.constant 0 : i32
      %cond3A_257 = arith.cmpi ne, %convert_element_type3A_255, %cond3A_256 : i32
      scf.if %cond3A_257 {
        %add3A_258 = arith.constant 4 : i32
        %add3A_259 = arith.addi %add3A_246, %add3A_258 : i32
        %dma_start3A_260 = arith.constant 0 : i32
        %dma_start3A_261 = tpu.memref_slice %arg10[%add3A_259, %dma_start3A_260] : memref<160x128xi32, #tpu.memory_space<vmem>> -> memref<1x128xi32, #tpu.memory_space<vmem>>
        %dma_start3A_262 = tpu.memref_squeeze %dma_start3A_261 : memref<1x128xi32, #tpu.memory_space<vmem>> -> memref<128xi32, #tpu.memory_space<vmem>>
        %dma_start3A_263 = arith.constant 0 : i32
        %dma_start3A_264 = arith.constant 0 : i32
        %dma_start3A_265 = tpu.memref_slice %arg4[%dma_start3A_263, %dma_start3A_264] : memref<20000x64xf32, #tpu.memory_space<hbm>> -> memref<20000x64xf32, #tpu.memory_space<hbm>>
        tpu.enqueue_indirect_dma source(%dma_start3A_265 : memref<20000x64xf32, #tpu.memory_space<hbm>>) target(%arg15 : memref<128x64xf32, #tpu.memory_space<vmem>>) offsets(%dma_start3A_262 : memref<128xi32, #tpu.memory_space<vmem>>) semaphore(%arg20 : memref<!tpu.dma_semaphore, #tpu.memory_space<semaphore_mem>>)
      } else {
      }
    }
    %scan3A_48 = arith.constant 40 : i32
    %barrier3A_49 = arith.constant 0 : index
    tpu.barrier barrier_id(%barrier3A_49)
    %lt3A_50 = arith.constant 15 : i32
    %lt3A_51 = arith.cmpi slt, %arg1, %lt3A_50 : i32
    %convert_element_type3A_52 = arith.extui %lt3A_51 : i1 to i32
    %cond3A_53 = arith.constant 0 : i32
    %cond3A_54 = arith.cmpi ne, %convert_element_type3A_52, %cond3A_53 : i32
    scf.if %cond3A_54 {
      %mul3A_199 = arith.constant 640 : i32
      %mul3A_200 = arith.muli %arg1, %mul3A_199 : i32
      %mul3A_201 = arith.constant 640 : i32
      %mul3A_202 = arith.muli %arg1, %mul3A_201 : i32
      %add3A = arith.addi %mul3A_0, %mul3A_202 : i32
      "tpu.region"() ({
        %run_scoped3A = tpu.sem_alloc : memref<!tpu.dma_semaphore, #tpu.memory_space<semaphore_mem>>
        %dma_start3A_207 = arith.constant 0 : i32
        %dma_start3A_208 = tpu.memref_slice %arg6[%add3A, %dma_start3A_207] : memref<20000x64xf32, #tpu.memory_space<hbm>> -> memref<640x64xf32, #tpu.memory_space<hbm>>
        %dma_start3A_209 = arith.constant 0 : i32
        %dma_start3A_210 = tpu.memref_slice %arg16[%mul3A_200, %dma_start3A_209] : memref<10016x64xf32, #tpu.memory_space<vmem_shared>> -> memref<640x64xf32, #tpu.memory_space<vmem_shared>>
        tpu.enqueue_dma source(%dma_start3A_210 : memref<640x64xf32, #tpu.memory_space<vmem_shared>>) target(%dma_start3A_208 : memref<640x64xf32, #tpu.memory_space<hbm>>) target_semaphore(%run_scoped3A : memref<!tpu.dma_semaphore, #tpu.memory_space<semaphore_mem>>)
        %dma_wait3A = arith.constant 0 : i32
        %dma_wait3A_211 = tpu.memref_slice %arg6[%add3A, %dma_wait3A] : memref<20000x64xf32, #tpu.memory_space<hbm>> -> memref<640x64xf32, #tpu.memory_space<hbm>>
        %dma_wait3A_212 = arith.constant 0 : i32
        %dma_wait3A_213 = tpu.memref_slice %arg16[%mul3A_200, %dma_wait3A_212] : memref<10016x64xf32, #tpu.memory_space<vmem_shared>> -> memref<640x64xf32, #tpu.memory_space<vmem_shared>>
        tpu.wait_dma2 semaphore(%run_scoped3A : memref<!tpu.dma_semaphore, #tpu.memory_space<semaphore_mem>>) src(%dma_wait3A_213 : memref<640x64xf32, #tpu.memory_space<vmem_shared>>) dst(%dma_wait3A_211 : memref<640x64xf32, #tpu.memory_space<hbm>>)
        tpu.yield
      }) : () -> ()
      %mul3A_203 = arith.constant 640 : i32
      %mul3A_204 = arith.muli %arg1, %mul3A_203 : i32
      %mul3A_205 = arith.constant 640 : i32
      %mul3A_206 = arith.muli %arg1, %mul3A_205 : i32
      "tpu.region"() ({
        %run_scoped3A = tpu.sem_alloc : memref<!tpu.dma_semaphore, #tpu.memory_space<semaphore_mem>>
        %dma_start3A_207 = arith.constant 0 : i32
        %dma_start3A_208 = tpu.memref_slice %arg16[%mul3A_206, %dma_start3A_207] : memref<10016x64xf32, #tpu.memory_space<vmem_shared>> -> memref<640x64xf32, #tpu.memory_space<vmem_shared>>
        %dma_start3A_209 = arith.constant 0 : i32
        %dma_start3A_210 = tpu.memref_slice %arg5[%mul3A_204, %dma_start3A_209] : memref<10016x64xf32, #tpu.memory_space<hbm>> -> memref<640x64xf32, #tpu.memory_space<hbm>>
        tpu.enqueue_dma source(%dma_start3A_210 : memref<640x64xf32, #tpu.memory_space<hbm>>) target(%dma_start3A_208 : memref<640x64xf32, #tpu.memory_space<vmem_shared>>) target_semaphore(%run_scoped3A : memref<!tpu.dma_semaphore, #tpu.memory_space<semaphore_mem>>)
        %dma_wait3A = arith.constant 0 : i32
        %dma_wait3A_211 = tpu.memref_slice %arg16[%mul3A_206, %dma_wait3A] : memref<10016x64xf32, #tpu.memory_space<vmem_shared>> -> memref<640x64xf32, #tpu.memory_space<vmem_shared>>
        %dma_wait3A_212 = arith.constant 0 : i32
        %dma_wait3A_213 = tpu.memref_slice %arg5[%mul3A_204, %dma_wait3A_212] : memref<10016x64xf32, #tpu.memory_space<hbm>> -> memref<640x64xf32, #tpu.memory_space<hbm>>
        tpu.wait_dma2 semaphore(%run_scoped3A : memref<!tpu.dma_semaphore, #tpu.memory_space<semaphore_mem>>) src(%dma_wait3A_213 : memref<640x64xf32, #tpu.memory_space<hbm>>) dst(%dma_wait3A_211 : memref<640x64xf32, #tpu.memory_space<vmem_shared>>)
        tpu.yield
      }) : () -> ()
    } else {
    }
    %eq3A_55 = arith.constant 15 : i32
    %eq3A_56 = arith.cmpi eq, %arg1, %eq3A_55 : i32
    %convert_element_type3A_57 = arith.extui %eq3A_56 : i1 to i32
    %cond3A_58 = arith.constant 0 : i32
    %cond3A_59 = arith.cmpi ne, %convert_element_type3A_57, %cond3A_58 : i32
    scf.if %cond3A_59 {
      %add3A = arith.constant 9600 : i32
      %add3A_199 = arith.addi %mul3A_0, %add3A : i32
      "tpu.region"() ({
        %run_scoped3A = tpu.sem_alloc : memref<!tpu.dma_semaphore, #tpu.memory_space<semaphore_mem>>
        %dma_start3A_200 = arith.constant 0 : i32
        %dma_start3A_201 = tpu.memref_slice %arg6[%add3A_199, %dma_start3A_200] : memref<20000x64xf32, #tpu.memory_space<hbm>> -> memref<400x64xf32, #tpu.memory_space<hbm>>
        %dma_start3A_202 = arith.constant 9600 : i32
        %dma_start3A_203 = arith.constant 0 : i32
        %dma_start3A_204 = tpu.memref_slice %arg16[%dma_start3A_202, %dma_start3A_203] : memref<10016x64xf32, #tpu.memory_space<vmem_shared>> -> memref<400x64xf32, #tpu.memory_space<vmem_shared>>
        tpu.enqueue_dma source(%dma_start3A_204 : memref<400x64xf32, #tpu.memory_space<vmem_shared>>) target(%dma_start3A_201 : memref<400x64xf32, #tpu.memory_space<hbm>>) target_semaphore(%run_scoped3A : memref<!tpu.dma_semaphore, #tpu.memory_space<semaphore_mem>>)
        %dma_wait3A = arith.constant 0 : i32
        %dma_wait3A_205 = tpu.memref_slice %arg6[%add3A_199, %dma_wait3A] : memref<20000x64xf32, #tpu.memory_space<hbm>> -> memref<400x64xf32, #tpu.memory_space<hbm>>
        %dma_wait3A_206 = arith.constant 9600 : i32
        %dma_wait3A_207 = arith.constant 0 : i32
        %dma_wait3A_208 = tpu.memref_slice %arg16[%dma_wait3A_206, %dma_wait3A_207] : memref<10016x64xf32, #tpu.memory_space<vmem_shared>> -> memref<400x64xf32, #tpu.memory_space<vmem_shared>>
        tpu.wait_dma2 semaphore(%run_scoped3A : memref<!tpu.dma_semaphore, #tpu.memory_space<semaphore_mem>>) src(%dma_wait3A_208 : memref<400x64xf32, #tpu.memory_space<vmem_shared>>) dst(%dma_wait3A_205 : memref<400x64xf32, #tpu.memory_space<hbm>>)
        tpu.yield
      }) : () -> ()
      "tpu.region"() ({
        %run_scoped3A = tpu.sem_alloc : memref<!tpu.dma_semaphore, #tpu.memory_space<semaphore_mem>>
        %dma_start3A_200 = arith.constant 9600 : i32
        %dma_start3A_201 = arith.constant 0 : i32
        %dma_start3A_202 = tpu.memref_slice %arg16[%dma_start3A_200, %dma_start3A_201] : memref<10016x64xf32, #tpu.memory_space<vmem_shared>> -> memref<416x64xf32, #tpu.memory_space<vmem_shared>>
        %dma_start3A_203 = arith.constant 9600 : i32
        %dma_start3A_204 = arith.constant 0 : i32
        %dma_start3A_205 = tpu.memref_slice %arg5[%dma_start3A_203, %dma_start3A_204] : memref<10016x64xf32, #tpu.memory_space<hbm>> -> memref<416x64xf32, #tpu.memory_space<hbm>>
        tpu.enqueue_dma source(%dma_start3A_205 : memref<416x64xf32, #tpu.memory_space<hbm>>) target(%dma_start3A_202 : memref<416x64xf32, #tpu.memory_space<vmem_shared>>) target_semaphore(%run_scoped3A : memref<!tpu.dma_semaphore, #tpu.memory_space<semaphore_mem>>)
        %dma_wait3A = arith.constant 9600 : i32
        %dma_wait3A_206 = arith.constant 0 : i32
        %dma_wait3A_207 = tpu.memref_slice %arg16[%dma_wait3A, %dma_wait3A_206] : memref<10016x64xf32, #tpu.memory_space<vmem_shared>> -> memref<416x64xf32, #tpu.memory_space<vmem_shared>>
        %dma_wait3A_208 = arith.constant 9600 : i32
        %dma_wait3A_209 = arith.constant 0 : i32
        %dma_wait3A_210 = tpu.memref_slice %arg5[%dma_wait3A_208, %dma_wait3A_209] : memref<10016x64xf32, #tpu.memory_space<hbm>> -> memref<416x64xf32, #tpu.memory_space<hbm>>
        tpu.wait_dma2 semaphore(%run_scoped3A : memref<!tpu.dma_semaphore, #tpu.memory_space<semaphore_mem>>) src(%dma_wait3A_210 : memref<416x64xf32, #tpu.memory_space<hbm>>) dst(%dma_wait3A_207 : memref<416x64xf32, #tpu.memory_space<vmem_shared>>)
        tpu.yield
      }) : () -> ()
    } else {
    }
    %barrier3A_60 = arith.constant 0 : index
    tpu.barrier barrier_id(%barrier3A_60)
    %dma_start3A_61 = arith.constant 0 : i32
    %dma_start3A_62 = arith.constant 0 : i32
    %dma_start3A_63 = tpu.memref_slice %arg10[%dma_start3A_61, %dma_start3A_62] : memref<160x128xi32, #tpu.memory_space<vmem>> -> memref<1x128xi32, #tpu.memory_space<vmem>>
    %dma_start3A_64 = tpu.memref_squeeze %dma_start3A_63 : memref<1x128xi32, #tpu.memory_space<vmem>> -> memref<128xi32, #tpu.memory_space<vmem>>
    %dma_start3A_65 = arith.constant 0 : i32
    %dma_start3A_66 = arith.constant 0 : i32
    %dma_start3A_67 = tpu.memref_slice %arg6[%dma_start3A_65, %dma_start3A_66] : memref<20000x64xf32, #tpu.memory_space<hbm>> -> memref<20000x64xf32, #tpu.memory_space<hbm>>
    tpu.enqueue_indirect_dma source(%dma_start3A_67 : memref<20000x64xf32, #tpu.memory_space<hbm>>) target(%arg12 : memref<128x64xf32, #tpu.memory_space<vmem>>) offsets(%dma_start3A_64 : memref<128xi32, #tpu.memory_space<vmem>>) semaphore(%arg17 : memref<!tpu.dma_semaphore, #tpu.memory_space<semaphore_mem>>)
    %dma_start3A_68 = arith.constant 1 : i32
    %dma_start3A_69 = arith.constant 0 : i32
    %dma_start3A_70 = tpu.memref_slice %arg10[%dma_start3A_68, %dma_start3A_69] : memref<160x128xi32, #tpu.memory_space<vmem>> -> memref<1x128xi32, #tpu.memory_space<vmem>>
    %dma_start3A_71 = tpu.memref_squeeze %dma_start3A_70 : memref<1x128xi32, #tpu.memory_space<vmem>> -> memref<128xi32, #tpu.memory_space<vmem>>
    %dma_start3A_72 = arith.constant 0 : i32
    %dma_start3A_73 = arith.constant 0 : i32
    %dma_start3A_74 = tpu.memref_slice %arg6[%dma_start3A_72, %dma_start3A_73] : memref<20000x64xf32, #tpu.memory_space<hbm>> -> memref<20000x64xf32, #tpu.memory_space<hbm>>
    tpu.enqueue_indirect_dma source(%dma_start3A_74 : memref<20000x64xf32, #tpu.memory_space<hbm>>) target(%arg13 : memref<128x64xf32, #tpu.memory_space<vmem>>) offsets(%dma_start3A_71 : memref<128xi32, #tpu.memory_space<vmem>>) semaphore(%arg18 : memref<!tpu.dma_semaphore, #tpu.memory_space<semaphore_mem>>)
    %dma_start3A_75 = arith.constant 2 : i32
    %dma_start3A_76 = arith.constant 0 : i32
    %dma_start3A_77 = tpu.memref_slice %arg10[%dma_start3A_75, %dma_start3A_76] : memref<160x128xi32, #tpu.memory_space<vmem>> -> memref<1x128xi32, #tpu.memory_space<vmem>>
    %dma_start3A_78 = tpu.memref_squeeze %dma_start3A_77 : memref<1x128xi32, #tpu.memory_space<vmem>> -> memref<128xi32, #tpu.memory_space<vmem>>
    %dma_start3A_79 = arith.constant 0 : i32
    %dma_start3A_80 = arith.constant 0 : i32
    %dma_start3A_81 = tpu.memref_slice %arg6[%dma_start3A_79, %dma_start3A_80] : memref<20000x64xf32, #tpu.memory_space<hbm>> -> memref<20000x64xf32, #tpu.memory_space<hbm>>
    tpu.enqueue_indirect_dma source(%dma_start3A_81 : memref<20000x64xf32, #tpu.memory_space<hbm>>) target(%arg14 : memref<128x64xf32, #tpu.memory_space<vmem>>) offsets(%dma_start3A_78 : memref<128xi32, #tpu.memory_space<vmem>>) semaphore(%arg19 : memref<!tpu.dma_semaphore, #tpu.memory_space<semaphore_mem>>)
    %dma_start3A_82 = arith.constant 3 : i32
    %dma_start3A_83 = arith.constant 0 : i32
    %dma_start3A_84 = tpu.memref_slice %arg10[%dma_start3A_82, %dma_start3A_83] : memref<160x128xi32, #tpu.memory_space<vmem>> -> memref<1x128xi32, #tpu.memory_space<vmem>>
    %dma_start3A_85 = tpu.memref_squeeze %dma_start3A_84 : memref<1x128xi32, #tpu.memory_space<vmem>> -> memref<128xi32, #tpu.memory_space<vmem>>
    %dma_start3A_86 = arith.constant 0 : i32
    %dma_start3A_87 = arith.constant 0 : i32
    %dma_start3A_88 = tpu.memref_slice %arg6[%dma_start3A_86, %dma_start3A_87] : memref<20000x64xf32, #tpu.memory_space<hbm>> -> memref<20000x64xf32, #tpu.memory_space<hbm>>
    tpu.enqueue_indirect_dma source(%dma_start3A_88 : memref<20000x64xf32, #tpu.memory_space<hbm>>) target(%arg15 : memref<128x64xf32, #tpu.memory_space<vmem>>) offsets(%dma_start3A_85 : memref<128xi32, #tpu.memory_space<vmem>>) semaphore(%arg20 : memref<!tpu.dma_semaphore, #tpu.memory_space<semaphore_mem>>)
    %scan3A_89 = arith.constant 0 : i32
    %scan3A_90 = arith.constant 0 : i32
    %scan3A_91 = arith.constant 40 : i32
    %scan3A_92 = arith.addi %scan3A_90, %scan3A_91 : i32
    %scan3A_93 = arith.constant 1 : i32
    scf.for %scan3A_199 = %scan3A_90 to %scan3A_92 step %scan3A_93  : i32 {
      %mul3A_200 = arith.constant 4 : i32
      %mul3A_201 = arith.muli %scan3A_199, %mul3A_200 : i32
      %add3A = arith.constant 0 : i32
      %add3A_202 = arith.addi %mul3A_201, %add3A : i32
      %dma_wait3A = arith.constant 0 : i32
      %dma_wait3A_203 = tpu.memref_slice %arg10[%add3A_202, %dma_wait3A] : memref<160x128xi32, #tpu.memory_space<vmem>> -> memref<1x128xi32, #tpu.memory_space<vmem>>
      %dma_wait3A_204 = tpu.memref_squeeze %dma_wait3A_203 : memref<1x128xi32, #tpu.memory_space<vmem>> -> memref<128xi32, #tpu.memory_space<vmem>>
      %dma_wait3A_205 = arith.constant 0 : i32
      %dma_wait3A_206 = arith.constant 0 : i32
      %dma_wait3A_207 = tpu.memref_slice %arg6[%dma_wait3A_205, %dma_wait3A_206] : memref<20000x64xf32, #tpu.memory_space<hbm>> -> memref<20000x64xf32, #tpu.memory_space<hbm>>
      tpu.wait_indirect_dma semaphore(%arg17 : memref<!tpu.dma_semaphore, #tpu.memory_space<semaphore_mem>>) src(%dma_wait3A_207 : memref<20000x64xf32, #tpu.memory_space<hbm>>) dst(%arg12 : memref<128x64xf32, #tpu.memory_space<vmem>>)
      "tpu.region"() ({
        %run_scoped3A = tpu.sem_alloc : memref<!tpu.dma_semaphore, #tpu.memory_space<semaphore_mem>>
        %dma_start3A_258 = arith.constant 0 : i32
        %dma_start3A_259 = tpu.memref_slice %arg11[%add3A_202, %dma_start3A_258] : memref<160x128xi32, #tpu.memory_space<vmem>> -> memref<1x128xi32, #tpu.memory_space<vmem>>
        %dma_start3A_260 = tpu.memref_squeeze %dma_start3A_259 : memref<1x128xi32, #tpu.memory_space<vmem>> -> memref<128xi32, #tpu.memory_space<vmem>>
        %dma_start3A_261 = arith.constant 0 : i32
        %dma_start3A_262 = arith.constant 0 : i32
        %dma_start3A_263 = tpu.memref_slice %arg16[%dma_start3A_261, %dma_start3A_262] : memref<10016x64xf32, #tpu.memory_space<vmem_shared>> -> memref<10016x64xf32, #tpu.memory_space<vmem_shared>>
        tpu.enqueue_indirect_dma source(%arg12 : memref<128x64xf32, #tpu.memory_space<vmem>>) target(%dma_start3A_263 : memref<10016x64xf32, #tpu.memory_space<vmem_shared>>) offsets(%dma_start3A_260 : memref<128xi32, #tpu.memory_space<vmem>>) semaphore(%run_scoped3A : memref<!tpu.dma_semaphore, #tpu.memory_space<semaphore_mem>>) {add = true}
        %dma_wait3A_264 = arith.constant 0 : i32
        %dma_wait3A_265 = tpu.memref_slice %arg11[%add3A_202, %dma_wait3A_264] : memref<160x128xi32, #tpu.memory_space<vmem>> -> memref<1x128xi32, #tpu.memory_space<vmem>>
        %dma_wait3A_266 = tpu.memref_squeeze %dma_wait3A_265 : memref<1x128xi32, #tpu.memory_space<vmem>> -> memref<128xi32, #tpu.memory_space<vmem>>
        %dma_wait3A_267 = arith.constant 0 : i32
        %dma_wait3A_268 = arith.constant 0 : i32
        %dma_wait3A_269 = tpu.memref_slice %arg16[%dma_wait3A_267, %dma_wait3A_268] : memref<10016x64xf32, #tpu.memory_space<vmem_shared>> -> memref<10016x64xf32, #tpu.memory_space<vmem_shared>>
        tpu.wait_indirect_dma semaphore(%run_scoped3A : memref<!tpu.dma_semaphore, #tpu.memory_space<semaphore_mem>>) src(%arg12 : memref<128x64xf32, #tpu.memory_space<vmem>>) dst(%dma_wait3A_269 : memref<10016x64xf32, #tpu.memory_space<vmem_shared>>)
        tpu.yield
      }) : () -> ()
      %lt3A_208 = arith.constant 156 : i32
      %lt3A_209 = arith.cmpi slt, %add3A_202, %lt3A_208 : i32
      %convert_element_type3A_210 = arith.extui %lt3A_209 : i1 to i32
      %cond3A_211 = arith.constant 0 : i32
      %cond3A_212 = arith.cmpi ne, %convert_element_type3A_210, %cond3A_211 : i32
      scf.if %cond3A_212 {
        %add3A_258 = arith.constant 4 : i32
        %add3A_259 = arith.addi %add3A_202, %add3A_258 : i32
        %dma_start3A_260 = arith.constant 0 : i32
        %dma_start3A_261 = tpu.memref_slice %arg10[%add3A_259, %dma_start3A_260] : memref<160x128xi32, #tpu.memory_space<vmem>> -> memref<1x128xi32, #tpu.memory_space<vmem>>
        %dma_start3A_262 = tpu.memref_squeeze %dma_start3A_261 : memref<1x128xi32, #tpu.memory_space<vmem>> -> memref<128xi32, #tpu.memory_space<vmem>>
        %dma_start3A_263 = arith.constant 0 : i32
        %dma_start3A_264 = arith.constant 0 : i32
        %dma_start3A_265 = tpu.memref_slice %arg6[%dma_start3A_263, %dma_start3A_264] : memref<20000x64xf32, #tpu.memory_space<hbm>> -> memref<20000x64xf32, #tpu.memory_space<hbm>>
        tpu.enqueue_indirect_dma source(%dma_start3A_265 : memref<20000x64xf32, #tpu.memory_space<hbm>>) target(%arg12 : memref<128x64xf32, #tpu.memory_space<vmem>>) offsets(%dma_start3A_262 : memref<128xi32, #tpu.memory_space<vmem>>) semaphore(%arg17 : memref<!tpu.dma_semaphore, #tpu.memory_space<semaphore_mem>>)
      } else {
      }
      %mul3A_213 = arith.constant 4 : i32
      %mul3A_214 = arith.muli %scan3A_199, %mul3A_213 : i32
      %add3A_215 = arith.constant 1 : i32
      %add3A_216 = arith.addi %mul3A_214, %add3A_215 : i32
      %dma_wait3A_217 = arith.constant 0 : i32
      %dma_wait3A_218 = tpu.memref_slice %arg10[%add3A_216, %dma_wait3A_217] : memref<160x128xi32, #tpu.memory_space<vmem>> -> memref<1x128xi32, #tpu.memory_space<vmem>>
      %dma_wait3A_219 = tpu.memref_squeeze %dma_wait3A_218 : memref<1x128xi32, #tpu.memory_space<vmem>> -> memref<128xi32, #tpu.memory_space<vmem>>
      %dma_wait3A_220 = arith.constant 0 : i32
      %dma_wait3A_221 = arith.constant 0 : i32
      %dma_wait3A_222 = tpu.memref_slice %arg6[%dma_wait3A_220, %dma_wait3A_221] : memref<20000x64xf32, #tpu.memory_space<hbm>> -> memref<20000x64xf32, #tpu.memory_space<hbm>>
      tpu.wait_indirect_dma semaphore(%arg18 : memref<!tpu.dma_semaphore, #tpu.memory_space<semaphore_mem>>) src(%dma_wait3A_222 : memref<20000x64xf32, #tpu.memory_space<hbm>>) dst(%arg13 : memref<128x64xf32, #tpu.memory_space<vmem>>)
      "tpu.region"() ({
        %run_scoped3A = tpu.sem_alloc : memref<!tpu.dma_semaphore, #tpu.memory_space<semaphore_mem>>
        %dma_start3A_258 = arith.constant 0 : i32
        %dma_start3A_259 = tpu.memref_slice %arg11[%add3A_216, %dma_start3A_258] : memref<160x128xi32, #tpu.memory_space<vmem>> -> memref<1x128xi32, #tpu.memory_space<vmem>>
        %dma_start3A_260 = tpu.memref_squeeze %dma_start3A_259 : memref<1x128xi32, #tpu.memory_space<vmem>> -> memref<128xi32, #tpu.memory_space<vmem>>
        %dma_start3A_261 = arith.constant 0 : i32
        %dma_start3A_262 = arith.constant 0 : i32
        %dma_start3A_263 = tpu.memref_slice %arg16[%dma_start3A_261, %dma_start3A_262] : memref<10016x64xf32, #tpu.memory_space<vmem_shared>> -> memref<10016x64xf32, #tpu.memory_space<vmem_shared>>
        tpu.enqueue_indirect_dma source(%arg13 : memref<128x64xf32, #tpu.memory_space<vmem>>) target(%dma_start3A_263 : memref<10016x64xf32, #tpu.memory_space<vmem_shared>>) offsets(%dma_start3A_260 : memref<128xi32, #tpu.memory_space<vmem>>) semaphore(%run_scoped3A : memref<!tpu.dma_semaphore, #tpu.memory_space<semaphore_mem>>) {add = true}
        %dma_wait3A_264 = arith.constant 0 : i32
        %dma_wait3A_265 = tpu.memref_slice %arg11[%add3A_216, %dma_wait3A_264] : memref<160x128xi32, #tpu.memory_space<vmem>> -> memref<1x128xi32, #tpu.memory_space<vmem>>
        %dma_wait3A_266 = tpu.memref_squeeze %dma_wait3A_265 : memref<1x128xi32, #tpu.memory_space<vmem>> -> memref<128xi32, #tpu.memory_space<vmem>>
        %dma_wait3A_267 = arith.constant 0 : i32
        %dma_wait3A_268 = arith.constant 0 : i32
        %dma_wait3A_269 = tpu.memref_slice %arg16[%dma_wait3A_267, %dma_wait3A_268] : memref<10016x64xf32, #tpu.memory_space<vmem_shared>> -> memref<10016x64xf32, #tpu.memory_space<vmem_shared>>
        tpu.wait_indirect_dma semaphore(%run_scoped3A : memref<!tpu.dma_semaphore, #tpu.memory_space<semaphore_mem>>) src(%arg13 : memref<128x64xf32, #tpu.memory_space<vmem>>) dst(%dma_wait3A_269 : memref<10016x64xf32, #tpu.memory_space<vmem_shared>>)
        tpu.yield
      }) : () -> ()
      %lt3A_223 = arith.constant 156 : i32
      %lt3A_224 = arith.cmpi slt, %add3A_216, %lt3A_223 : i32
      %convert_element_type3A_225 = arith.extui %lt3A_224 : i1 to i32
      %cond3A_226 = arith.constant 0 : i32
      %cond3A_227 = arith.cmpi ne, %convert_element_type3A_225, %cond3A_226 : i32
      scf.if %cond3A_227 {
        %add3A_258 = arith.constant 4 : i32
        %add3A_259 = arith.addi %add3A_216, %add3A_258 : i32
        %dma_start3A_260 = arith.constant 0 : i32
        %dma_start3A_261 = tpu.memref_slice %arg10[%add3A_259, %dma_start3A_260] : memref<160x128xi32, #tpu.memory_space<vmem>> -> memref<1x128xi32, #tpu.memory_space<vmem>>
        %dma_start3A_262 = tpu.memref_squeeze %dma_start3A_261 : memref<1x128xi32, #tpu.memory_space<vmem>> -> memref<128xi32, #tpu.memory_space<vmem>>
        %dma_start3A_263 = arith.constant 0 : i32
        %dma_start3A_264 = arith.constant 0 : i32
        %dma_start3A_265 = tpu.memref_slice %arg6[%dma_start3A_263, %dma_start3A_264] : memref<20000x64xf32, #tpu.memory_space<hbm>> -> memref<20000x64xf32, #tpu.memory_space<hbm>>
        tpu.enqueue_indirect_dma source(%dma_start3A_265 : memref<20000x64xf32, #tpu.memory_space<hbm>>) target(%arg13 : memref<128x64xf32, #tpu.memory_space<vmem>>) offsets(%dma_start3A_262 : memref<128xi32, #tpu.memory_space<vmem>>) semaphore(%arg18 : memref<!tpu.dma_semaphore, #tpu.memory_space<semaphore_mem>>)
      } else {
      }
      %mul3A_228 = arith.constant 4 : i32
      %mul3A_229 = arith.muli %scan3A_199, %mul3A_228 : i32
      %add3A_230 = arith.constant 2 : i32
      %add3A_231 = arith.addi %mul3A_229, %add3A_230 : i32
      %dma_wait3A_232 = arith.constant 0 : i32
      %dma_wait3A_233 = tpu.memref_slice %arg10[%add3A_231, %dma_wait3A_232] : memref<160x128xi32, #tpu.memory_space<vmem>> -> memref<1x128xi32, #tpu.memory_space<vmem>>
      %dma_wait3A_234 = tpu.memref_squeeze %dma_wait3A_233 : memref<1x128xi32, #tpu.memory_space<vmem>> -> memref<128xi32, #tpu.memory_space<vmem>>
      %dma_wait3A_235 = arith.constant 0 : i32
      %dma_wait3A_236 = arith.constant 0 : i32
      %dma_wait3A_237 = tpu.memref_slice %arg6[%dma_wait3A_235, %dma_wait3A_236] : memref<20000x64xf32, #tpu.memory_space<hbm>> -> memref<20000x64xf32, #tpu.memory_space<hbm>>
      tpu.wait_indirect_dma semaphore(%arg19 : memref<!tpu.dma_semaphore, #tpu.memory_space<semaphore_mem>>) src(%dma_wait3A_237 : memref<20000x64xf32, #tpu.memory_space<hbm>>) dst(%arg14 : memref<128x64xf32, #tpu.memory_space<vmem>>)
      "tpu.region"() ({
        %run_scoped3A = tpu.sem_alloc : memref<!tpu.dma_semaphore, #tpu.memory_space<semaphore_mem>>
        %dma_start3A_258 = arith.constant 0 : i32
        %dma_start3A_259 = tpu.memref_slice %arg11[%add3A_231, %dma_start3A_258] : memref<160x128xi32, #tpu.memory_space<vmem>> -> memref<1x128xi32, #tpu.memory_space<vmem>>
        %dma_start3A_260 = tpu.memref_squeeze %dma_start3A_259 : memref<1x128xi32, #tpu.memory_space<vmem>> -> memref<128xi32, #tpu.memory_space<vmem>>
        %dma_start3A_261 = arith.constant 0 : i32
        %dma_start3A_262 = arith.constant 0 : i32
        %dma_start3A_263 = tpu.memref_slice %arg16[%dma_start3A_261, %dma_start3A_262] : memref<10016x64xf32, #tpu.memory_space<vmem_shared>> -> memref<10016x64xf32, #tpu.memory_space<vmem_shared>>
        tpu.enqueue_indirect_dma source(%arg14 : memref<128x64xf32, #tpu.memory_space<vmem>>) target(%dma_start3A_263 : memref<10016x64xf32, #tpu.memory_space<vmem_shared>>) offsets(%dma_start3A_260 : memref<128xi32, #tpu.memory_space<vmem>>) semaphore(%run_scoped3A : memref<!tpu.dma_semaphore, #tpu.memory_space<semaphore_mem>>) {add = true}
        %dma_wait3A_264 = arith.constant 0 : i32
        %dma_wait3A_265 = tpu.memref_slice %arg11[%add3A_231, %dma_wait3A_264] : memref<160x128xi32, #tpu.memory_space<vmem>> -> memref<1x128xi32, #tpu.memory_space<vmem>>
        %dma_wait3A_266 = tpu.memref_squeeze %dma_wait3A_265 : memref<1x128xi32, #tpu.memory_space<vmem>> -> memref<128xi32, #tpu.memory_space<vmem>>
        %dma_wait3A_267 = arith.constant 0 : i32
        %dma_wait3A_268 = arith.constant 0 : i32
        %dma_wait3A_269 = tpu.memref_slice %arg16[%dma_wait3A_267, %dma_wait3A_268] : memref<10016x64xf32, #tpu.memory_space<vmem_shared>> -> memref<10016x64xf32, #tpu.memory_space<vmem_shared>>
        tpu.wait_indirect_dma semaphore(%run_scoped3A : memref<!tpu.dma_semaphore, #tpu.memory_space<semaphore_mem>>) src(%arg14 : memref<128x64xf32, #tpu.memory_space<vmem>>) dst(%dma_wait3A_269 : memref<10016x64xf32, #tpu.memory_space<vmem_shared>>)
        tpu.yield
      }) : () -> ()
      %lt3A_238 = arith.constant 156 : i32
      %lt3A_239 = arith.cmpi slt, %add3A_231, %lt3A_238 : i32
      %convert_element_type3A_240 = arith.extui %lt3A_239 : i1 to i32
      %cond3A_241 = arith.constant 0 : i32
      %cond3A_242 = arith.cmpi ne, %convert_element_type3A_240, %cond3A_241 : i32
      scf.if %cond3A_242 {
        %add3A_258 = arith.constant 4 : i32
        %add3A_259 = arith.addi %add3A_231, %add3A_258 : i32
        %dma_start3A_260 = arith.constant 0 : i32
        %dma_start3A_261 = tpu.memref_slice %arg10[%add3A_259, %dma_start3A_260] : memref<160x128xi32, #tpu.memory_space<vmem>> -> memref<1x128xi32, #tpu.memory_space<vmem>>
        %dma_start3A_262 = tpu.memref_squeeze %dma_start3A_261 : memref<1x128xi32, #tpu.memory_space<vmem>> -> memref<128xi32, #tpu.memory_space<vmem>>
        %dma_start3A_263 = arith.constant 0 : i32
        %dma_start3A_264 = arith.constant 0 : i32
        %dma_start3A_265 = tpu.memref_slice %arg6[%dma_start3A_263, %dma_start3A_264] : memref<20000x64xf32, #tpu.memory_space<hbm>> -> memref<20000x64xf32, #tpu.memory_space<hbm>>
        tpu.enqueue_indirect_dma source(%dma_start3A_265 : memref<20000x64xf32, #tpu.memory_space<hbm>>) target(%arg14 : memref<128x64xf32, #tpu.memory_space<vmem>>) offsets(%dma_start3A_262 : memref<128xi32, #tpu.memory_space<vmem>>) semaphore(%arg19 : memref<!tpu.dma_semaphore, #tpu.memory_space<semaphore_mem>>)
      } else {
      }
      %mul3A_243 = arith.constant 4 : i32
      %mul3A_244 = arith.muli %scan3A_199, %mul3A_243 : i32
      %add3A_245 = arith.constant 3 : i32
      %add3A_246 = arith.addi %mul3A_244, %add3A_245 : i32
      %dma_wait3A_247 = arith.constant 0 : i32
      %dma_wait3A_248 = tpu.memref_slice %arg10[%add3A_246, %dma_wait3A_247] : memref<160x128xi32, #tpu.memory_space<vmem>> -> memref<1x128xi32, #tpu.memory_space<vmem>>
      %dma_wait3A_249 = tpu.memref_squeeze %dma_wait3A_248 : memref<1x128xi32, #tpu.memory_space<vmem>> -> memref<128xi32, #tpu.memory_space<vmem>>
      %dma_wait3A_250 = arith.constant 0 : i32
      %dma_wait3A_251 = arith.constant 0 : i32
      %dma_wait3A_252 = tpu.memref_slice %arg6[%dma_wait3A_250, %dma_wait3A_251] : memref<20000x64xf32, #tpu.memory_space<hbm>> -> memref<20000x64xf32, #tpu.memory_space<hbm>>
      tpu.wait_indirect_dma semaphore(%arg20 : memref<!tpu.dma_semaphore, #tpu.memory_space<semaphore_mem>>) src(%dma_wait3A_252 : memref<20000x64xf32, #tpu.memory_space<hbm>>) dst(%arg15 : memref<128x64xf32, #tpu.memory_space<vmem>>)
      "tpu.region"() ({
        %run_scoped3A = tpu.sem_alloc : memref<!tpu.dma_semaphore, #tpu.memory_space<semaphore_mem>>
        %dma_start3A_258 = arith.constant 0 : i32
        %dma_start3A_259 = tpu.memref_slice %arg11[%add3A_246, %dma_start3A_258] : memref<160x128xi32, #tpu.memory_space<vmem>> -> memref<1x128xi32, #tpu.memory_space<vmem>>
        %dma_start3A_260 = tpu.memref_squeeze %dma_start3A_259 : memref<1x128xi32, #tpu.memory_space<vmem>> -> memref<128xi32, #tpu.memory_space<vmem>>
        %dma_start3A_261 = arith.constant 0 : i32
        %dma_start3A_262 = arith.constant 0 : i32
        %dma_start3A_263 = tpu.memref_slice %arg16[%dma_start3A_261, %dma_start3A_262] : memref<10016x64xf32, #tpu.memory_space<vmem_shared>> -> memref<10016x64xf32, #tpu.memory_space<vmem_shared>>
        tpu.enqueue_indirect_dma source(%arg15 : memref<128x64xf32, #tpu.memory_space<vmem>>) target(%dma_start3A_263 : memref<10016x64xf32, #tpu.memory_space<vmem_shared>>) offsets(%dma_start3A_260 : memref<128xi32, #tpu.memory_space<vmem>>) semaphore(%run_scoped3A : memref<!tpu.dma_semaphore, #tpu.memory_space<semaphore_mem>>) {add = true}
        %dma_wait3A_264 = arith.constant 0 : i32
        %dma_wait3A_265 = tpu.memref_slice %arg11[%add3A_246, %dma_wait3A_264] : memref<160x128xi32, #tpu.memory_space<vmem>> -> memref<1x128xi32, #tpu.memory_space<vmem>>
        %dma_wait3A_266 = tpu.memref_squeeze %dma_wait3A_265 : memref<1x128xi32, #tpu.memory_space<vmem>> -> memref<128xi32, #tpu.memory_space<vmem>>
        %dma_wait3A_267 = arith.constant 0 : i32
        %dma_wait3A_268 = arith.constant 0 : i32
        %dma_wait3A_269 = tpu.memref_slice %arg16[%dma_wait3A_267, %dma_wait3A_268] : memref<10016x64xf32, #tpu.memory_space<vmem_shared>> -> memref<10016x64xf32, #tpu.memory_space<vmem_shared>>
        tpu.wait_indirect_dma semaphore(%run_scoped3A : memref<!tpu.dma_semaphore, #tpu.memory_space<semaphore_mem>>) src(%arg15 : memref<128x64xf32, #tpu.memory_space<vmem>>) dst(%dma_wait3A_269 : memref<10016x64xf32, #tpu.memory_space<vmem_shared>>)
        tpu.yield
      }) : () -> ()
      %lt3A_253 = arith.constant 156 : i32
      %lt3A_254 = arith.cmpi slt, %add3A_246, %lt3A_253 : i32
      %convert_element_type3A_255 = arith.extui %lt3A_254 : i1 to i32
      %cond3A_256 = arith.constant 0 : i32
      %cond3A_257 = arith.cmpi ne, %convert_element_type3A_255, %cond3A_256 : i32
      scf.if %cond3A_257 {
        %add3A_258 = arith.constant 4 : i32
        %add3A_259 = arith.addi %add3A_246, %add3A_258 : i32
        %dma_start3A_260 = arith.constant 0 : i32
        %dma_start3A_261 = tpu.memref_slice %arg10[%add3A_259, %dma_start3A_260] : memref<160x128xi32, #tpu.memory_space<vmem>> -> memref<1x128xi32, #tpu.memory_space<vmem>>
        %dma_start3A_262 = tpu.memref_squeeze %dma_start3A_261 : memref<1x128xi32, #tpu.memory_space<vmem>> -> memref<128xi32, #tpu.memory_space<vmem>>
        %dma_start3A_263 = arith.constant 0 : i32
        %dma_start3A_264 = arith.constant 0 : i32
        %dma_start3A_265 = tpu.memref_slice %arg6[%dma_start3A_263, %dma_start3A_264] : memref<20000x64xf32, #tpu.memory_space<hbm>> -> memref<20000x64xf32, #tpu.memory_space<hbm>>
        tpu.enqueue_indirect_dma source(%dma_start3A_265 : memref<20000x64xf32, #tpu.memory_space<hbm>>) target(%arg15 : memref<128x64xf32, #tpu.memory_space<vmem>>) offsets(%dma_start3A_262 : memref<128xi32, #tpu.memory_space<vmem>>) semaphore(%arg20 : memref<!tpu.dma_semaphore, #tpu.memory_space<semaphore_mem>>)
      } else {
      }
    }
    %scan3A_94 = arith.constant 40 : i32
    %barrier3A_95 = arith.constant 0 : index
    tpu.barrier barrier_id(%barrier3A_95)
    %lt3A_96 = arith.constant 15 : i32
    %lt3A_97 = arith.cmpi slt, %arg1, %lt3A_96 : i32
    %convert_element_type3A_98 = arith.extui %lt3A_97 : i1 to i32
    %cond3A_99 = arith.constant 0 : i32
    %cond3A_100 = arith.cmpi ne, %convert_element_type3A_98, %cond3A_99 : i32
    scf.if %cond3A_100 {
      %mul3A_199 = arith.constant 640 : i32
      %mul3A_200 = arith.muli %arg1, %mul3A_199 : i32
      %mul3A_201 = arith.constant 640 : i32
      %mul3A_202 = arith.muli %arg1, %mul3A_201 : i32
      %add3A = arith.addi %mul3A_0, %mul3A_202 : i32
      "tpu.region"() ({
        %run_scoped3A = tpu.sem_alloc : memref<!tpu.dma_semaphore, #tpu.memory_space<semaphore_mem>>
        %dma_start3A_207 = arith.constant 0 : i32
        %dma_start3A_208 = tpu.memref_slice %arg7[%add3A, %dma_start3A_207] : memref<20000x64xf32, #tpu.memory_space<hbm>> -> memref<640x64xf32, #tpu.memory_space<hbm>>
        %dma_start3A_209 = arith.constant 0 : i32
        %dma_start3A_210 = tpu.memref_slice %arg16[%mul3A_200, %dma_start3A_209] : memref<10016x64xf32, #tpu.memory_space<vmem_shared>> -> memref<640x64xf32, #tpu.memory_space<vmem_shared>>
        tpu.enqueue_dma source(%dma_start3A_210 : memref<640x64xf32, #tpu.memory_space<vmem_shared>>) target(%dma_start3A_208 : memref<640x64xf32, #tpu.memory_space<hbm>>) target_semaphore(%run_scoped3A : memref<!tpu.dma_semaphore, #tpu.memory_space<semaphore_mem>>)
        %dma_wait3A = arith.constant 0 : i32
        %dma_wait3A_211 = tpu.memref_slice %arg7[%add3A, %dma_wait3A] : memref<20000x64xf32, #tpu.memory_space<hbm>> -> memref<640x64xf32, #tpu.memory_space<hbm>>
        %dma_wait3A_212 = arith.constant 0 : i32
        %dma_wait3A_213 = tpu.memref_slice %arg16[%mul3A_200, %dma_wait3A_212] : memref<10016x64xf32, #tpu.memory_space<vmem_shared>> -> memref<640x64xf32, #tpu.memory_space<vmem_shared>>
        tpu.wait_dma2 semaphore(%run_scoped3A : memref<!tpu.dma_semaphore, #tpu.memory_space<semaphore_mem>>) src(%dma_wait3A_213 : memref<640x64xf32, #tpu.memory_space<vmem_shared>>) dst(%dma_wait3A_211 : memref<640x64xf32, #tpu.memory_space<hbm>>)
        tpu.yield
      }) : () -> ()
      %mul3A_203 = arith.constant 640 : i32
      %mul3A_204 = arith.muli %arg1, %mul3A_203 : i32
      %mul3A_205 = arith.constant 640 : i32
      %mul3A_206 = arith.muli %arg1, %mul3A_205 : i32
      "tpu.region"() ({
        %run_scoped3A = tpu.sem_alloc : memref<!tpu.dma_semaphore, #tpu.memory_space<semaphore_mem>>
        %dma_start3A_207 = arith.constant 0 : i32
        %dma_start3A_208 = tpu.memref_slice %arg16[%mul3A_206, %dma_start3A_207] : memref<10016x64xf32, #tpu.memory_space<vmem_shared>> -> memref<640x64xf32, #tpu.memory_space<vmem_shared>>
        %dma_start3A_209 = arith.constant 0 : i32
        %dma_start3A_210 = tpu.memref_slice %arg5[%mul3A_204, %dma_start3A_209] : memref<10016x64xf32, #tpu.memory_space<hbm>> -> memref<640x64xf32, #tpu.memory_space<hbm>>
        tpu.enqueue_dma source(%dma_start3A_210 : memref<640x64xf32, #tpu.memory_space<hbm>>) target(%dma_start3A_208 : memref<640x64xf32, #tpu.memory_space<vmem_shared>>) target_semaphore(%run_scoped3A : memref<!tpu.dma_semaphore, #tpu.memory_space<semaphore_mem>>)
        %dma_wait3A = arith.constant 0 : i32
        %dma_wait3A_211 = tpu.memref_slice %arg16[%mul3A_206, %dma_wait3A] : memref<10016x64xf32, #tpu.memory_space<vmem_shared>> -> memref<640x64xf32, #tpu.memory_space<vmem_shared>>
        %dma_wait3A_212 = arith.constant 0 : i32
        %dma_wait3A_213 = tpu.memref_slice %arg5[%mul3A_204, %dma_wait3A_212] : memref<10016x64xf32, #tpu.memory_space<hbm>> -> memref<640x64xf32, #tpu.memory_space<hbm>>
        tpu.wait_dma2 semaphore(%run_scoped3A : memref<!tpu.dma_semaphore, #tpu.memory_space<semaphore_mem>>) src(%dma_wait3A_213 : memref<640x64xf32, #tpu.memory_space<hbm>>) dst(%dma_wait3A_211 : memref<640x64xf32, #tpu.memory_space<vmem_shared>>)
        tpu.yield
      }) : () -> ()
    } else {
    }
    %eq3A_101 = arith.constant 15 : i32
    %eq3A_102 = arith.cmpi eq, %arg1, %eq3A_101 : i32
    %convert_element_type3A_103 = arith.extui %eq3A_102 : i1 to i32
    %cond3A_104 = arith.constant 0 : i32
    %cond3A_105 = arith.cmpi ne, %convert_element_type3A_103, %cond3A_104 : i32
    scf.if %cond3A_105 {
      %add3A = arith.constant 9600 : i32
      %add3A_199 = arith.addi %mul3A_0, %add3A : i32
      "tpu.region"() ({
        %run_scoped3A = tpu.sem_alloc : memref<!tpu.dma_semaphore, #tpu.memory_space<semaphore_mem>>
        %dma_start3A_200 = arith.constant 0 : i32
        %dma_start3A_201 = tpu.memref_slice %arg7[%add3A_199, %dma_start3A_200] : memref<20000x64xf32, #tpu.memory_space<hbm>> -> memref<400x64xf32, #tpu.memory_space<hbm>>
        %dma_start3A_202 = arith.constant 9600 : i32
        %dma_start3A_203 = arith.constant 0 : i32
        %dma_start3A_204 = tpu.memref_slice %arg16[%dma_start3A_202, %dma_start3A_203] : memref<10016x64xf32, #tpu.memory_space<vmem_shared>> -> memref<400x64xf32, #tpu.memory_space<vmem_shared>>
        tpu.enqueue_dma source(%dma_start3A_204 : memref<400x64xf32, #tpu.memory_space<vmem_shared>>) target(%dma_start3A_201 : memref<400x64xf32, #tpu.memory_space<hbm>>) target_semaphore(%run_scoped3A : memref<!tpu.dma_semaphore, #tpu.memory_space<semaphore_mem>>)
        %dma_wait3A = arith.constant 0 : i32
        %dma_wait3A_205 = tpu.memref_slice %arg7[%add3A_199, %dma_wait3A] : memref<20000x64xf32, #tpu.memory_space<hbm>> -> memref<400x64xf32, #tpu.memory_space<hbm>>
        %dma_wait3A_206 = arith.constant 9600 : i32
        %dma_wait3A_207 = arith.constant 0 : i32
        %dma_wait3A_208 = tpu.memref_slice %arg16[%dma_wait3A_206, %dma_wait3A_207] : memref<10016x64xf32, #tpu.memory_space<vmem_shared>> -> memref<400x64xf32, #tpu.memory_space<vmem_shared>>
        tpu.wait_dma2 semaphore(%run_scoped3A : memref<!tpu.dma_semaphore, #tpu.memory_space<semaphore_mem>>) src(%dma_wait3A_208 : memref<400x64xf32, #tpu.memory_space<vmem_shared>>) dst(%dma_wait3A_205 : memref<400x64xf32, #tpu.memory_space<hbm>>)
        tpu.yield
      }) : () -> ()
      "tpu.region"() ({
        %run_scoped3A = tpu.sem_alloc : memref<!tpu.dma_semaphore, #tpu.memory_space<semaphore_mem>>
        %dma_start3A_200 = arith.constant 9600 : i32
        %dma_start3A_201 = arith.constant 0 : i32
        %dma_start3A_202 = tpu.memref_slice %arg16[%dma_start3A_200, %dma_start3A_201] : memref<10016x64xf32, #tpu.memory_space<vmem_shared>> -> memref<416x64xf32, #tpu.memory_space<vmem_shared>>
        %dma_start3A_203 = arith.constant 9600 : i32
        %dma_start3A_204 = arith.constant 0 : i32
        %dma_start3A_205 = tpu.memref_slice %arg5[%dma_start3A_203, %dma_start3A_204] : memref<10016x64xf32, #tpu.memory_space<hbm>> -> memref<416x64xf32, #tpu.memory_space<hbm>>
        tpu.enqueue_dma source(%dma_start3A_205 : memref<416x64xf32, #tpu.memory_space<hbm>>) target(%dma_start3A_202 : memref<416x64xf32, #tpu.memory_space<vmem_shared>>) target_semaphore(%run_scoped3A : memref<!tpu.dma_semaphore, #tpu.memory_space<semaphore_mem>>)
        %dma_wait3A = arith.constant 9600 : i32
        %dma_wait3A_206 = arith.constant 0 : i32
        %dma_wait3A_207 = tpu.memref_slice %arg16[%dma_wait3A, %dma_wait3A_206] : memref<10016x64xf32, #tpu.memory_space<vmem_shared>> -> memref<416x64xf32, #tpu.memory_space<vmem_shared>>
        %dma_wait3A_208 = arith.constant 9600 : i32
        %dma_wait3A_209 = arith.constant 0 : i32
        %dma_wait3A_210 = tpu.memref_slice %arg5[%dma_wait3A_208, %dma_wait3A_209] : memref<10016x64xf32, #tpu.memory_space<hbm>> -> memref<416x64xf32, #tpu.memory_space<hbm>>
        tpu.wait_dma2 semaphore(%run_scoped3A : memref<!tpu.dma_semaphore, #tpu.memory_space<semaphore_mem>>) src(%dma_wait3A_210 : memref<416x64xf32, #tpu.memory_space<hbm>>) dst(%dma_wait3A_207 : memref<416x64xf32, #tpu.memory_space<vmem_shared>>)
        tpu.yield
      }) : () -> ()
    } else {
    }
    %barrier3A_106 = arith.constant 0 : index
    tpu.barrier barrier_id(%barrier3A_106)
    %dma_start3A_107 = arith.constant 0 : i32
    %dma_start3A_108 = arith.constant 0 : i32
    %dma_start3A_109 = tpu.memref_slice %arg10[%dma_start3A_107, %dma_start3A_108] : memref<160x128xi32, #tpu.memory_space<vmem>> -> memref<1x128xi32, #tpu.memory_space<vmem>>
    %dma_start3A_110 = tpu.memref_squeeze %dma_start3A_109 : memref<1x128xi32, #tpu.memory_space<vmem>> -> memref<128xi32, #tpu.memory_space<vmem>>
    %dma_start3A_111 = arith.constant 0 : i32
    %dma_start3A_112 = arith.constant 0 : i32
    %dma_start3A_113 = tpu.memref_slice %arg7[%dma_start3A_111, %dma_start3A_112] : memref<20000x64xf32, #tpu.memory_space<hbm>> -> memref<20000x64xf32, #tpu.memory_space<hbm>>
    tpu.enqueue_indirect_dma source(%dma_start3A_113 : memref<20000x64xf32, #tpu.memory_space<hbm>>) target(%arg12 : memref<128x64xf32, #tpu.memory_space<vmem>>) offsets(%dma_start3A_110 : memref<128xi32, #tpu.memory_space<vmem>>) semaphore(%arg17 : memref<!tpu.dma_semaphore, #tpu.memory_space<semaphore_mem>>)
    %dma_start3A_114 = arith.constant 1 : i32
    %dma_start3A_115 = arith.constant 0 : i32
    %dma_start3A_116 = tpu.memref_slice %arg10[%dma_start3A_114, %dma_start3A_115] : memref<160x128xi32, #tpu.memory_space<vmem>> -> memref<1x128xi32, #tpu.memory_space<vmem>>
    %dma_start3A_117 = tpu.memref_squeeze %dma_start3A_116 : memref<1x128xi32, #tpu.memory_space<vmem>> -> memref<128xi32, #tpu.memory_space<vmem>>
    %dma_start3A_118 = arith.constant 0 : i32
    %dma_start3A_119 = arith.constant 0 : i32
    %dma_start3A_120 = tpu.memref_slice %arg7[%dma_start3A_118, %dma_start3A_119] : memref<20000x64xf32, #tpu.memory_space<hbm>> -> memref<20000x64xf32, #tpu.memory_space<hbm>>
    tpu.enqueue_indirect_dma source(%dma_start3A_120 : memref<20000x64xf32, #tpu.memory_space<hbm>>) target(%arg13 : memref<128x64xf32, #tpu.memory_space<vmem>>) offsets(%dma_start3A_117 : memref<128xi32, #tpu.memory_space<vmem>>) semaphore(%arg18 : memref<!tpu.dma_semaphore, #tpu.memory_space<semaphore_mem>>)
    %dma_start3A_121 = arith.constant 2 : i32
    %dma_start3A_122 = arith.constant 0 : i32
    %dma_start3A_123 = tpu.memref_slice %arg10[%dma_start3A_121, %dma_start3A_122] : memref<160x128xi32, #tpu.memory_space<vmem>> -> memref<1x128xi32, #tpu.memory_space<vmem>>
    %dma_start3A_124 = tpu.memref_squeeze %dma_start3A_123 : memref<1x128xi32, #tpu.memory_space<vmem>> -> memref<128xi32, #tpu.memory_space<vmem>>
    %dma_start3A_125 = arith.constant 0 : i32
    %dma_start3A_126 = arith.constant 0 : i32
    %dma_start3A_127 = tpu.memref_slice %arg7[%dma_start3A_125, %dma_start3A_126] : memref<20000x64xf32, #tpu.memory_space<hbm>> -> memref<20000x64xf32, #tpu.memory_space<hbm>>
    tpu.enqueue_indirect_dma source(%dma_start3A_127 : memref<20000x64xf32, #tpu.memory_space<hbm>>) target(%arg14 : memref<128x64xf32, #tpu.memory_space<vmem>>) offsets(%dma_start3A_124 : memref<128xi32, #tpu.memory_space<vmem>>) semaphore(%arg19 : memref<!tpu.dma_semaphore, #tpu.memory_space<semaphore_mem>>)
    %dma_start3A_128 = arith.constant 3 : i32
    %dma_start3A_129 = arith.constant 0 : i32
    %dma_start3A_130 = tpu.memref_slice %arg10[%dma_start3A_128, %dma_start3A_129] : memref<160x128xi32, #tpu.memory_space<vmem>> -> memref<1x128xi32, #tpu.memory_space<vmem>>
    %dma_start3A_131 = tpu.memref_squeeze %dma_start3A_130 : memref<1x128xi32, #tpu.memory_space<vmem>> -> memref<128xi32, #tpu.memory_space<vmem>>
    %dma_start3A_132 = arith.constant 0 : i32
    %dma_start3A_133 = arith.constant 0 : i32
    %dma_start3A_134 = tpu.memref_slice %arg7[%dma_start3A_132, %dma_start3A_133] : memref<20000x64xf32, #tpu.memory_space<hbm>> -> memref<20000x64xf32, #tpu.memory_space<hbm>>
    tpu.enqueue_indirect_dma source(%dma_start3A_134 : memref<20000x64xf32, #tpu.memory_space<hbm>>) target(%arg15 : memref<128x64xf32, #tpu.memory_space<vmem>>) offsets(%dma_start3A_131 : memref<128xi32, #tpu.memory_space<vmem>>) semaphore(%arg20 : memref<!tpu.dma_semaphore, #tpu.memory_space<semaphore_mem>>)
    %scan3A_135 = arith.constant 0 : i32
    %scan3A_136 = arith.constant 0 : i32
    %scan3A_137 = arith.constant 40 : i32
    %scan3A_138 = arith.addi %scan3A_136, %scan3A_137 : i32
    %scan3A_139 = arith.constant 1 : i32
    scf.for %scan3A_199 = %scan3A_136 to %scan3A_138 step %scan3A_139  : i32 {
      %mul3A_200 = arith.constant 4 : i32
      %mul3A_201 = arith.muli %scan3A_199, %mul3A_200 : i32
      %add3A = arith.constant 0 : i32
      %add3A_202 = arith.addi %mul3A_201, %add3A : i32
      %dma_wait3A = arith.constant 0 : i32
      %dma_wait3A_203 = tpu.memref_slice %arg10[%add3A_202, %dma_wait3A] : memref<160x128xi32, #tpu.memory_space<vmem>> -> memref<1x128xi32, #tpu.memory_space<vmem>>
      %dma_wait3A_204 = tpu.memref_squeeze %dma_wait3A_203 : memref<1x128xi32, #tpu.memory_space<vmem>> -> memref<128xi32, #tpu.memory_space<vmem>>
      %dma_wait3A_205 = arith.constant 0 : i32
      %dma_wait3A_206 = arith.constant 0 : i32
      %dma_wait3A_207 = tpu.memref_slice %arg7[%dma_wait3A_205, %dma_wait3A_206] : memref<20000x64xf32, #tpu.memory_space<hbm>> -> memref<20000x64xf32, #tpu.memory_space<hbm>>
      tpu.wait_indirect_dma semaphore(%arg17 : memref<!tpu.dma_semaphore, #tpu.memory_space<semaphore_mem>>) src(%dma_wait3A_207 : memref<20000x64xf32, #tpu.memory_space<hbm>>) dst(%arg12 : memref<128x64xf32, #tpu.memory_space<vmem>>)
      "tpu.region"() ({
        %run_scoped3A = tpu.sem_alloc : memref<!tpu.dma_semaphore, #tpu.memory_space<semaphore_mem>>
        %dma_start3A_258 = arith.constant 0 : i32
        %dma_start3A_259 = tpu.memref_slice %arg11[%add3A_202, %dma_start3A_258] : memref<160x128xi32, #tpu.memory_space<vmem>> -> memref<1x128xi32, #tpu.memory_space<vmem>>
        %dma_start3A_260 = tpu.memref_squeeze %dma_start3A_259 : memref<1x128xi32, #tpu.memory_space<vmem>> -> memref<128xi32, #tpu.memory_space<vmem>>
        %dma_start3A_261 = arith.constant 0 : i32
        %dma_start3A_262 = arith.constant 0 : i32
        %dma_start3A_263 = tpu.memref_slice %arg16[%dma_start3A_261, %dma_start3A_262] : memref<10016x64xf32, #tpu.memory_space<vmem_shared>> -> memref<10016x64xf32, #tpu.memory_space<vmem_shared>>
        tpu.enqueue_indirect_dma source(%arg12 : memref<128x64xf32, #tpu.memory_space<vmem>>) target(%dma_start3A_263 : memref<10016x64xf32, #tpu.memory_space<vmem_shared>>) offsets(%dma_start3A_260 : memref<128xi32, #tpu.memory_space<vmem>>) semaphore(%run_scoped3A : memref<!tpu.dma_semaphore, #tpu.memory_space<semaphore_mem>>) {add = true}
        %dma_wait3A_264 = arith.constant 0 : i32
        %dma_wait3A_265 = tpu.memref_slice %arg11[%add3A_202, %dma_wait3A_264] : memref<160x128xi32, #tpu.memory_space<vmem>> -> memref<1x128xi32, #tpu.memory_space<vmem>>
        %dma_wait3A_266 = tpu.memref_squeeze %dma_wait3A_265 : memref<1x128xi32, #tpu.memory_space<vmem>> -> memref<128xi32, #tpu.memory_space<vmem>>
        %dma_wait3A_267 = arith.constant 0 : i32
        %dma_wait3A_268 = arith.constant 0 : i32
        %dma_wait3A_269 = tpu.memref_slice %arg16[%dma_wait3A_267, %dma_wait3A_268] : memref<10016x64xf32, #tpu.memory_space<vmem_shared>> -> memref<10016x64xf32, #tpu.memory_space<vmem_shared>>
        tpu.wait_indirect_dma semaphore(%run_scoped3A : memref<!tpu.dma_semaphore, #tpu.memory_space<semaphore_mem>>) src(%arg12 : memref<128x64xf32, #tpu.memory_space<vmem>>) dst(%dma_wait3A_269 : memref<10016x64xf32, #tpu.memory_space<vmem_shared>>)
        tpu.yield
      }) : () -> ()
      %lt3A_208 = arith.constant 156 : i32
      %lt3A_209 = arith.cmpi slt, %add3A_202, %lt3A_208 : i32
      %convert_element_type3A_210 = arith.extui %lt3A_209 : i1 to i32
      %cond3A_211 = arith.constant 0 : i32
      %cond3A_212 = arith.cmpi ne, %convert_element_type3A_210, %cond3A_211 : i32
      scf.if %cond3A_212 {
        %add3A_258 = arith.constant 4 : i32
        %add3A_259 = arith.addi %add3A_202, %add3A_258 : i32
        %dma_start3A_260 = arith.constant 0 : i32
        %dma_start3A_261 = tpu.memref_slice %arg10[%add3A_259, %dma_start3A_260] : memref<160x128xi32, #tpu.memory_space<vmem>> -> memref<1x128xi32, #tpu.memory_space<vmem>>
        %dma_start3A_262 = tpu.memref_squeeze %dma_start3A_261 : memref<1x128xi32, #tpu.memory_space<vmem>> -> memref<128xi32, #tpu.memory_space<vmem>>
        %dma_start3A_263 = arith.constant 0 : i32
        %dma_start3A_264 = arith.constant 0 : i32
        %dma_start3A_265 = tpu.memref_slice %arg7[%dma_start3A_263, %dma_start3A_264] : memref<20000x64xf32, #tpu.memory_space<hbm>> -> memref<20000x64xf32, #tpu.memory_space<hbm>>
        tpu.enqueue_indirect_dma source(%dma_start3A_265 : memref<20000x64xf32, #tpu.memory_space<hbm>>) target(%arg12 : memref<128x64xf32, #tpu.memory_space<vmem>>) offsets(%dma_start3A_262 : memref<128xi32, #tpu.memory_space<vmem>>) semaphore(%arg17 : memref<!tpu.dma_semaphore, #tpu.memory_space<semaphore_mem>>)
      } else {
      }
      %mul3A_213 = arith.constant 4 : i32
      %mul3A_214 = arith.muli %scan3A_199, %mul3A_213 : i32
      %add3A_215 = arith.constant 1 : i32
      %add3A_216 = arith.addi %mul3A_214, %add3A_215 : i32
      %dma_wait3A_217 = arith.constant 0 : i32
      %dma_wait3A_218 = tpu.memref_slice %arg10[%add3A_216, %dma_wait3A_217] : memref<160x128xi32, #tpu.memory_space<vmem>> -> memref<1x128xi32, #tpu.memory_space<vmem>>
      %dma_wait3A_219 = tpu.memref_squeeze %dma_wait3A_218 : memref<1x128xi32, #tpu.memory_space<vmem>> -> memref<128xi32, #tpu.memory_space<vmem>>
      %dma_wait3A_220 = arith.constant 0 : i32
      %dma_wait3A_221 = arith.constant 0 : i32
      %dma_wait3A_222 = tpu.memref_slice %arg7[%dma_wait3A_220, %dma_wait3A_221] : memref<20000x64xf32, #tpu.memory_space<hbm>> -> memref<20000x64xf32, #tpu.memory_space<hbm>>
      tpu.wait_indirect_dma semaphore(%arg18 : memref<!tpu.dma_semaphore, #tpu.memory_space<semaphore_mem>>) src(%dma_wait3A_222 : memref<20000x64xf32, #tpu.memory_space<hbm>>) dst(%arg13 : memref<128x64xf32, #tpu.memory_space<vmem>>)
      "tpu.region"() ({
        %run_scoped3A = tpu.sem_alloc : memref<!tpu.dma_semaphore, #tpu.memory_space<semaphore_mem>>
        %dma_start3A_258 = arith.constant 0 : i32
        %dma_start3A_259 = tpu.memref_slice %arg11[%add3A_216, %dma_start3A_258] : memref<160x128xi32, #tpu.memory_space<vmem>> -> memref<1x128xi32, #tpu.memory_space<vmem>>
        %dma_start3A_260 = tpu.memref_squeeze %dma_start3A_259 : memref<1x128xi32, #tpu.memory_space<vmem>> -> memref<128xi32, #tpu.memory_space<vmem>>
        %dma_start3A_261 = arith.constant 0 : i32
        %dma_start3A_262 = arith.constant 0 : i32
        %dma_start3A_263 = tpu.memref_slice %arg16[%dma_start3A_261, %dma_start3A_262] : memref<10016x64xf32, #tpu.memory_space<vmem_shared>> -> memref<10016x64xf32, #tpu.memory_space<vmem_shared>>
        tpu.enqueue_indirect_dma source(%arg13 : memref<128x64xf32, #tpu.memory_space<vmem>>) target(%dma_start3A_263 : memref<10016x64xf32, #tpu.memory_space<vmem_shared>>) offsets(%dma_start3A_260 : memref<128xi32, #tpu.memory_space<vmem>>) semaphore(%run_scoped3A : memref<!tpu.dma_semaphore, #tpu.memory_space<semaphore_mem>>) {add = true}
        %dma_wait3A_264 = arith.constant 0 : i32
        %dma_wait3A_265 = tpu.memref_slice %arg11[%add3A_216, %dma_wait3A_264] : memref<160x128xi32, #tpu.memory_space<vmem>> -> memref<1x128xi32, #tpu.memory_space<vmem>>
        %dma_wait3A_266 = tpu.memref_squeeze %dma_wait3A_265 : memref<1x128xi32, #tpu.memory_space<vmem>> -> memref<128xi32, #tpu.memory_space<vmem>>
        %dma_wait3A_267 = arith.constant 0 : i32
        %dma_wait3A_268 = arith.constant 0 : i32
        %dma_wait3A_269 = tpu.memref_slice %arg16[%dma_wait3A_267, %dma_wait3A_268] : memref<10016x64xf32, #tpu.memory_space<vmem_shared>> -> memref<10016x64xf32, #tpu.memory_space<vmem_shared>>
        tpu.wait_indirect_dma semaphore(%run_scoped3A : memref<!tpu.dma_semaphore, #tpu.memory_space<semaphore_mem>>) src(%arg13 : memref<128x64xf32, #tpu.memory_space<vmem>>) dst(%dma_wait3A_269 : memref<10016x64xf32, #tpu.memory_space<vmem_shared>>)
        tpu.yield
      }) : () -> ()
      %lt3A_223 = arith.constant 156 : i32
      %lt3A_224 = arith.cmpi slt, %add3A_216, %lt3A_223 : i32
      %convert_element_type3A_225 = arith.extui %lt3A_224 : i1 to i32
      %cond3A_226 = arith.constant 0 : i32
      %cond3A_227 = arith.cmpi ne, %convert_element_type3A_225, %cond3A_226 : i32
      scf.if %cond3A_227 {
        %add3A_258 = arith.constant 4 : i32
        %add3A_259 = arith.addi %add3A_216, %add3A_258 : i32
        %dma_start3A_260 = arith.constant 0 : i32
        %dma_start3A_261 = tpu.memref_slice %arg10[%add3A_259, %dma_start3A_260] : memref<160x128xi32, #tpu.memory_space<vmem>> -> memref<1x128xi32, #tpu.memory_space<vmem>>
        %dma_start3A_262 = tpu.memref_squeeze %dma_start3A_261 : memref<1x128xi32, #tpu.memory_space<vmem>> -> memref<128xi32, #tpu.memory_space<vmem>>
        %dma_start3A_263 = arith.constant 0 : i32
        %dma_start3A_264 = arith.constant 0 : i32
        %dma_start3A_265 = tpu.memref_slice %arg7[%dma_start3A_263, %dma_start3A_264] : memref<20000x64xf32, #tpu.memory_space<hbm>> -> memref<20000x64xf32, #tpu.memory_space<hbm>>
        tpu.enqueue_indirect_dma source(%dma_start3A_265 : memref<20000x64xf32, #tpu.memory_space<hbm>>) target(%arg13 : memref<128x64xf32, #tpu.memory_space<vmem>>) offsets(%dma_start3A_262 : memref<128xi32, #tpu.memory_space<vmem>>) semaphore(%arg18 : memref<!tpu.dma_semaphore, #tpu.memory_space<semaphore_mem>>)
      } else {
      }
      %mul3A_228 = arith.constant 4 : i32
      %mul3A_229 = arith.muli %scan3A_199, %mul3A_228 : i32
      %add3A_230 = arith.constant 2 : i32
      %add3A_231 = arith.addi %mul3A_229, %add3A_230 : i32
      %dma_wait3A_232 = arith.constant 0 : i32
      %dma_wait3A_233 = tpu.memref_slice %arg10[%add3A_231, %dma_wait3A_232] : memref<160x128xi32, #tpu.memory_space<vmem>> -> memref<1x128xi32, #tpu.memory_space<vmem>>
      %dma_wait3A_234 = tpu.memref_squeeze %dma_wait3A_233 : memref<1x128xi32, #tpu.memory_space<vmem>> -> memref<128xi32, #tpu.memory_space<vmem>>
      %dma_wait3A_235 = arith.constant 0 : i32
      %dma_wait3A_236 = arith.constant 0 : i32
      %dma_wait3A_237 = tpu.memref_slice %arg7[%dma_wait3A_235, %dma_wait3A_236] : memref<20000x64xf32, #tpu.memory_space<hbm>> -> memref<20000x64xf32, #tpu.memory_space<hbm>>
      tpu.wait_indirect_dma semaphore(%arg19 : memref<!tpu.dma_semaphore, #tpu.memory_space<semaphore_mem>>) src(%dma_wait3A_237 : memref<20000x64xf32, #tpu.memory_space<hbm>>) dst(%arg14 : memref<128x64xf32, #tpu.memory_space<vmem>>)
      "tpu.region"() ({
        %run_scoped3A = tpu.sem_alloc : memref<!tpu.dma_semaphore, #tpu.memory_space<semaphore_mem>>
        %dma_start3A_258 = arith.constant 0 : i32
        %dma_start3A_259 = tpu.memref_slice %arg11[%add3A_231, %dma_start3A_258] : memref<160x128xi32, #tpu.memory_space<vmem>> -> memref<1x128xi32, #tpu.memory_space<vmem>>
        %dma_start3A_260 = tpu.memref_squeeze %dma_start3A_259 : memref<1x128xi32, #tpu.memory_space<vmem>> -> memref<128xi32, #tpu.memory_space<vmem>>
        %dma_start3A_261 = arith.constant 0 : i32
        %dma_start3A_262 = arith.constant 0 : i32
        %dma_start3A_263 = tpu.memref_slice %arg16[%dma_start3A_261, %dma_start3A_262] : memref<10016x64xf32, #tpu.memory_space<vmem_shared>> -> memref<10016x64xf32, #tpu.memory_space<vmem_shared>>
        tpu.enqueue_indirect_dma source(%arg14 : memref<128x64xf32, #tpu.memory_space<vmem>>) target(%dma_start3A_263 : memref<10016x64xf32, #tpu.memory_space<vmem_shared>>) offsets(%dma_start3A_260 : memref<128xi32, #tpu.memory_space<vmem>>) semaphore(%run_scoped3A : memref<!tpu.dma_semaphore, #tpu.memory_space<semaphore_mem>>) {add = true}
        %dma_wait3A_264 = arith.constant 0 : i32
        %dma_wait3A_265 = tpu.memref_slice %arg11[%add3A_231, %dma_wait3A_264] : memref<160x128xi32, #tpu.memory_space<vmem>> -> memref<1x128xi32, #tpu.memory_space<vmem>>
        %dma_wait3A_266 = tpu.memref_squeeze %dma_wait3A_265 : memref<1x128xi32, #tpu.memory_space<vmem>> -> memref<128xi32, #tpu.memory_space<vmem>>
        %dma_wait3A_267 = arith.constant 0 : i32
        %dma_wait3A_268 = arith.constant 0 : i32
        %dma_wait3A_269 = tpu.memref_slice %arg16[%dma_wait3A_267, %dma_wait3A_268] : memref<10016x64xf32, #tpu.memory_space<vmem_shared>> -> memref<10016x64xf32, #tpu.memory_space<vmem_shared>>
        tpu.wait_indirect_dma semaphore(%run_scoped3A : memref<!tpu.dma_semaphore, #tpu.memory_space<semaphore_mem>>) src(%arg14 : memref<128x64xf32, #tpu.memory_space<vmem>>) dst(%dma_wait3A_269 : memref<10016x64xf32, #tpu.memory_space<vmem_shared>>)
        tpu.yield
      }) : () -> ()
      %lt3A_238 = arith.constant 156 : i32
      %lt3A_239 = arith.cmpi slt, %add3A_231, %lt3A_238 : i32
      %convert_element_type3A_240 = arith.extui %lt3A_239 : i1 to i32
      %cond3A_241 = arith.constant 0 : i32
      %cond3A_242 = arith.cmpi ne, %convert_element_type3A_240, %cond3A_241 : i32
      scf.if %cond3A_242 {
        %add3A_258 = arith.constant 4 : i32
        %add3A_259 = arith.addi %add3A_231, %add3A_258 : i32
        %dma_start3A_260 = arith.constant 0 : i32
        %dma_start3A_261 = tpu.memref_slice %arg10[%add3A_259, %dma_start3A_260] : memref<160x128xi32, #tpu.memory_space<vmem>> -> memref<1x128xi32, #tpu.memory_space<vmem>>
        %dma_start3A_262 = tpu.memref_squeeze %dma_start3A_261 : memref<1x128xi32, #tpu.memory_space<vmem>> -> memref<128xi32, #tpu.memory_space<vmem>>
        %dma_start3A_263 = arith.constant 0 : i32
        %dma_start3A_264 = arith.constant 0 : i32
        %dma_start3A_265 = tpu.memref_slice %arg7[%dma_start3A_263, %dma_start3A_264] : memref<20000x64xf32, #tpu.memory_space<hbm>> -> memref<20000x64xf32, #tpu.memory_space<hbm>>
        tpu.enqueue_indirect_dma source(%dma_start3A_265 : memref<20000x64xf32, #tpu.memory_space<hbm>>) target(%arg14 : memref<128x64xf32, #tpu.memory_space<vmem>>) offsets(%dma_start3A_262 : memref<128xi32, #tpu.memory_space<vmem>>) semaphore(%arg19 : memref<!tpu.dma_semaphore, #tpu.memory_space<semaphore_mem>>)
      } else {
      }
      %mul3A_243 = arith.constant 4 : i32
      %mul3A_244 = arith.muli %scan3A_199, %mul3A_243 : i32
      %add3A_245 = arith.constant 3 : i32
      %add3A_246 = arith.addi %mul3A_244, %add3A_245 : i32
      %dma_wait3A_247 = arith.constant 0 : i32
      %dma_wait3A_248 = tpu.memref_slice %arg10[%add3A_246, %dma_wait3A_247] : memref<160x128xi32, #tpu.memory_space<vmem>> -> memref<1x128xi32, #tpu.memory_space<vmem>>
      %dma_wait3A_249 = tpu.memref_squeeze %dma_wait3A_248 : memref<1x128xi32, #tpu.memory_space<vmem>> -> memref<128xi32, #tpu.memory_space<vmem>>
      %dma_wait3A_250 = arith.constant 0 : i32
      %dma_wait3A_251 = arith.constant 0 : i32
      %dma_wait3A_252 = tpu.memref_slice %arg7[%dma_wait3A_250, %dma_wait3A_251] : memref<20000x64xf32, #tpu.memory_space<hbm>> -> memref<20000x64xf32, #tpu.memory_space<hbm>>
      tpu.wait_indirect_dma semaphore(%arg20 : memref<!tpu.dma_semaphore, #tpu.memory_space<semaphore_mem>>) src(%dma_wait3A_252 : memref<20000x64xf32, #tpu.memory_space<hbm>>) dst(%arg15 : memref<128x64xf32, #tpu.memory_space<vmem>>)
      "tpu.region"() ({
        %run_scoped3A = tpu.sem_alloc : memref<!tpu.dma_semaphore, #tpu.memory_space<semaphore_mem>>
        %dma_start3A_258 = arith.constant 0 : i32
        %dma_start3A_259 = tpu.memref_slice %arg11[%add3A_246, %dma_start3A_258] : memref<160x128xi32, #tpu.memory_space<vmem>> -> memref<1x128xi32, #tpu.memory_space<vmem>>
        %dma_start3A_260 = tpu.memref_squeeze %dma_start3A_259 : memref<1x128xi32, #tpu.memory_space<vmem>> -> memref<128xi32, #tpu.memory_space<vmem>>
        %dma_start3A_261 = arith.constant 0 : i32
        %dma_start3A_262 = arith.constant 0 : i32
        %dma_start3A_263 = tpu.memref_slice %arg16[%dma_start3A_261, %dma_start3A_262] : memref<10016x64xf32, #tpu.memory_space<vmem_shared>> -> memref<10016x64xf32, #tpu.memory_space<vmem_shared>>
        tpu.enqueue_indirect_dma source(%arg15 : memref<128x64xf32, #tpu.memory_space<vmem>>) target(%dma_start3A_263 : memref<10016x64xf32, #tpu.memory_space<vmem_shared>>) offsets(%dma_start3A_260 : memref<128xi32, #tpu.memory_space<vmem>>) semaphore(%run_scoped3A : memref<!tpu.dma_semaphore, #tpu.memory_space<semaphore_mem>>) {add = true}
        %dma_wait3A_264 = arith.constant 0 : i32
        %dma_wait3A_265 = tpu.memref_slice %arg11[%add3A_246, %dma_wait3A_264] : memref<160x128xi32, #tpu.memory_space<vmem>> -> memref<1x128xi32, #tpu.memory_space<vmem>>
        %dma_wait3A_266 = tpu.memref_squeeze %dma_wait3A_265 : memref<1x128xi32, #tpu.memory_space<vmem>> -> memref<128xi32, #tpu.memory_space<vmem>>
        %dma_wait3A_267 = arith.constant 0 : i32
        %dma_wait3A_268 = arith.constant 0 : i32
        %dma_wait3A_269 = tpu.memref_slice %arg16[%dma_wait3A_267, %dma_wait3A_268] : memref<10016x64xf32, #tpu.memory_space<vmem_shared>> -> memref<10016x64xf32, #tpu.memory_space<vmem_shared>>
        tpu.wait_indirect_dma semaphore(%run_scoped3A : memref<!tpu.dma_semaphore, #tpu.memory_space<semaphore_mem>>) src(%arg15 : memref<128x64xf32, #tpu.memory_space<vmem>>) dst(%dma_wait3A_269 : memref<10016x64xf32, #tpu.memory_space<vmem_shared>>)
        tpu.yield
      }) : () -> ()
      %lt3A_253 = arith.constant 156 : i32
      %lt3A_254 = arith.cmpi slt, %add3A_246, %lt3A_253 : i32
      %convert_element_type3A_255 = arith.extui %lt3A_254 : i1 to i32
      %cond3A_256 = arith.constant 0 : i32
      %cond3A_257 = arith.cmpi ne, %convert_element_type3A_255, %cond3A_256 : i32
      scf.if %cond3A_257 {
        %add3A_258 = arith.constant 4 : i32
        %add3A_259 = arith.addi %add3A_246, %add3A_258 : i32
        %dma_start3A_260 = arith.constant 0 : i32
        %dma_start3A_261 = tpu.memref_slice %arg10[%add3A_259, %dma_start3A_260] : memref<160x128xi32, #tpu.memory_space<vmem>> -> memref<1x128xi32, #tpu.memory_space<vmem>>
        %dma_start3A_262 = tpu.memref_squeeze %dma_start3A_261 : memref<1x128xi32, #tpu.memory_space<vmem>> -> memref<128xi32, #tpu.memory_space<vmem>>
        %dma_start3A_263 = arith.constant 0 : i32
        %dma_start3A_264 = arith.constant 0 : i32
        %dma_start3A_265 = tpu.memref_slice %arg7[%dma_start3A_263, %dma_start3A_264] : memref<20000x64xf32, #tpu.memory_space<hbm>> -> memref<20000x64xf32, #tpu.memory_space<hbm>>
        tpu.enqueue_indirect_dma source(%dma_start3A_265 : memref<20000x64xf32, #tpu.memory_space<hbm>>) target(%arg15 : memref<128x64xf32, #tpu.memory_space<vmem>>) offsets(%dma_start3A_262 : memref<128xi32, #tpu.memory_space<vmem>>) semaphore(%arg20 : memref<!tpu.dma_semaphore, #tpu.memory_space<semaphore_mem>>)
      } else {
      }
    }
    %scan3A_140 = arith.constant 40 : i32
    %barrier3A_141 = arith.constant 0 : index
    tpu.barrier barrier_id(%barrier3A_141)
    %lt3A_142 = arith.constant 15 : i32
    %lt3A_143 = arith.cmpi slt, %arg1, %lt3A_142 : i32
    %convert_element_type3A_144 = arith.extui %lt3A_143 : i1 to i32
    %cond3A_145 = arith.constant 0 : i32
    %cond3A_146 = arith.cmpi ne, %convert_element_type3A_144, %cond3A_145 : i32
    scf.if %cond3A_146 {
      %mul3A_199 = arith.constant 640 : i32
      %mul3A_200 = arith.muli %arg1, %mul3A_199 : i32
      %mul3A_201 = arith.constant 640 : i32
      %mul3A_202 = arith.muli %arg1, %mul3A_201 : i32
      %add3A = arith.addi %mul3A_0, %mul3A_202 : i32
      "tpu.region"() ({
        %run_scoped3A = tpu.sem_alloc : memref<!tpu.dma_semaphore, #tpu.memory_space<semaphore_mem>>
        %dma_start3A_207 = arith.constant 0 : i32
        %dma_start3A_208 = tpu.memref_slice %arg8[%add3A, %dma_start3A_207] : memref<20000x64xf32, #tpu.memory_space<hbm>> -> memref<640x64xf32, #tpu.memory_space<hbm>>
        %dma_start3A_209 = arith.constant 0 : i32
        %dma_start3A_210 = tpu.memref_slice %arg16[%mul3A_200, %dma_start3A_209] : memref<10016x64xf32, #tpu.memory_space<vmem_shared>> -> memref<640x64xf32, #tpu.memory_space<vmem_shared>>
        tpu.enqueue_dma source(%dma_start3A_210 : memref<640x64xf32, #tpu.memory_space<vmem_shared>>) target(%dma_start3A_208 : memref<640x64xf32, #tpu.memory_space<hbm>>) target_semaphore(%run_scoped3A : memref<!tpu.dma_semaphore, #tpu.memory_space<semaphore_mem>>)
        %dma_wait3A = arith.constant 0 : i32
        %dma_wait3A_211 = tpu.memref_slice %arg8[%add3A, %dma_wait3A] : memref<20000x64xf32, #tpu.memory_space<hbm>> -> memref<640x64xf32, #tpu.memory_space<hbm>>
        %dma_wait3A_212 = arith.constant 0 : i32
        %dma_wait3A_213 = tpu.memref_slice %arg16[%mul3A_200, %dma_wait3A_212] : memref<10016x64xf32, #tpu.memory_space<vmem_shared>> -> memref<640x64xf32, #tpu.memory_space<vmem_shared>>
        tpu.wait_dma2 semaphore(%run_scoped3A : memref<!tpu.dma_semaphore, #tpu.memory_space<semaphore_mem>>) src(%dma_wait3A_213 : memref<640x64xf32, #tpu.memory_space<vmem_shared>>) dst(%dma_wait3A_211 : memref<640x64xf32, #tpu.memory_space<hbm>>)
        tpu.yield
      }) : () -> ()
      %mul3A_203 = arith.constant 640 : i32
      %mul3A_204 = arith.muli %arg1, %mul3A_203 : i32
      %mul3A_205 = arith.constant 640 : i32
      %mul3A_206 = arith.muli %arg1, %mul3A_205 : i32
      "tpu.region"() ({
        %run_scoped3A = tpu.sem_alloc : memref<!tpu.dma_semaphore, #tpu.memory_space<semaphore_mem>>
        %dma_start3A_207 = arith.constant 0 : i32
        %dma_start3A_208 = tpu.memref_slice %arg16[%mul3A_206, %dma_start3A_207] : memref<10016x64xf32, #tpu.memory_space<vmem_shared>> -> memref<640x64xf32, #tpu.memory_space<vmem_shared>>
        %dma_start3A_209 = arith.constant 0 : i32
        %dma_start3A_210 = tpu.memref_slice %arg5[%mul3A_204, %dma_start3A_209] : memref<10016x64xf32, #tpu.memory_space<hbm>> -> memref<640x64xf32, #tpu.memory_space<hbm>>
        tpu.enqueue_dma source(%dma_start3A_210 : memref<640x64xf32, #tpu.memory_space<hbm>>) target(%dma_start3A_208 : memref<640x64xf32, #tpu.memory_space<vmem_shared>>) target_semaphore(%run_scoped3A : memref<!tpu.dma_semaphore, #tpu.memory_space<semaphore_mem>>)
        %dma_wait3A = arith.constant 0 : i32
        %dma_wait3A_211 = tpu.memref_slice %arg16[%mul3A_206, %dma_wait3A] : memref<10016x64xf32, #tpu.memory_space<vmem_shared>> -> memref<640x64xf32, #tpu.memory_space<vmem_shared>>
        %dma_wait3A_212 = arith.constant 0 : i32
        %dma_wait3A_213 = tpu.memref_slice %arg5[%mul3A_204, %dma_wait3A_212] : memref<10016x64xf32, #tpu.memory_space<hbm>> -> memref<640x64xf32, #tpu.memory_space<hbm>>
        tpu.wait_dma2 semaphore(%run_scoped3A : memref<!tpu.dma_semaphore, #tpu.memory_space<semaphore_mem>>) src(%dma_wait3A_213 : memref<640x64xf32, #tpu.memory_space<hbm>>) dst(%dma_wait3A_211 : memref<640x64xf32, #tpu.memory_space<vmem_shared>>)
        tpu.yield
      }) : () -> ()
    } else {
    }
    %eq3A_147 = arith.constant 15 : i32
    %eq3A_148 = arith.cmpi eq, %arg1, %eq3A_147 : i32
    %convert_element_type3A_149 = arith.extui %eq3A_148 : i1 to i32
    %cond3A_150 = arith.constant 0 : i32
    %cond3A_151 = arith.cmpi ne, %convert_element_type3A_149, %cond3A_150 : i32
    scf.if %cond3A_151 {
      %add3A = arith.constant 9600 : i32
      %add3A_199 = arith.addi %mul3A_0, %add3A : i32
      "tpu.region"() ({
        %run_scoped3A = tpu.sem_alloc : memref<!tpu.dma_semaphore, #tpu.memory_space<semaphore_mem>>
        %dma_start3A_200 = arith.constant 0 : i32
        %dma_start3A_201 = tpu.memref_slice %arg8[%add3A_199, %dma_start3A_200] : memref<20000x64xf32, #tpu.memory_space<hbm>> -> memref<400x64xf32, #tpu.memory_space<hbm>>
        %dma_start3A_202 = arith.constant 9600 : i32
        %dma_start3A_203 = arith.constant 0 : i32
        %dma_start3A_204 = tpu.memref_slice %arg16[%dma_start3A_202, %dma_start3A_203] : memref<10016x64xf32, #tpu.memory_space<vmem_shared>> -> memref<400x64xf32, #tpu.memory_space<vmem_shared>>
        tpu.enqueue_dma source(%dma_start3A_204 : memref<400x64xf32, #tpu.memory_space<vmem_shared>>) target(%dma_start3A_201 : memref<400x64xf32, #tpu.memory_space<hbm>>) target_semaphore(%run_scoped3A : memref<!tpu.dma_semaphore, #tpu.memory_space<semaphore_mem>>)
        %dma_wait3A = arith.constant 0 : i32
        %dma_wait3A_205 = tpu.memref_slice %arg8[%add3A_199, %dma_wait3A] : memref<20000x64xf32, #tpu.memory_space<hbm>> -> memref<400x64xf32, #tpu.memory_space<hbm>>
        %dma_wait3A_206 = arith.constant 9600 : i32
        %dma_wait3A_207 = arith.constant 0 : i32
        %dma_wait3A_208 = tpu.memref_slice %arg16[%dma_wait3A_206, %dma_wait3A_207] : memref<10016x64xf32, #tpu.memory_space<vmem_shared>> -> memref<400x64xf32, #tpu.memory_space<vmem_shared>>
        tpu.wait_dma2 semaphore(%run_scoped3A : memref<!tpu.dma_semaphore, #tpu.memory_space<semaphore_mem>>) src(%dma_wait3A_208 : memref<400x64xf32, #tpu.memory_space<vmem_shared>>) dst(%dma_wait3A_205 : memref<400x64xf32, #tpu.memory_space<hbm>>)
        tpu.yield
      }) : () -> ()
      "tpu.region"() ({
        %run_scoped3A = tpu.sem_alloc : memref<!tpu.dma_semaphore, #tpu.memory_space<semaphore_mem>>
        %dma_start3A_200 = arith.constant 9600 : i32
        %dma_start3A_201 = arith.constant 0 : i32
        %dma_start3A_202 = tpu.memref_slice %arg16[%dma_start3A_200, %dma_start3A_201] : memref<10016x64xf32, #tpu.memory_space<vmem_shared>> -> memref<416x64xf32, #tpu.memory_space<vmem_shared>>
        %dma_start3A_203 = arith.constant 9600 : i32
        %dma_start3A_204 = arith.constant 0 : i32
        %dma_start3A_205 = tpu.memref_slice %arg5[%dma_start3A_203, %dma_start3A_204] : memref<10016x64xf32, #tpu.memory_space<hbm>> -> memref<416x64xf32, #tpu.memory_space<hbm>>
        tpu.enqueue_dma source(%dma_start3A_205 : memref<416x64xf32, #tpu.memory_space<hbm>>) target(%dma_start3A_202 : memref<416x64xf32, #tpu.memory_space<vmem_shared>>) target_semaphore(%run_scoped3A : memref<!tpu.dma_semaphore, #tpu.memory_space<semaphore_mem>>)
        %dma_wait3A = arith.constant 9600 : i32
        %dma_wait3A_206 = arith.constant 0 : i32
        %dma_wait3A_207 = tpu.memref_slice %arg16[%dma_wait3A, %dma_wait3A_206] : memref<10016x64xf32, #tpu.memory_space<vmem_shared>> -> memref<416x64xf32, #tpu.memory_space<vmem_shared>>
        %dma_wait3A_208 = arith.constant 9600 : i32
        %dma_wait3A_209 = arith.constant 0 : i32
        %dma_wait3A_210 = tpu.memref_slice %arg5[%dma_wait3A_208, %dma_wait3A_209] : memref<10016x64xf32, #tpu.memory_space<hbm>> -> memref<416x64xf32, #tpu.memory_space<hbm>>
        tpu.wait_dma2 semaphore(%run_scoped3A : memref<!tpu.dma_semaphore, #tpu.memory_space<semaphore_mem>>) src(%dma_wait3A_210 : memref<416x64xf32, #tpu.memory_space<hbm>>) dst(%dma_wait3A_207 : memref<416x64xf32, #tpu.memory_space<vmem_shared>>)
        tpu.yield
      }) : () -> ()
    } else {
    }
    %barrier3A_152 = arith.constant 0 : index
    tpu.barrier barrier_id(%barrier3A_152)
    %dma_start3A_153 = arith.constant 0 : i32
    %dma_start3A_154 = arith.constant 0 : i32
    %dma_start3A_155 = tpu.memref_slice %arg10[%dma_start3A_153, %dma_start3A_154] : memref<160x128xi32, #tpu.memory_space<vmem>> -> memref<1x128xi32, #tpu.memory_space<vmem>>
    %dma_start3A_156 = tpu.memref_squeeze %dma_start3A_155 : memref<1x128xi32, #tpu.memory_space<vmem>> -> memref<128xi32, #tpu.memory_space<vmem>>
    %dma_start3A_157 = arith.constant 0 : i32
    %dma_start3A_158 = arith.constant 0 : i32
    %dma_start3A_159 = tpu.memref_slice %arg8[%dma_start3A_157, %dma_start3A_158] : memref<20000x64xf32, #tpu.memory_space<hbm>> -> memref<20000x64xf32, #tpu.memory_space<hbm>>
    tpu.enqueue_indirect_dma source(%dma_start3A_159 : memref<20000x64xf32, #tpu.memory_space<hbm>>) target(%arg12 : memref<128x64xf32, #tpu.memory_space<vmem>>) offsets(%dma_start3A_156 : memref<128xi32, #tpu.memory_space<vmem>>) semaphore(%arg17 : memref<!tpu.dma_semaphore, #tpu.memory_space<semaphore_mem>>)
    %dma_start3A_160 = arith.constant 1 : i32
    %dma_start3A_161 = arith.constant 0 : i32
    %dma_start3A_162 = tpu.memref_slice %arg10[%dma_start3A_160, %dma_start3A_161] : memref<160x128xi32, #tpu.memory_space<vmem>> -> memref<1x128xi32, #tpu.memory_space<vmem>>
    %dma_start3A_163 = tpu.memref_squeeze %dma_start3A_162 : memref<1x128xi32, #tpu.memory_space<vmem>> -> memref<128xi32, #tpu.memory_space<vmem>>
    %dma_start3A_164 = arith.constant 0 : i32
    %dma_start3A_165 = arith.constant 0 : i32
    %dma_start3A_166 = tpu.memref_slice %arg8[%dma_start3A_164, %dma_start3A_165] : memref<20000x64xf32, #tpu.memory_space<hbm>> -> memref<20000x64xf32, #tpu.memory_space<hbm>>
    tpu.enqueue_indirect_dma source(%dma_start3A_166 : memref<20000x64xf32, #tpu.memory_space<hbm>>) target(%arg13 : memref<128x64xf32, #tpu.memory_space<vmem>>) offsets(%dma_start3A_163 : memref<128xi32, #tpu.memory_space<vmem>>) semaphore(%arg18 : memref<!tpu.dma_semaphore, #tpu.memory_space<semaphore_mem>>)
    %dma_start3A_167 = arith.constant 2 : i32
    %dma_start3A_168 = arith.constant 0 : i32
    %dma_start3A_169 = tpu.memref_slice %arg10[%dma_start3A_167, %dma_start3A_168] : memref<160x128xi32, #tpu.memory_space<vmem>> -> memref<1x128xi32, #tpu.memory_space<vmem>>
    %dma_start3A_170 = tpu.memref_squeeze %dma_start3A_169 : memref<1x128xi32, #tpu.memory_space<vmem>> -> memref<128xi32, #tpu.memory_space<vmem>>
    %dma_start3A_171 = arith.constant 0 : i32
    %dma_start3A_172 = arith.constant 0 : i32
    %dma_start3A_173 = tpu.memref_slice %arg8[%dma_start3A_171, %dma_start3A_172] : memref<20000x64xf32, #tpu.memory_space<hbm>> -> memref<20000x64xf32, #tpu.memory_space<hbm>>
    tpu.enqueue_indirect_dma source(%dma_start3A_173 : memref<20000x64xf32, #tpu.memory_space<hbm>>) target(%arg14 : memref<128x64xf32, #tpu.memory_space<vmem>>) offsets(%dma_start3A_170 : memref<128xi32, #tpu.memory_space<vmem>>) semaphore(%arg19 : memref<!tpu.dma_semaphore, #tpu.memory_space<semaphore_mem>>)
    %dma_start3A_174 = arith.constant 3 : i32
    %dma_start3A_175 = arith.constant 0 : i32
    %dma_start3A_176 = tpu.memref_slice %arg10[%dma_start3A_174, %dma_start3A_175] : memref<160x128xi32, #tpu.memory_space<vmem>> -> memref<1x128xi32, #tpu.memory_space<vmem>>
    %dma_start3A_177 = tpu.memref_squeeze %dma_start3A_176 : memref<1x128xi32, #tpu.memory_space<vmem>> -> memref<128xi32, #tpu.memory_space<vmem>>
    %dma_start3A_178 = arith.constant 0 : i32
    %dma_start3A_179 = arith.constant 0 : i32
    %dma_start3A_180 = tpu.memref_slice %arg8[%dma_start3A_178, %dma_start3A_179] : memref<20000x64xf32, #tpu.memory_space<hbm>> -> memref<20000x64xf32, #tpu.memory_space<hbm>>
    tpu.enqueue_indirect_dma source(%dma_start3A_180 : memref<20000x64xf32, #tpu.memory_space<hbm>>) target(%arg15 : memref<128x64xf32, #tpu.memory_space<vmem>>) offsets(%dma_start3A_177 : memref<128xi32, #tpu.memory_space<vmem>>) semaphore(%arg20 : memref<!tpu.dma_semaphore, #tpu.memory_space<semaphore_mem>>)
    %scan3A_181 = arith.constant 0 : i32
    %scan3A_182 = arith.constant 0 : i32
    %scan3A_183 = arith.constant 40 : i32
    %scan3A_184 = arith.addi %scan3A_182, %scan3A_183 : i32
    %scan3A_185 = arith.constant 1 : i32
    scf.for %scan3A_199 = %scan3A_182 to %scan3A_184 step %scan3A_185  : i32 {
      %mul3A_200 = arith.constant 4 : i32
      %mul3A_201 = arith.muli %scan3A_199, %mul3A_200 : i32
      %add3A = arith.constant 0 : i32
      %add3A_202 = arith.addi %mul3A_201, %add3A : i32
      %dma_wait3A = arith.constant 0 : i32
      %dma_wait3A_203 = tpu.memref_slice %arg10[%add3A_202, %dma_wait3A] : memref<160x128xi32, #tpu.memory_space<vmem>> -> memref<1x128xi32, #tpu.memory_space<vmem>>
      %dma_wait3A_204 = tpu.memref_squeeze %dma_wait3A_203 : memref<1x128xi32, #tpu.memory_space<vmem>> -> memref<128xi32, #tpu.memory_space<vmem>>
      %dma_wait3A_205 = arith.constant 0 : i32
      %dma_wait3A_206 = arith.constant 0 : i32
      %dma_wait3A_207 = tpu.memref_slice %arg8[%dma_wait3A_205, %dma_wait3A_206] : memref<20000x64xf32, #tpu.memory_space<hbm>> -> memref<20000x64xf32, #tpu.memory_space<hbm>>
      tpu.wait_indirect_dma semaphore(%arg17 : memref<!tpu.dma_semaphore, #tpu.memory_space<semaphore_mem>>) src(%dma_wait3A_207 : memref<20000x64xf32, #tpu.memory_space<hbm>>) dst(%arg12 : memref<128x64xf32, #tpu.memory_space<vmem>>)
      "tpu.region"() ({
        %run_scoped3A = tpu.sem_alloc : memref<!tpu.dma_semaphore, #tpu.memory_space<semaphore_mem>>
        %dma_start3A_258 = arith.constant 0 : i32
        %dma_start3A_259 = tpu.memref_slice %arg11[%add3A_202, %dma_start3A_258] : memref<160x128xi32, #tpu.memory_space<vmem>> -> memref<1x128xi32, #tpu.memory_space<vmem>>
        %dma_start3A_260 = tpu.memref_squeeze %dma_start3A_259 : memref<1x128xi32, #tpu.memory_space<vmem>> -> memref<128xi32, #tpu.memory_space<vmem>>
        %dma_start3A_261 = arith.constant 0 : i32
        %dma_start3A_262 = arith.constant 0 : i32
        %dma_start3A_263 = tpu.memref_slice %arg16[%dma_start3A_261, %dma_start3A_262] : memref<10016x64xf32, #tpu.memory_space<vmem_shared>> -> memref<10016x64xf32, #tpu.memory_space<vmem_shared>>
        tpu.enqueue_indirect_dma source(%arg12 : memref<128x64xf32, #tpu.memory_space<vmem>>) target(%dma_start3A_263 : memref<10016x64xf32, #tpu.memory_space<vmem_shared>>) offsets(%dma_start3A_260 : memref<128xi32, #tpu.memory_space<vmem>>) semaphore(%run_scoped3A : memref<!tpu.dma_semaphore, #tpu.memory_space<semaphore_mem>>) {add = true}
        %dma_wait3A_264 = arith.constant 0 : i32
        %dma_wait3A_265 = tpu.memref_slice %arg11[%add3A_202, %dma_wait3A_264] : memref<160x128xi32, #tpu.memory_space<vmem>> -> memref<1x128xi32, #tpu.memory_space<vmem>>
        %dma_wait3A_266 = tpu.memref_squeeze %dma_wait3A_265 : memref<1x128xi32, #tpu.memory_space<vmem>> -> memref<128xi32, #tpu.memory_space<vmem>>
        %dma_wait3A_267 = arith.constant 0 : i32
        %dma_wait3A_268 = arith.constant 0 : i32
        %dma_wait3A_269 = tpu.memref_slice %arg16[%dma_wait3A_267, %dma_wait3A_268] : memref<10016x64xf32, #tpu.memory_space<vmem_shared>> -> memref<10016x64xf32, #tpu.memory_space<vmem_shared>>
        tpu.wait_indirect_dma semaphore(%run_scoped3A : memref<!tpu.dma_semaphore, #tpu.memory_space<semaphore_mem>>) src(%arg12 : memref<128x64xf32, #tpu.memory_space<vmem>>) dst(%dma_wait3A_269 : memref<10016x64xf32, #tpu.memory_space<vmem_shared>>)
        tpu.yield
      }) : () -> ()
      %lt3A_208 = arith.constant 156 : i32
      %lt3A_209 = arith.cmpi slt, %add3A_202, %lt3A_208 : i32
      %convert_element_type3A_210 = arith.extui %lt3A_209 : i1 to i32
      %cond3A_211 = arith.constant 0 : i32
      %cond3A_212 = arith.cmpi ne, %convert_element_type3A_210, %cond3A_211 : i32
      scf.if %cond3A_212 {
        %add3A_258 = arith.constant 4 : i32
        %add3A_259 = arith.addi %add3A_202, %add3A_258 : i32
        %dma_start3A_260 = arith.constant 0 : i32
        %dma_start3A_261 = tpu.memref_slice %arg10[%add3A_259, %dma_start3A_260] : memref<160x128xi32, #tpu.memory_space<vmem>> -> memref<1x128xi32, #tpu.memory_space<vmem>>
        %dma_start3A_262 = tpu.memref_squeeze %dma_start3A_261 : memref<1x128xi32, #tpu.memory_space<vmem>> -> memref<128xi32, #tpu.memory_space<vmem>>
        %dma_start3A_263 = arith.constant 0 : i32
        %dma_start3A_264 = arith.constant 0 : i32
        %dma_start3A_265 = tpu.memref_slice %arg8[%dma_start3A_263, %dma_start3A_264] : memref<20000x64xf32, #tpu.memory_space<hbm>> -> memref<20000x64xf32, #tpu.memory_space<hbm>>
        tpu.enqueue_indirect_dma source(%dma_start3A_265 : memref<20000x64xf32, #tpu.memory_space<hbm>>) target(%arg12 : memref<128x64xf32, #tpu.memory_space<vmem>>) offsets(%dma_start3A_262 : memref<128xi32, #tpu.memory_space<vmem>>) semaphore(%arg17 : memref<!tpu.dma_semaphore, #tpu.memory_space<semaphore_mem>>)
      } else {
      }
      %mul3A_213 = arith.constant 4 : i32
      %mul3A_214 = arith.muli %scan3A_199, %mul3A_213 : i32
      %add3A_215 = arith.constant 1 : i32
      %add3A_216 = arith.addi %mul3A_214, %add3A_215 : i32
      %dma_wait3A_217 = arith.constant 0 : i32
      %dma_wait3A_218 = tpu.memref_slice %arg10[%add3A_216, %dma_wait3A_217] : memref<160x128xi32, #tpu.memory_space<vmem>> -> memref<1x128xi32, #tpu.memory_space<vmem>>
      %dma_wait3A_219 = tpu.memref_squeeze %dma_wait3A_218 : memref<1x128xi32, #tpu.memory_space<vmem>> -> memref<128xi32, #tpu.memory_space<vmem>>
      %dma_wait3A_220 = arith.constant 0 : i32
      %dma_wait3A_221 = arith.constant 0 : i32
      %dma_wait3A_222 = tpu.memref_slice %arg8[%dma_wait3A_220, %dma_wait3A_221] : memref<20000x64xf32, #tpu.memory_space<hbm>> -> memref<20000x64xf32, #tpu.memory_space<hbm>>
      tpu.wait_indirect_dma semaphore(%arg18 : memref<!tpu.dma_semaphore, #tpu.memory_space<semaphore_mem>>) src(%dma_wait3A_222 : memref<20000x64xf32, #tpu.memory_space<hbm>>) dst(%arg13 : memref<128x64xf32, #tpu.memory_space<vmem>>)
      "tpu.region"() ({
        %run_scoped3A = tpu.sem_alloc : memref<!tpu.dma_semaphore, #tpu.memory_space<semaphore_mem>>
        %dma_start3A_258 = arith.constant 0 : i32
        %dma_start3A_259 = tpu.memref_slice %arg11[%add3A_216, %dma_start3A_258] : memref<160x128xi32, #tpu.memory_space<vmem>> -> memref<1x128xi32, #tpu.memory_space<vmem>>
        %dma_start3A_260 = tpu.memref_squeeze %dma_start3A_259 : memref<1x128xi32, #tpu.memory_space<vmem>> -> memref<128xi32, #tpu.memory_space<vmem>>
        %dma_start3A_261 = arith.constant 0 : i32
        %dma_start3A_262 = arith.constant 0 : i32
        %dma_start3A_263 = tpu.memref_slice %arg16[%dma_start3A_261, %dma_start3A_262] : memref<10016x64xf32, #tpu.memory_space<vmem_shared>> -> memref<10016x64xf32, #tpu.memory_space<vmem_shared>>
        tpu.enqueue_indirect_dma source(%arg13 : memref<128x64xf32, #tpu.memory_space<vmem>>) target(%dma_start3A_263 : memref<10016x64xf32, #tpu.memory_space<vmem_shared>>) offsets(%dma_start3A_260 : memref<128xi32, #tpu.memory_space<vmem>>) semaphore(%run_scoped3A : memref<!tpu.dma_semaphore, #tpu.memory_space<semaphore_mem>>) {add = true}
        %dma_wait3A_264 = arith.constant 0 : i32
        %dma_wait3A_265 = tpu.memref_slice %arg11[%add3A_216, %dma_wait3A_264] : memref<160x128xi32, #tpu.memory_space<vmem>> -> memref<1x128xi32, #tpu.memory_space<vmem>>
        %dma_wait3A_266 = tpu.memref_squeeze %dma_wait3A_265 : memref<1x128xi32, #tpu.memory_space<vmem>> -> memref<128xi32, #tpu.memory_space<vmem>>
        %dma_wait3A_267 = arith.constant 0 : i32
        %dma_wait3A_268 = arith.constant 0 : i32
        %dma_wait3A_269 = tpu.memref_slice %arg16[%dma_wait3A_267, %dma_wait3A_268] : memref<10016x64xf32, #tpu.memory_space<vmem_shared>> -> memref<10016x64xf32, #tpu.memory_space<vmem_shared>>
        tpu.wait_indirect_dma semaphore(%run_scoped3A : memref<!tpu.dma_semaphore, #tpu.memory_space<semaphore_mem>>) src(%arg13 : memref<128x64xf32, #tpu.memory_space<vmem>>) dst(%dma_wait3A_269 : memref<10016x64xf32, #tpu.memory_space<vmem_shared>>)
        tpu.yield
      }) : () -> ()
      %lt3A_223 = arith.constant 156 : i32
      %lt3A_224 = arith.cmpi slt, %add3A_216, %lt3A_223 : i32
      %convert_element_type3A_225 = arith.extui %lt3A_224 : i1 to i32
      %cond3A_226 = arith.constant 0 : i32
      %cond3A_227 = arith.cmpi ne, %convert_element_type3A_225, %cond3A_226 : i32
      scf.if %cond3A_227 {
        %add3A_258 = arith.constant 4 : i32
        %add3A_259 = arith.addi %add3A_216, %add3A_258 : i32
        %dma_start3A_260 = arith.constant 0 : i32
        %dma_start3A_261 = tpu.memref_slice %arg10[%add3A_259, %dma_start3A_260] : memref<160x128xi32, #tpu.memory_space<vmem>> -> memref<1x128xi32, #tpu.memory_space<vmem>>
        %dma_start3A_262 = tpu.memref_squeeze %dma_start3A_261 : memref<1x128xi32, #tpu.memory_space<vmem>> -> memref<128xi32, #tpu.memory_space<vmem>>
        %dma_start3A_263 = arith.constant 0 : i32
        %dma_start3A_264 = arith.constant 0 : i32
        %dma_start3A_265 = tpu.memref_slice %arg8[%dma_start3A_263, %dma_start3A_264] : memref<20000x64xf32, #tpu.memory_space<hbm>> -> memref<20000x64xf32, #tpu.memory_space<hbm>>
        tpu.enqueue_indirect_dma source(%dma_start3A_265 : memref<20000x64xf32, #tpu.memory_space<hbm>>) target(%arg13 : memref<128x64xf32, #tpu.memory_space<vmem>>) offsets(%dma_start3A_262 : memref<128xi32, #tpu.memory_space<vmem>>) semaphore(%arg18 : memref<!tpu.dma_semaphore, #tpu.memory_space<semaphore_mem>>)
      } else {
      }
      %mul3A_228 = arith.constant 4 : i32
      %mul3A_229 = arith.muli %scan3A_199, %mul3A_228 : i32
      %add3A_230 = arith.constant 2 : i32
      %add3A_231 = arith.addi %mul3A_229, %add3A_230 : i32
      %dma_wait3A_232 = arith.constant 0 : i32
      %dma_wait3A_233 = tpu.memref_slice %arg10[%add3A_231, %dma_wait3A_232] : memref<160x128xi32, #tpu.memory_space<vmem>> -> memref<1x128xi32, #tpu.memory_space<vmem>>
      %dma_wait3A_234 = tpu.memref_squeeze %dma_wait3A_233 : memref<1x128xi32, #tpu.memory_space<vmem>> -> memref<128xi32, #tpu.memory_space<vmem>>
      %dma_wait3A_235 = arith.constant 0 : i32
      %dma_wait3A_236 = arith.constant 0 : i32
      %dma_wait3A_237 = tpu.memref_slice %arg8[%dma_wait3A_235, %dma_wait3A_236] : memref<20000x64xf32, #tpu.memory_space<hbm>> -> memref<20000x64xf32, #tpu.memory_space<hbm>>
      tpu.wait_indirect_dma semaphore(%arg19 : memref<!tpu.dma_semaphore, #tpu.memory_space<semaphore_mem>>) src(%dma_wait3A_237 : memref<20000x64xf32, #tpu.memory_space<hbm>>) dst(%arg14 : memref<128x64xf32, #tpu.memory_space<vmem>>)
      "tpu.region"() ({
        %run_scoped3A = tpu.sem_alloc : memref<!tpu.dma_semaphore, #tpu.memory_space<semaphore_mem>>
        %dma_start3A_258 = arith.constant 0 : i32
        %dma_start3A_259 = tpu.memref_slice %arg11[%add3A_231, %dma_start3A_258] : memref<160x128xi32, #tpu.memory_space<vmem>> -> memref<1x128xi32, #tpu.memory_space<vmem>>
        %dma_start3A_260 = tpu.memref_squeeze %dma_start3A_259 : memref<1x128xi32, #tpu.memory_space<vmem>> -> memref<128xi32, #tpu.memory_space<vmem>>
        %dma_start3A_261 = arith.constant 0 : i32
        %dma_start3A_262 = arith.constant 0 : i32
        %dma_start3A_263 = tpu.memref_slice %arg16[%dma_start3A_261, %dma_start3A_262] : memref<10016x64xf32, #tpu.memory_space<vmem_shared>> -> memref<10016x64xf32, #tpu.memory_space<vmem_shared>>
        tpu.enqueue_indirect_dma source(%arg14 : memref<128x64xf32, #tpu.memory_space<vmem>>) target(%dma_start3A_263 : memref<10016x64xf32, #tpu.memory_space<vmem_shared>>) offsets(%dma_start3A_260 : memref<128xi32, #tpu.memory_space<vmem>>) semaphore(%run_scoped3A : memref<!tpu.dma_semaphore, #tpu.memory_space<semaphore_mem>>) {add = true}
        %dma_wait3A_264 = arith.constant 0 : i32
        %dma_wait3A_265 = tpu.memref_slice %arg11[%add3A_231, %dma_wait3A_264] : memref<160x128xi32, #tpu.memory_space<vmem>> -> memref<1x128xi32, #tpu.memory_space<vmem>>
        %dma_wait3A_266 = tpu.memref_squeeze %dma_wait3A_265 : memref<1x128xi32, #tpu.memory_space<vmem>> -> memref<128xi32, #tpu.memory_space<vmem>>
        %dma_wait3A_267 = arith.constant 0 : i32
        %dma_wait3A_268 = arith.constant 0 : i32
        %dma_wait3A_269 = tpu.memref_slice %arg16[%dma_wait3A_267, %dma_wait3A_268] : memref<10016x64xf32, #tpu.memory_space<vmem_shared>> -> memref<10016x64xf32, #tpu.memory_space<vmem_shared>>
        tpu.wait_indirect_dma semaphore(%run_scoped3A : memref<!tpu.dma_semaphore, #tpu.memory_space<semaphore_mem>>) src(%arg14 : memref<128x64xf32, #tpu.memory_space<vmem>>) dst(%dma_wait3A_269 : memref<10016x64xf32, #tpu.memory_space<vmem_shared>>)
        tpu.yield
      }) : () -> ()
      %lt3A_238 = arith.constant 156 : i32
      %lt3A_239 = arith.cmpi slt, %add3A_231, %lt3A_238 : i32
      %convert_element_type3A_240 = arith.extui %lt3A_239 : i1 to i32
      %cond3A_241 = arith.constant 0 : i32
      %cond3A_242 = arith.cmpi ne, %convert_element_type3A_240, %cond3A_241 : i32
      scf.if %cond3A_242 {
        %add3A_258 = arith.constant 4 : i32
        %add3A_259 = arith.addi %add3A_231, %add3A_258 : i32
        %dma_start3A_260 = arith.constant 0 : i32
        %dma_start3A_261 = tpu.memref_slice %arg10[%add3A_259, %dma_start3A_260] : memref<160x128xi32, #tpu.memory_space<vmem>> -> memref<1x128xi32, #tpu.memory_space<vmem>>
        %dma_start3A_262 = tpu.memref_squeeze %dma_start3A_261 : memref<1x128xi32, #tpu.memory_space<vmem>> -> memref<128xi32, #tpu.memory_space<vmem>>
        %dma_start3A_263 = arith.constant 0 : i32
        %dma_start3A_264 = arith.constant 0 : i32
        %dma_start3A_265 = tpu.memref_slice %arg8[%dma_start3A_263, %dma_start3A_264] : memref<20000x64xf32, #tpu.memory_space<hbm>> -> memref<20000x64xf32, #tpu.memory_space<hbm>>
        tpu.enqueue_indirect_dma source(%dma_start3A_265 : memref<20000x64xf32, #tpu.memory_space<hbm>>) target(%arg14 : memref<128x64xf32, #tpu.memory_space<vmem>>) offsets(%dma_start3A_262 : memref<128xi32, #tpu.memory_space<vmem>>) semaphore(%arg19 : memref<!tpu.dma_semaphore, #tpu.memory_space<semaphore_mem>>)
      } else {
      }
      %mul3A_243 = arith.constant 4 : i32
      %mul3A_244 = arith.muli %scan3A_199, %mul3A_243 : i32
      %add3A_245 = arith.constant 3 : i32
      %add3A_246 = arith.addi %mul3A_244, %add3A_245 : i32
      %dma_wait3A_247 = arith.constant 0 : i32
      %dma_wait3A_248 = tpu.memref_slice %arg10[%add3A_246, %dma_wait3A_247] : memref<160x128xi32, #tpu.memory_space<vmem>> -> memref<1x128xi32, #tpu.memory_space<vmem>>
      %dma_wait3A_249 = tpu.memref_squeeze %dma_wait3A_248 : memref<1x128xi32, #tpu.memory_space<vmem>> -> memref<128xi32, #tpu.memory_space<vmem>>
      %dma_wait3A_250 = arith.constant 0 : i32
      %dma_wait3A_251 = arith.constant 0 : i32
      %dma_wait3A_252 = tpu.memref_slice %arg8[%dma_wait3A_250, %dma_wait3A_251] : memref<20000x64xf32, #tpu.memory_space<hbm>> -> memref<20000x64xf32, #tpu.memory_space<hbm>>
      tpu.wait_indirect_dma semaphore(%arg20 : memref<!tpu.dma_semaphore, #tpu.memory_space<semaphore_mem>>) src(%dma_wait3A_252 : memref<20000x64xf32, #tpu.memory_space<hbm>>) dst(%arg15 : memref<128x64xf32, #tpu.memory_space<vmem>>)
      "tpu.region"() ({
        %run_scoped3A = tpu.sem_alloc : memref<!tpu.dma_semaphore, #tpu.memory_space<semaphore_mem>>
        %dma_start3A_258 = arith.constant 0 : i32
        %dma_start3A_259 = tpu.memref_slice %arg11[%add3A_246, %dma_start3A_258] : memref<160x128xi32, #tpu.memory_space<vmem>> -> memref<1x128xi32, #tpu.memory_space<vmem>>
        %dma_start3A_260 = tpu.memref_squeeze %dma_start3A_259 : memref<1x128xi32, #tpu.memory_space<vmem>> -> memref<128xi32, #tpu.memory_space<vmem>>
        %dma_start3A_261 = arith.constant 0 : i32
        %dma_start3A_262 = arith.constant 0 : i32
        %dma_start3A_263 = tpu.memref_slice %arg16[%dma_start3A_261, %dma_start3A_262] : memref<10016x64xf32, #tpu.memory_space<vmem_shared>> -> memref<10016x64xf32, #tpu.memory_space<vmem_shared>>
        tpu.enqueue_indirect_dma source(%arg15 : memref<128x64xf32, #tpu.memory_space<vmem>>) target(%dma_start3A_263 : memref<10016x64xf32, #tpu.memory_space<vmem_shared>>) offsets(%dma_start3A_260 : memref<128xi32, #tpu.memory_space<vmem>>) semaphore(%run_scoped3A : memref<!tpu.dma_semaphore, #tpu.memory_space<semaphore_mem>>) {add = true}
        %dma_wait3A_264 = arith.constant 0 : i32
        %dma_wait3A_265 = tpu.memref_slice %arg11[%add3A_246, %dma_wait3A_264] : memref<160x128xi32, #tpu.memory_space<vmem>> -> memref<1x128xi32, #tpu.memory_space<vmem>>
        %dma_wait3A_266 = tpu.memref_squeeze %dma_wait3A_265 : memref<1x128xi32, #tpu.memory_space<vmem>> -> memref<128xi32, #tpu.memory_space<vmem>>
        %dma_wait3A_267 = arith.constant 0 : i32
        %dma_wait3A_268 = arith.constant 0 : i32
        %dma_wait3A_269 = tpu.memref_slice %arg16[%dma_wait3A_267, %dma_wait3A_268] : memref<10016x64xf32, #tpu.memory_space<vmem_shared>> -> memref<10016x64xf32, #tpu.memory_space<vmem_shared>>
        tpu.wait_indirect_dma semaphore(%run_scoped3A : memref<!tpu.dma_semaphore, #tpu.memory_space<semaphore_mem>>) src(%arg15 : memref<128x64xf32, #tpu.memory_space<vmem>>) dst(%dma_wait3A_269 : memref<10016x64xf32, #tpu.memory_space<vmem_shared>>)
        tpu.yield
      }) : () -> ()
      %lt3A_253 = arith.constant 156 : i32
      %lt3A_254 = arith.cmpi slt, %add3A_246, %lt3A_253 : i32
      %convert_element_type3A_255 = arith.extui %lt3A_254 : i1 to i32
      %cond3A_256 = arith.constant 0 : i32
      %cond3A_257 = arith.cmpi ne, %convert_element_type3A_255, %cond3A_256 : i32
      scf.if %cond3A_257 {
        %add3A_258 = arith.constant 4 : i32
        %add3A_259 = arith.addi %add3A_246, %add3A_258 : i32
        %dma_start3A_260 = arith.constant 0 : i32
        %dma_start3A_261 = tpu.memref_slice %arg10[%add3A_259, %dma_start3A_260] : memref<160x128xi32, #tpu.memory_space<vmem>> -> memref<1x128xi32, #tpu.memory_space<vmem>>
        %dma_start3A_262 = tpu.memref_squeeze %dma_start3A_261 : memref<1x128xi32, #tpu.memory_space<vmem>> -> memref<128xi32, #tpu.memory_space<vmem>>
        %dma_start3A_263 = arith.constant 0 : i32
        %dma_start3A_264 = arith.constant 0 : i32
        %dma_start3A_265 = tpu.memref_slice %arg8[%dma_start3A_263, %dma_start3A_264] : memref<20000x64xf32, #tpu.memory_space<hbm>> -> memref<20000x64xf32, #tpu.memory_space<hbm>>
        tpu.enqueue_indirect_dma source(%dma_start3A_265 : memref<20000x64xf32, #tpu.memory_space<hbm>>) target(%arg15 : memref<128x64xf32, #tpu.memory_space<vmem>>) offsets(%dma_start3A_262 : memref<128xi32, #tpu.memory_space<vmem>>) semaphore(%arg20 : memref<!tpu.dma_semaphore, #tpu.memory_space<semaphore_mem>>)
      } else {
      }
    }
    %scan3A_186 = arith.constant 40 : i32
    %barrier3A_187 = arith.constant 0 : index
    tpu.barrier barrier_id(%barrier3A_187)
    %lt3A_188 = arith.constant 15 : i32
    %lt3A_189 = arith.cmpi slt, %arg1, %lt3A_188 : i32
    %convert_element_type3A_190 = arith.extui %lt3A_189 : i1 to i32
    %cond3A_191 = arith.constant 0 : i32
    %cond3A_192 = arith.cmpi ne, %convert_element_type3A_190, %cond3A_191 : i32
    scf.if %cond3A_192 {
      %mul3A_199 = arith.constant 640 : i32
      %mul3A_200 = arith.muli %arg1, %mul3A_199 : i32
      %mul3A_201 = arith.constant 640 : i32
      %mul3A_202 = arith.muli %arg1, %mul3A_201 : i32
      %add3A = arith.addi %mul3A_0, %mul3A_202 : i32
      "tpu.region"() ({
        %run_scoped3A = tpu.sem_alloc : memref<!tpu.dma_semaphore, #tpu.memory_space<semaphore_mem>>
        %dma_start3A_203 = arith.constant 0 : i32
        %dma_start3A_204 = tpu.memref_slice %arg9[%add3A, %dma_start3A_203] : memref<20000x64xf32, #tpu.memory_space<hbm>> -> memref<640x64xf32, #tpu.memory_space<hbm>>
        %dma_start3A_205 = arith.constant 0 : i32
        %dma_start3A_206 = tpu.memref_slice %arg16[%mul3A_200, %dma_start3A_205] : memref<10016x64xf32, #tpu.memory_space<vmem_shared>> -> memref<640x64xf32, #tpu.memory_space<vmem_shared>>
        tpu.enqueue_dma source(%dma_start3A_206 : memref<640x64xf32, #tpu.memory_space<vmem_shared>>) target(%dma_start3A_204 : memref<640x64xf32, #tpu.memory_space<hbm>>) target_semaphore(%run_scoped3A : memref<!tpu.dma_semaphore, #tpu.memory_space<semaphore_mem>>)
        %dma_wait3A = arith.constant 0 : i32
        %dma_wait3A_207 = tpu.memref_slice %arg9[%add3A, %dma_wait3A] : memref<20000x64xf32, #tpu.memory_space<hbm>> -> memref<640x64xf32, #tpu.memory_space<hbm>>
        %dma_wait3A_208 = arith.constant 0 : i32
        %dma_wait3A_209 = tpu.memref_slice %arg16[%mul3A_200, %dma_wait3A_208] : memref<10016x64xf32, #tpu.memory_space<vmem_shared>> -> memref<640x64xf32, #tpu.memory_space<vmem_shared>>
        tpu.wait_dma2 semaphore(%run_scoped3A : memref<!tpu.dma_semaphore, #tpu.memory_space<semaphore_mem>>) src(%dma_wait3A_209 : memref<640x64xf32, #tpu.memory_space<vmem_shared>>) dst(%dma_wait3A_207 : memref<640x64xf32, #tpu.memory_space<hbm>>)
        tpu.yield
      }) : () -> ()
    } else {
    }
    %eq3A_193 = arith.constant 15 : i32
    %eq3A_194 = arith.cmpi eq, %arg1, %eq3A_193 : i32
    %convert_element_type3A_195 = arith.extui %eq3A_194 : i1 to i32
    %cond3A_196 = arith.constant 0 : i32
    %cond3A_197 = arith.cmpi ne, %convert_element_type3A_195, %cond3A_196 : i32
    scf.if %cond3A_197 {
      %add3A = arith.constant 9600 : i32
      %add3A_199 = arith.addi %mul3A_0, %add3A : i32
      "tpu.region"() ({
        %run_scoped3A = tpu.sem_alloc : memref<!tpu.dma_semaphore, #tpu.memory_space<semaphore_mem>>
        %dma_start3A_200 = arith.constant 0 : i32
        %dma_start3A_201 = tpu.memref_slice %arg9[%add3A_199, %dma_start3A_200] : memref<20000x64xf32, #tpu.memory_space<hbm>> -> memref<400x64xf32, #tpu.memory_space<hbm>>
        %dma_start3A_202 = arith.constant 9600 : i32
        %dma_start3A_203 = arith.constant 0 : i32
        %dma_start3A_204 = tpu.memref_slice %arg16[%dma_start3A_202, %dma_start3A_203] : memref<10016x64xf32, #tpu.memory_space<vmem_shared>> -> memref<400x64xf32, #tpu.memory_space<vmem_shared>>
        tpu.enqueue_dma source(%dma_start3A_204 : memref<400x64xf32, #tpu.memory_space<vmem_shared>>) target(%dma_start3A_201 : memref<400x64xf32, #tpu.memory_space<hbm>>) target_semaphore(%run_scoped3A : memref<!tpu.dma_semaphore, #tpu.memory_space<semaphore_mem>>)
        %dma_wait3A = arith.constant 0 : i32
        %dma_wait3A_205 = tpu.memref_slice %arg9[%add3A_199, %dma_wait3A] : memref<20000x64xf32, #tpu.memory_space<hbm>> -> memref<400x64xf32, #tpu.memory_space<hbm>>
        %dma_wait3A_206 = arith.constant 9600 : i32
        %dma_wait3A_207 = arith.constant 0 : i32
        %dma_wait3A_208 = tpu.memref_slice %arg16[%dma_wait3A_206, %dma_wait3A_207] : memref<10016x64xf32, #tpu.memory_space<vmem_shared>> -> memref<400x64xf32, #tpu.memory_space<vmem_shared>>
        tpu.wait_dma2 semaphore(%run_scoped3A : memref<!tpu.dma_semaphore, #tpu.memory_space<semaphore_mem>>) src(%dma_wait3A_208 : memref<400x64xf32, #tpu.memory_space<vmem_shared>>) dst(%dma_wait3A_205 : memref<400x64xf32, #tpu.memory_space<hbm>>)
        tpu.yield
      }) : () -> ()
    } else {
    }
    %barrier3A_198 = arith.constant 0 : index
    tpu.barrier barrier_id(%barrier3A_198)
    return
  }
}

module attributes {stable_mosaic.version = 14 : i64} {
  func.func @_g_body(%arg0: i32, %arg1: memref<1000x128xf32, #tpu.memory_space<vmem>>, %arg2: memref<128x128xf32, #tpu.memory_space<vmem>>, %arg3: memref<1000x128xf32, #tpu.memory_space<vmem>>) attributes {dimension_semantics = [#tpu.dimension_semantics<arbitrary>], iteration_bounds = array<i64: 10>, scalar_prefetch = 0 : i64, scratch_operands = 0 : i64, tpu.core_type = #tpu.core_type<tc>, window_params = [{transform_indices = @transform_0, window_bounds = array<i64: 1000, 128>}, {pipeline_mode = #tpu.pipeline_mode<synchronous>, transform_indices = @transform_1, window_bounds = array<i64: 128, 128>}, {transform_indices = @transform_2, window_bounds = array<i64: 1000, 128>}]} {
    %get3A = arith.constant 0 : index
    %get3A_0 = arith.constant 0 : index
    %get3A_1 = vector.load %arg1[%get3A, %get3A_0] : memref<1000x128xf32, #tpu.memory_space<vmem>>, vector<1000x128xf32>
    %get3A_2 = arith.constant 0 : index
    %get3A_3 = arith.constant 0 : index
    %get3A_4 = vector.load %arg2[%get3A_2, %get3A_3] : memref<128x128xf32, #tpu.memory_space<vmem>>, vector<128x128xf32>
    %dot_general3A = arith.constant dense<0.000000e+00> : vector<1000x128xf32>
    %dot_general3A_5 = tpu.matmul %get3A_1, %get3A_4, %dot_general3A {dimension_numbers = #tpu.dot_dimension_numbers<[1], [0], [0], [1], [0, 0, 1, 1], [], []>, transpose_lhs_hint = false} : vector<1000x128xf32>, vector<128x128xf32>, vector<1000x128xf32> -> vector<1000x128xf32>
    %swap3A = arith.constant 0 : index
    %swap3A_6 = arith.constant 0 : index
    %swap3A_7 = vector.load %arg3[%swap3A, %swap3A_6] : memref<1000x128xf32, #tpu.memory_space<vmem>>, vector<1000x128xf32>
    tpu.vector_store %arg3[%swap3A, %swap3A_6], %dot_general3A_5 {strides = array<i32>} : memref<1000x128xf32, #tpu.memory_space<vmem>>, vector<1000x128xf32>,
    return
  }
  func.func @transform_0(%arg0: i32) -> (i32, i32) {
    %c0_i32 = arith.constant 0 : i32
    %c0_i32_0 = arith.constant 0 : i32
    return %arg0, %c0_i32 : i32, i32
  }
  func.func @transform_1(%arg0: i32) -> (i32, i32) {
    %c0_i32 = arith.constant 0 : i32
    %c0_i32_0 = arith.constant 0 : i32
    %c0_i32_1 = arith.constant 0 : i32
    return %c0_i32, %c0_i32_0 : i32, i32
  }
  func.func @transform_2(%arg0: i32) -> (i32, i32) {
    %c0_i32 = arith.constant 0 : i32
    %c0_i32_0 = arith.constant 0 : i32
    return %arg0, %c0_i32 : i32, i32
  }
}

module attributes {stable_mosaic.version = 14 : i64} {
  func.func @_dense_body(%arg0: i32, %arg1: memref<200x10000xf32, #tpu.memory_space<vmem>>, %arg2: memref<10000x128xf32, #tpu.memory_space<vmem>>, %arg3: memref<200x128xf32, #tpu.memory_space<vmem>>, %arg4: memref<200x1xf32, #tpu.memory_space<vmem>>, %arg5: memref<128x128xf32, #tpu.memory_space<vmem>>, %arg6: memref<128x128xf32, #tpu.memory_space<vmem>>, %arg7: memref<1x128xf32, #tpu.memory_space<vmem>>, %arg8: memref<200x128xf32, #tpu.memory_space<vmem>>) attributes {dimension_semantics = [#tpu.dimension_semantics<arbitrary>], iteration_bounds = array<i64: 50>, scalar_prefetch = 0 : i64, scratch_operands = 0 : i64, tpu.core_type = #tpu.core_type<tc>, window_params = [{transform_indices = @transform_0, window_bounds = array<i64: 200, 10000>}, {pipeline_mode = #tpu.pipeline_mode<synchronous>, transform_indices = @transform_1, window_bounds = array<i64: 10000, 128>}, {transform_indices = @transform_2, window_bounds = array<i64: 200, 128>}, {transform_indices = @transform_3, window_bounds = array<i64: 200, 1>}, {pipeline_mode = #tpu.pipeline_mode<synchronous>, transform_indices = @transform_4, window_bounds = array<i64: 128, 128>}, {pipeline_mode = #tpu.pipeline_mode<synchronous>, transform_indices = @transform_5, window_bounds = array<i64: 128, 128>}, {pipeline_mode = #tpu.pipeline_mode<synchronous>, transform_indices = @transform_6, window_bounds = array<i64: 1, 128>}, {transform_indices = @transform_7, window_bounds = array<i64: 200, 128>}]} {
    %get3A = arith.constant 0 : index
    %get3A_0 = arith.constant 0 : index
    %get3A_1 = vector.load %arg1[%get3A, %get3A_0] : memref<200x10000xf32, #tpu.memory_space<vmem>>, vector<200x10000xf32>
    %convert_element_type3A = arith.truncf %get3A_1 : vector<200x10000xf32> to vector<200x10000xbf16>
    %get3A_2 = arith.constant 0 : index
    %get3A_3 = arith.constant 0 : index
    %get3A_4 = vector.load %arg2[%get3A_2, %get3A_3] : memref<10000x128xf32, #tpu.memory_space<vmem>>, vector<10000x128xf32>
    %convert_element_type3A_5 = arith.truncf %get3A_4 : vector<10000x128xf32> to vector<10000x128xbf16>
    %dot_general3A = arith.constant dense<0.000000e+00> : vector<200x128xf32>
    %dot_general3A_6 = tpu.matmul %convert_element_type3A, %convert_element_type3A_5, %dot_general3A {dimension_numbers = #tpu.dot_dimension_numbers<[1], [0], [0], [1], [0, 0, 1, 1], [], []>, transpose_lhs_hint = false} : vector<200x10000xbf16>, vector<10000x128xbf16>, vector<200x128xf32> -> vector<200x128xf32>
    %get3A_7 = arith.constant 0 : index
    %get3A_8 = arith.constant 0 : index
    %get3A_9 = vector.load %arg3[%get3A_7, %get3A_8] : memref<200x128xf32, #tpu.memory_space<vmem>>, vector<200x128xf32>
    %get3A_10 = arith.constant 0 : index
    %get3A_11 = arith.constant 0 : index
    %get3A_12 = vector.load %arg5[%get3A_10, %get3A_11] : memref<128x128xf32, #tpu.memory_space<vmem>>, vector<128x128xf32>
    %dot_general3A_13 = arith.constant dense<0.000000e+00> : vector<200x128xf32>
    %dot_general3A_14 = tpu.matmul %get3A_9, %get3A_12, %dot_general3A_13 {dimension_numbers = #tpu.dot_dimension_numbers<[1], [0], [0], [1], [0, 0, 1, 1], [], []>, transpose_lhs_hint = false} : vector<200x128xf32>, vector<128x128xf32>, vector<200x128xf32> -> vector<200x128xf32>
    %add3A = arith.addf %dot_general3A_6, %dot_general3A_14 : vector<200x128xf32>
    %get3A_15 = arith.constant 0 : index
    %get3A_16 = arith.constant 0 : index
    %get3A_17 = vector.load %arg4[%get3A_15, %get3A_16] : memref<200x1xf32, #tpu.memory_space<vmem>>, vector<200x1xf32>
    %get3A_18 = arith.constant 0 : index
    %get3A_19 = arith.constant 0 : index
    %get3A_20 = vector.load %arg3[%get3A_18, %get3A_19] : memref<200x128xf32, #tpu.memory_space<vmem>>, vector<200x128xf32>
    %mul3A = vector.broadcast %get3A_17 : vector<200x1xf32> to vector<200x128xf32>
    %mul3A_21 = arith.mulf %mul3A, %get3A_20 : vector<200x128xf32>
    %get3A_22 = arith.constant 0 : index
    %get3A_23 = arith.constant 0 : index
    %get3A_24 = vector.load %arg6[%get3A_22, %get3A_23] : memref<128x128xf32, #tpu.memory_space<vmem>>, vector<128x128xf32>
    %dot_general3A_25 = arith.constant dense<0.000000e+00> : vector<200x128xf32>
    %dot_general3A_26 = tpu.matmul %mul3A_21, %get3A_24, %dot_general3A_25 {dimension_numbers = #tpu.dot_dimension_numbers<[1], [0], [0], [1], [0, 0, 1, 1], [], []>, transpose_lhs_hint = false} : vector<200x128xf32>, vector<128x128xf32>, vector<200x128xf32> -> vector<200x128xf32>
    %add3A_27 = arith.addf %add3A, %dot_general3A_26 : vector<200x128xf32>
    %get3A_28 = arith.constant 0 : index
    %get3A_29 = arith.constant 0 : index
    %get3A_30 = vector.load %arg7[%get3A_28, %get3A_29] : memref<1x128xf32, #tpu.memory_space<vmem>>, vector<1x128xf32>
    %add3A_31 = vector.broadcast %get3A_30 : vector<1x128xf32> to vector<200x128xf32>
    %add3A_32 = arith.addf %add3A_27, %add3A_31 : vector<200x128xf32>
    %swap3A = arith.constant 0 : index
    %swap3A_33 = arith.constant 0 : index
    %swap3A_34 = vector.load %arg8[%swap3A, %swap3A_33] : memref<200x128xf32, #tpu.memory_space<vmem>>, vector<200x128xf32>
    tpu.vector_store %arg8[%swap3A, %swap3A_33], %add3A_32 {strides = array<i32>} : memref<200x128xf32, #tpu.memory_space<vmem>>, vector<200x128xf32>,
    return
  }
  func.func @transform_0(%arg0: i32) -> (i32, i32) {
    %c0_i32 = arith.constant 0 : i32
    %c0_i32_0 = arith.constant 0 : i32
    return %arg0, %c0_i32 : i32, i32
  }
  func.func @transform_1(%arg0: i32) -> (i32, i32) {
    %c0_i32 = arith.constant 0 : i32
    %c0_i32_0 = arith.constant 0 : i32
    %c0_i32_1 = arith.constant 0 : i32
    return %c0_i32, %c0_i32_0 : i32, i32
  }
  func.func @transform_2(%arg0: i32) -> (i32, i32) {
    %c0_i32 = arith.constant 0 : i32
    %c0_i32_0 = arith.constant 0 : i32
    return %arg0, %c0_i32 : i32, i32
  }
  func.func @transform_3(%arg0: i32) -> (i32, i32) {
    %c0_i32 = arith.constant 0 : i32
    %c0_i32_0 = arith.constant 0 : i32
    return %arg0, %c0_i32 : i32, i32
  }
  func.func @transform_4(%arg0: i32) -> (i32, i32) {
    %c0_i32 = arith.constant 0 : i32
    %c0_i32_0 = arith.constant 0 : i32
    %c0_i32_1 = arith.constant 0 : i32
    return %c0_i32, %c0_i32_0 : i32, i32
  }
  func.func @transform_5(%arg0: i32) -> (i32, i32) {
    %c0_i32 = arith.constant 0 : i32
    %c0_i32_0 = arith.constant 0 : i32
    %c0_i32_1 = arith.constant 0 : i32
    return %c0_i32, %c0_i32_0 : i32, i32
  }
  func.func @transform_6(%arg0: i32) -> (i32, i32) {
    %c0_i32 = arith.constant 0 : i32
    %c0_i32_0 = arith.constant 0 : i32
    %c0_i32_1 = arith.constant 0 : i32
    return %c0_i32, %c0_i32_0 : i32, i32
  }
  func.func @transform_7(%arg0: i32) -> (i32, i32) {
    %c0_i32 = arith.constant 0 : i32
    %c0_i32_0 = arith.constant 0 : i32
    return %arg0, %c0_i32 : i32, i32
  }
}

module attributes {stable_mosaic.version = 14 : i64} {
  func.func @_radius_body(%arg0: i32, %arg1: memref<1000x128xf32, #tpu.memory_space<vmem>>, %arg2: memref<1000x64xf32, #tpu.memory_space<vmem>>, %arg3: memref<1000x64xf32, #tpu.memory_space<vmem>>, %arg4: memref<1000x64xf32, #tpu.memory_space<vmem>>, %arg5: memref<1000x64xf32, #tpu.memory_space<vmem>>, %arg6: memref<1000x64xf32, #tpu.memory_space<vmem>>, %arg7: memref<1000x64xf32, #tpu.memory_space<vmem>>, %arg8: memref<64x128xf32, #tpu.memory_space<vmem>>, %arg9: memref<64x128xf32, #tpu.memory_space<vmem>>, %arg10: memref<64x128xf32, #tpu.memory_space<vmem>>, %arg11: memref<64x128xf32, #tpu.memory_space<vmem>>, %arg12: memref<64x128xf32, #tpu.memory_space<vmem>>, %arg13: memref<64x128xf32, #tpu.memory_space<vmem>>, %arg14: memref<1000x128xf32, #tpu.memory_space<vmem>>, %arg15: memref<1x1x128xf32, #tpu.memory_space<vmem>>, %arg16: memref<1x1x128xf32, #tpu.memory_space<vmem>>) attributes {dimension_semantics = [#tpu.dimension_semantics<arbitrary>], iteration_bounds = array<i64: 10>, scalar_prefetch = 0 : i64, scratch_operands = 0 : i64, tpu.core_type = #tpu.core_type<tc>, window_params = [{transform_indices = @transform_0, window_bounds = array<i64: 1000, 128>}, {transform_indices = @transform_1, window_bounds = array<i64: 1000, 64>}, {transform_indices = @transform_2, window_bounds = array<i64: 1000, 64>}, {transform_indices = @transform_3, window_bounds = array<i64: 1000, 64>}, {transform_indices = @transform_4, window_bounds = array<i64: 1000, 64>}, {transform_indices = @transform_5, window_bounds = array<i64: 1000, 64>}, {transform_indices = @transform_6, window_bounds = array<i64: 1000, 64>}, {pipeline_mode = #tpu.pipeline_mode<synchronous>, transform_indices = @transform_7, window_bounds = array<i64: 64, 128>}, {pipeline_mode = #tpu.pipeline_mode<synchronous>, transform_indices = @transform_8, window_bounds = array<i64: 64, 128>}, {pipeline_mode = #tpu.pipeline_mode<synchronous>, transform_indices = @transform_9, window_bounds = array<i64: 64, 128>}, {pipeline_mode = #tpu.pipeline_mode<synchronous>, transform_indices = @transform_10, window_bounds = array<i64: 64, 128>}, {pipeline_mode = #tpu.pipeline_mode<synchronous>, transform_indices = @transform_11, window_bounds = array<i64: 64, 128>}, {pipeline_mode = #tpu.pipeline_mode<synchronous>, transform_indices = @transform_12, window_bounds = array<i64: 64, 128>}, {transform_indices = @transform_13, window_bounds = array<i64: 1000, 128>}, {transform_indices = @transform_14, window_bounds = array<i64: 1, 1, 128>}, {transform_indices = @transform_15, window_bounds = array<i64: 1, 1, 128>}]} {
    %get3A = arith.constant 0 : index
    %get3A_0 = arith.constant 0 : index
    %get3A_1 = vector.load %arg1[%get3A, %get3A_0] : memref<1000x128xf32, #tpu.memory_space<vmem>>, vector<1000x128xf32>
    %get3A_2 = arith.constant 0 : index
    %get3A_3 = arith.constant 0 : index
    %get3A_4 = vector.load %arg2[%get3A_2, %get3A_3] : memref<1000x64xf32, #tpu.memory_space<vmem>>, vector<1000x64xf32>
    %get3A_5 = arith.constant 0 : index
    %get3A_6 = arith.constant 0 : index
    %get3A_7 = vector.load %arg8[%get3A_5, %get3A_6] : memref<64x128xf32, #tpu.memory_space<vmem>>, vector<64x128xf32>
    %dot_general3A = arith.constant dense<0.000000e+00> : vector<1000x128xf32>
    %dot_general3A_8 = tpu.matmul %get3A_4, %get3A_7, %dot_general3A {dimension_numbers = #tpu.dot_dimension_numbers<[1], [0], [0], [1], [0, 0, 1, 1], [], []>, transpose_lhs_hint = false} : vector<1000x64xf32>, vector<64x128xf32>, vector<1000x128xf32> -> vector<1000x128xf32>
    %add3A = arith.addf %get3A_1, %dot_general3A_8 : vector<1000x128xf32>
    %get3A_9 = arith.constant 0 : index
    %get3A_10 = arith.constant 0 : index
    %get3A_11 = vector.load %arg3[%get3A_9, %get3A_10] : memref<1000x64xf32, #tpu.memory_space<vmem>>, vector<1000x64xf32>
    %get3A_12 = arith.constant 0 : index
    %get3A_13 = arith.constant 0 : index
    %get3A_14 = vector.load %arg9[%get3A_12, %get3A_13] : memref<64x128xf32, #tpu.memory_space<vmem>>, vector<64x128xf32>
    %dot_general3A_15 = arith.constant dense<0.000000e+00> : vector<1000x128xf32>
    %dot_general3A_16 = tpu.matmul %get3A_11, %get3A_14, %dot_general3A_15 {dimension_numbers = #tpu.dot_dimension_numbers<[1], [0], [0], [1], [0, 0, 1, 1], [], []>, transpose_lhs_hint = false} : vector<1000x64xf32>, vector<64x128xf32>, vector<1000x128xf32> -> vector<1000x128xf32>
    %add3A_17 = arith.addf %add3A, %dot_general3A_16 : vector<1000x128xf32>
    %get3A_18 = arith.constant 0 : index
    %get3A_19 = arith.constant 0 : index
    %get3A_20 = vector.load %arg4[%get3A_18, %get3A_19] : memref<1000x64xf32, #tpu.memory_space<vmem>>, vector<1000x64xf32>
    %get3A_21 = arith.constant 0 : index
    %get3A_22 = arith.constant 0 : index
    %get3A_23 = vector.load %arg10[%get3A_21, %get3A_22] : memref<64x128xf32, #tpu.memory_space<vmem>>, vector<64x128xf32>
    %dot_general3A_24 = arith.constant dense<0.000000e+00> : vector<1000x128xf32>
    %dot_general3A_25 = tpu.matmul %get3A_20, %get3A_23, %dot_general3A_24 {dimension_numbers = #tpu.dot_dimension_numbers<[1], [0], [0], [1], [0, 0, 1, 1], [], []>, transpose_lhs_hint = false} : vector<1000x64xf32>, vector<64x128xf32>, vector<1000x128xf32> -> vector<1000x128xf32>
    %add3A_26 = arith.addf %add3A_17, %dot_general3A_25 : vector<1000x128xf32>
    %get3A_27 = arith.constant 0 : index
    %get3A_28 = arith.constant 0 : index
    %get3A_29 = vector.load %arg5[%get3A_27, %get3A_28] : memref<1000x64xf32, #tpu.memory_space<vmem>>, vector<1000x64xf32>
    %get3A_30 = arith.constant 0 : index
    %get3A_31 = arith.constant 0 : index
    %get3A_32 = vector.load %arg11[%get3A_30, %get3A_31] : memref<64x128xf32, #tpu.memory_space<vmem>>, vector<64x128xf32>
    %dot_general3A_33 = arith.constant dense<0.000000e+00> : vector<1000x128xf32>
    %dot_general3A_34 = tpu.matmul %get3A_29, %get3A_32, %dot_general3A_33 {dimension_numbers = #tpu.dot_dimension_numbers<[1], [0], [0], [1], [0, 0, 1, 1], [], []>, transpose_lhs_hint = false} : vector<1000x64xf32>, vector<64x128xf32>, vector<1000x128xf32> -> vector<1000x128xf32>
    %add3A_35 = arith.addf %add3A_26, %dot_general3A_34 : vector<1000x128xf32>
    %get3A_36 = arith.constant 0 : index
    %get3A_37 = arith.constant 0 : index
    %get3A_38 = vector.load %arg6[%get3A_36, %get3A_37] : memref<1000x64xf32, #tpu.memory_space<vmem>>, vector<1000x64xf32>
    %get3A_39 = arith.constant 0 : index
    %get3A_40 = arith.constant 0 : index
    %get3A_41 = vector.load %arg12[%get3A_39, %get3A_40] : memref<64x128xf32, #tpu.memory_space<vmem>>, vector<64x128xf32>
    %dot_general3A_42 = arith.constant dense<0.000000e+00> : vector<1000x128xf32>
    %dot_general3A_43 = tpu.matmul %get3A_38, %get3A_41, %dot_general3A_42 {dimension_numbers = #tpu.dot_dimension_numbers<[1], [0], [0], [1], [0, 0, 1, 1], [], []>, transpose_lhs_hint = false} : vector<1000x64xf32>, vector<64x128xf32>, vector<1000x128xf32> -> vector<1000x128xf32>
    %add3A_44 = arith.addf %add3A_35, %dot_general3A_43 : vector<1000x128xf32>
    %get3A_45 = arith.constant 0 : index
    %get3A_46 = arith.constant 0 : index
    %get3A_47 = vector.load %arg7[%get3A_45, %get3A_46] : memref<1000x64xf32, #tpu.memory_space<vmem>>, vector<1000x64xf32>
    %get3A_48 = arith.constant 0 : index
    %get3A_49 = arith.constant 0 : index
    %get3A_50 = vector.load %arg13[%get3A_48, %get3A_49] : memref<64x128xf32, #tpu.memory_space<vmem>>, vector<64x128xf32>
    %dot_general3A_51 = arith.constant dense<0.000000e+00> : vector<1000x128xf32>
    %dot_general3A_52 = tpu.matmul %get3A_47, %get3A_50, %dot_general3A_51 {dimension_numbers = #tpu.dot_dimension_numbers<[1], [0], [0], [1], [0, 0, 1, 1], [], []>, transpose_lhs_hint = false} : vector<1000x64xf32>, vector<64x128xf32>, vector<1000x128xf32> -> vector<1000x128xf32>
    %add3A_53 = arith.addf %add3A_44, %dot_general3A_52 : vector<1000x128xf32>
    %swap3A = arith.constant 0 : index
    %swap3A_54 = arith.constant 0 : index
    %swap3A_55 = vector.load %arg14[%swap3A, %swap3A_54] : memref<1000x128xf32, #tpu.memory_space<vmem>>, vector<1000x128xf32>
    tpu.vector_store %arg14[%swap3A, %swap3A_54], %add3A_53 {strides = array<i32>} : memref<1000x128xf32, #tpu.memory_space<vmem>>, vector<1000x128xf32>,
    %reduce_sum3A = arith.constant dense<0.000000e+00> : vector<128xf32>
    %reduce_sum3A_56 = vector.multi_reduction <add>, %add3A_53, %reduce_sum3A [0] : vector<1000x128xf32> to vector<128xf32>
    %broadcast_in_dim3A = vector.shape_cast %reduce_sum3A_56 : vector<128xf32> to vector<1x128xf32>
    %swap3A_57 = arith.constant 0 : index
    %swap3A_58 = arith.constant 0 : index
    %swap3A_59 = arith.constant 0 : index
    %swap3A_60 = vector.load %arg15[%swap3A_57, %swap3A_58, %swap3A_59] : memref<1x1x128xf32, #tpu.memory_space<vmem>>, vector<1x1x128xf32>
    %swap3A_61 = vector.shape_cast %swap3A_60 : vector<1x1x128xf32> to vector<1x128xf32>
    %swap3A_62 = vector.shape_cast %broadcast_in_dim3A : vector<1x128xf32> to vector<1x1x128xf32>
    tpu.vector_store %arg15[%swap3A_57, %swap3A_58, %swap3A_59], %swap3A_62 {strides = array<i32>} : memref<1x1x128xf32, #tpu.memory_space<vmem>>, vector<1x1x128xf32>,
    %mul3A = arith.mulf %add3A_53, %add3A_53 : vector<1000x128xf32>
    %reduce_sum3A_63 = arith.constant dense<0.000000e+00> : vector<128xf32>
    %reduce_sum3A_64 = vector.multi_reduction <add>, %mul3A, %reduce_sum3A_63 [0] : vector<1000x128xf32> to vector<128xf32>
    %broadcast_in_dim3A_65 = vector.shape_cast %reduce_sum3A_64 : vector<128xf32> to vector<1x128xf32>
    %swap3A_66 = arith.constant 0 : index
    %swap3A_67 = arith.constant 0 : index
    %swap3A_68 = arith.constant 0 : index
    %swap3A_69 = vector.load %arg16[%swap3A_66, %swap3A_67, %swap3A_68] : memref<1x1x128xf32, #tpu.memory_space<vmem>>, vector<1x1x128xf32>
    %swap3A_70 = vector.shape_cast %swap3A_69 : vector<1x1x128xf32> to vector<1x128xf32>
    %swap3A_71 = vector.shape_cast %broadcast_in_dim3A_65 : vector<1x128xf32> to vector<1x1x128xf32>
    tpu.vector_store %arg16[%swap3A_66, %swap3A_67, %swap3A_68], %swap3A_71 {strides = array<i32>} : memref<1x1x128xf32, #tpu.memory_space<vmem>>, vector<1x1x128xf32>,
    return
  }
  func.func @transform_0(%arg0: i32) -> (i32, i32) {
    %c0_i32 = arith.constant 0 : i32
    %c0_i32_0 = arith.constant 0 : i32
    return %arg0, %c0_i32 : i32, i32
  }
  func.func @transform_1(%arg0: i32) -> (i32, i32) {
    %c0_i32 = arith.constant 0 : i32
    %c0_i32_0 = arith.constant 0 : i32
    return %arg0, %c0_i32 : i32, i32
  }
  func.func @transform_2(%arg0: i32) -> (i32, i32) {
    %add3A = arith.constant 10 : i32
    %add3A_0 = arith.addi %arg0, %add3A : i32
    %c0_i32 = arith.constant 0 : i32
    %c0_i32_1 = arith.constant 0 : i32
    return %add3A_0, %c0_i32 : i32, i32
  }
  func.func @transform_3(%arg0: i32) -> (i32, i32) {
    %c0_i32 = arith.constant 0 : i32
    %c0_i32_0 = arith.constant 0 : i32
    return %arg0, %c0_i32 : i32, i32
  }
  func.func @transform_4(%arg0: i32) -> (i32, i32) {
    %add3A = arith.constant 10 : i32
    %add3A_0 = arith.addi %arg0, %add3A : i32
    %c0_i32 = arith.constant 0 : i32
    %c0_i32_1 = arith.constant 0 : i32
    return %add3A_0, %c0_i32 : i32, i32
  }
  func.func @transform_5(%arg0: i32) -> (i32, i32) {
    %c0_i32 = arith.constant 0 : i32
    %c0_i32_0 = arith.constant 0 : i32
    return %arg0, %c0_i32 : i32, i32
  }
  func.func @transform_6(%arg0: i32) -> (i32, i32) {
    %add3A = arith.constant 10 : i32
    %add3A_0 = arith.addi %arg0, %add3A : i32
    %c0_i32 = arith.constant 0 : i32
    %c0_i32_1 = arith.constant 0 : i32
    return %add3A_0, %c0_i32 : i32, i32
  }
  func.func @transform_7(%arg0: i32) -> (i32, i32) {
    %c0_i32 = arith.constant 0 : i32
    %c0_i32_0 = arith.constant 0 : i32
    %c0_i32_1 = arith.constant 0 : i32
    return %c0_i32, %c0_i32_0 : i32, i32
  }
  func.func @transform_8(%arg0: i32) -> (i32, i32) {
    %c0_i32 = arith.constant 0 : i32
    %c0_i32_0 = arith.constant 0 : i32
    %c0_i32_1 = arith.constant 0 : i32
    return %c0_i32, %c0_i32_0 : i32, i32
  }
  func.func @transform_9(%arg0: i32) -> (i32, i32) {
    %c0_i32 = arith.constant 0 : i32
    %c0_i32_0 = arith.constant 0 : i32
    %c0_i32_1 = arith.constant 0 : i32
    return %c0_i32, %c0_i32_0 : i32, i32
  }
  func.func @transform_10(%arg0: i32) -> (i32, i32) {
    %c0_i32 = arith.constant 0 : i32
    %c0_i32_0 = arith.constant 0 : i32
    %c0_i32_1 = arith.constant 0 : i32
    return %c0_i32, %c0_i32_0 : i32, i32
  }
  func.func @transform_11(%arg0: i32) -> (i32, i32) {
    %c0_i32 = arith.constant 0 : i32
    %c0_i32_0 = arith.constant 0 : i32
    %c0_i32_1 = arith.constant 0 : i32
    return %c0_i32, %c0_i32_0 : i32, i32
  }
  func.func @transform_12(%arg0: i32) -> (i32, i32) {
    %c0_i32 = arith.constant 0 : i32
    %c0_i32_0 = arith.constant 0 : i32
    %c0_i32_1 = arith.constant 0 : i32
    return %c0_i32, %c0_i32_0 : i32, i32
  }
  func.func @transform_13(%arg0: i32) -> (i32, i32) {
    %c0_i32 = arith.constant 0 : i32
    %c0_i32_0 = arith.constant 0 : i32
    return %arg0, %c0_i32 : i32, i32
  }
  func.func @transform_14(%arg0: i32) -> (i32, i32, i32) {
    %c0_i32 = arith.constant 0 : i32
    %c0_i32_0 = arith.constant 0 : i32
    %c0_i32_1 = arith.constant 0 : i32
    return %arg0, %c0_i32, %c0_i32_0 : i32, i32, i32
  }
  func.func @transform_15(%arg0: i32) -> (i32, i32, i32) {
    %c0_i32 = arith.constant 0 : i32
    %c0_i32_0 = arith.constant 0 : i32
    %c0_i32_1 = arith.constant 0 : i32
    return %arg0, %c0_i32, %c0_i32_0 : i32, i32, i32
  }
}

module attributes {stable_mosaic.version = 14 : i64} {
  func.func @_bn_body(%arg0: i32, %arg1: memref<1000x128xf32, #tpu.memory_space<vmem>>, %arg2: memref<10x1x128xf32, #tpu.memory_space<vmem>>, %arg3: memref<10x1x128xf32, #tpu.memory_space<vmem>>, %arg4: memref<1x128xf32, #tpu.memory_space<vmem>>, %arg5: memref<1x128xf32, #tpu.memory_space<vmem>>, %arg6: memref<1000x128xf32, #tpu.memory_space<vmem>>) attributes {dimension_semantics = [#tpu.dimension_semantics<arbitrary>], iteration_bounds = array<i64: 10>, scalar_prefetch = 0 : i64, scratch_operands = 0 : i64, tpu.core_type = #tpu.core_type<tc>, window_params = [{transform_indices = @transform_0, window_bounds = array<i64: 1000, 128>}, {pipeline_mode = #tpu.pipeline_mode<synchronous>, transform_indices = @transform_1, window_bounds = array<i64: 10, 1, 128>}, {pipeline_mode = #tpu.pipeline_mode<synchronous>, transform_indices = @transform_2, window_bounds = array<i64: 10, 1, 128>}, {pipeline_mode = #tpu.pipeline_mode<synchronous>, transform_indices = @transform_3, window_bounds = array<i64: 1, 128>}, {pipeline_mode = #tpu.pipeline_mode<synchronous>, transform_indices = @transform_4, window_bounds = array<i64: 1, 128>}, {transform_indices = @transform_5, window_bounds = array<i64: 1000, 128>}]} {
    %get3A = arith.constant 0 : index
    %get3A_0 = arith.constant 0 : index
    %get3A_1 = arith.constant 0 : index
    %get3A_2 = vector.load %arg2[%get3A, %get3A_0, %get3A_1] : memref<10x1x128xf32, #tpu.memory_space<vmem>>, vector<10x1x128xf32>
    %reduce_sum3A = arith.constant dense<0.000000e+00> : vector<1x128xf32>
    %reduce_sum3A_3 = vector.multi_reduction <add>, %get3A_2, %reduce_sum3A [0] : vector<10x1x128xf32> to vector<1x128xf32>
    %get3A_4 = arith.constant 0 : index
    %get3A_5 = arith.constant 0 : index
    %get3A_6 = arith.constant 0 : index
    %get3A_7 = vector.load %arg3[%get3A_4, %get3A_5, %get3A_6] : memref<10x1x128xf32, #tpu.memory_space<vmem>>, vector<10x1x128xf32>
    %reduce_sum3A_8 = arith.constant dense<0.000000e+00> : vector<1x128xf32>
    %reduce_sum3A_9 = vector.multi_reduction <add>, %get3A_7, %reduce_sum3A_8 [0] : vector<10x1x128xf32> to vector<1x128xf32>
    %div3A = arith.constant 1.000000e+04 : f32
    %div3A_10 = vector.broadcast %div3A : f32 to vector<1x128xf32>
    %div3A_11 = arith.divf %reduce_sum3A_3, %div3A_10 : vector<1x128xf32>
    %div3A_12 = arith.constant 1.000000e+04 : f32
    %div3A_13 = vector.broadcast %div3A_12 : f32 to vector<1x128xf32>
    %div3A_14 = arith.divf %reduce_sum3A_9, %div3A_13 : vector<1x128xf32>
    %mul3A = arith.mulf %div3A_11, %div3A_11 : vector<1x128xf32>
    %sub3A = arith.subf %div3A_14, %mul3A : vector<1x128xf32>
    %add3A = arith.constant 9.99999974E-6 : f32
    %add3A_15 = vector.broadcast %add3A : f32 to vector<1x128xf32>
    %add3A_16 = arith.addf %sub3A, %add3A_15 : vector<1x128xf32>
    %rsqrt3A = math.rsqrt %add3A_16 : vector<1x128xf32>
    %get3A_17 = arith.constant 0 : index
    %get3A_18 = arith.constant 0 : index
    %get3A_19 = vector.load %arg4[%get3A_17, %get3A_18] : memref<1x128xf32, #tpu.memory_space<vmem>>, vector<1x128xf32>
    %mul3A_20 = arith.mulf %get3A_19, %rsqrt3A : vector<1x128xf32>
    %get3A_21 = arith.constant 0 : index
    %get3A_22 = arith.constant 0 : index
    %get3A_23 = vector.load %arg1[%get3A_21, %get3A_22] : memref<1000x128xf32, #tpu.memory_space<vmem>>, vector<1000x128xf32>
    %mul3A_24 = vector.broadcast %mul3A_20 : vector<1x128xf32> to vector<1000x128xf32>
    %mul3A_25 = arith.mulf %get3A_23, %mul3A_24 : vector<1000x128xf32>
    %get3A_26 = arith.constant 0 : index
    %get3A_27 = arith.constant 0 : index
    %get3A_28 = vector.load %arg5[%get3A_26, %get3A_27] : memref<1x128xf32, #tpu.memory_space<vmem>>, vector<1x128xf32>
    %mul3A_29 = arith.mulf %div3A_11, %mul3A_20 : vector<1x128xf32>
    %sub3A_30 = arith.subf %get3A_28, %mul3A_29 : vector<1x128xf32>
    %add3A_31 = vector.broadcast %sub3A_30 : vector<1x128xf32> to vector<1000x128xf32>
    %add3A_32 = arith.addf %mul3A_25, %add3A_31 : vector<1000x128xf32>
    %swap3A = arith.constant 0 : index
    %swap3A_33 = arith.constant 0 : index
    %swap3A_34 = vector.load %arg6[%swap3A, %swap3A_33] : memref<1000x128xf32, #tpu.memory_space<vmem>>, vector<1000x128xf32>
    tpu.vector_store %arg6[%swap3A, %swap3A_33], %add3A_32 {strides = array<i32>} : memref<1000x128xf32, #tpu.memory_space<vmem>>, vector<1000x128xf32>,
    return
  }
  func.func @transform_0(%arg0: i32) -> (i32, i32) {
    %c0_i32 = arith.constant 0 : i32
    %c0_i32_0 = arith.constant 0 : i32
    return %arg0, %c0_i32 : i32, i32
  }
  func.func @transform_1(%arg0: i32) -> (i32, i32, i32) {
    %c0_i32 = arith.constant 0 : i32
    %c0_i32_0 = arith.constant 0 : i32
    %c0_i32_1 = arith.constant 0 : i32
    %c0_i32_2 = arith.constant 0 : i32
    return %c0_i32, %c0_i32_0, %c0_i32_1 : i32, i32, i32
  }
  func.func @transform_2(%arg0: i32) -> (i32, i32, i32) {
    %c0_i32 = arith.constant 0 : i32
    %c0_i32_0 = arith.constant 0 : i32
    %c0_i32_1 = arith.constant 0 : i32
    %c0_i32_2 = arith.constant 0 : i32
    return %c0_i32, %c0_i32_0, %c0_i32_1 : i32, i32, i32
  }
  func.func @transform_3(%arg0: i32) -> (i32, i32) {
    %c0_i32 = arith.constant 0 : i32
    %c0_i32_0 = arith.constant 0 : i32
    %c0_i32_1 = arith.constant 0 : i32
    return %c0_i32, %c0_i32_0 : i32, i32
  }
  func.func @transform_4(%arg0: i32) -> (i32, i32) {
    %c0_i32 = arith.constant 0 : i32
    %c0_i32_0 = arith.constant 0 : i32
    %c0_i32_1 = arith.constant 0 : i32
    return %c0_i32, %c0_i32_0 : i32, i32
  }
  func.func @transform_5(%arg0: i32) -> (i32, i32) {
    %c0_i32 = arith.constant 0 : i32
    %c0_i32_0 = arith.constant 0 : i32
    return %arg0, %c0_i32 : i32, i32
  }
}

</mosaic_0001>

<sc_bundles>
// kernel: kernel.7.cloned.1.call-start
scs
__scs_entry_jumppad:
0x0: {  	(pc) =	sbr.rel $0x88, $3  }
0x1: {  	(tag) =	ssettag $0x0;
	lr =	simm.s32 $0x1  }
0x2: {  	[smem:$0x3F8E] =	sst lr;
	_ =	strace $0xD0000000  }
0x3: {  	_ = 	snop  }
0x4: {  	_ = 	snop  }
0x5: {  	_ = 	snop  }
0x6: {  	_ = 	snop  }
0x7: {  	_ = 	snop  }
__scs_overlays_trampoline_lowered:
0x8: {  	[smem:$0x3F9D] =	sst s0  }
0x9: {  	[smem:$0x3F9E] =	sst s1  }
0xa: {  	[smem:$0x3F9F] =	sst s2  }
0xb: {  	[smem:$0x3FA0] =	sst s3  }
0xc: {  	[smem:$0x3FA1] =	sst s4  }
0xd: {  	[smem:$0x3FA2] =	sst s5  }
0xe: {  	[smem:$0x3FA3] =	sst s6  }
0xf: {  	[smem:$0x3FA4] =	sst s7  }
0x10: {  	[smem:$0x3FA5] =	sst s8  }
0x11: {  	[smem:$0x3FA6] =	sst s9;
	s0 =	simm.s32 @!p0 $0x0  }
0x12: {  	s1 =	sld [smem:$0x3F8C];
	s0 =	simm.s32 @p0 $0x1  }
0x13: {  	[smem:$0x3FA7] =	sst s0;
	s0 =	simm.s32 @!p1 $0x0  }
0x14: {  	s2 =	sld [smem:$0x3F8B];
	s0 =	simm.s32 @p1 $0x1  }
0x15: {  	[smem:$0x3FA8] =	sst s0;
	s0 =	simm.s32 @!p2 $0x0  }
0x16: {  	s3 =	sld [smem:$0x3FDB];
	s0 =	simm.s32 @p2 $0x1  }
0x17: {  	s4 =	simm.s32 $0x1BF5;
	[smem:$0x3FAA] =	sst s0  }
0x18: {  	s0 =	sld [smem:$0x3F8D];
	_ =	swait.ge [sflag:s4], $0x0  }
0x19: {  	s7 =	sld [smem:$0x3F8E]  }
0x1a: {  	s8 =	sadd.s32 $0xFFFFE003, lr  }
0x1b: {  	s9 =	sadd.s32 $0xFFFFFEF7, lr;
	s5 =	simm.s32 $0xFFFFFFFF;
	p2 =	slt.u32 s8, $0xFFFFF086  }
0x1c: {  	p1 =	slt.u32 s9, $0xF7A;
	s5 =	simm.s32 @!p2 $0x0  }
0x1d: {  	s5 =	simm.s32 @p1 $0x1;
	p0 =	seq.s32 s7, s2  }
0x1e: {  	s7 =	smul.u32 @!p0 $0xF7A, s2;
	p2 =	seq.s32 @!p0 s5, $0x0  }
0x1f: {  	s9 =	smul.u32 $0xF7A, s1;
	s8 =	simm.s32 @!p0 $0x1BF5;
	p2 =	por !p2, p0  }
0x20: {  	[sflag:s8] =	ssyncset.s32 @!p0 $0xFFFFF086;
	s6 =	sadd.s32 @!p0 s3, s7;
	s7 =	simm.s32 @!p0 $0x108  }
0x21: {  	s3 =	sadd.s32 s3, s9;
	s6 =	sadd.s32 @!p0 $0x88, s6;
	s7 =	simm.s32 @p2 $0x1082  }
0x22: {  	[simem:s7], [sflag:s8] =	dma.local @!p0 [hbm:s6], $0xF7A  }
0x23: {  	s9 =	sor.u32 $0xD0000000, s2;
	s6 =	simm.s32 $0x108;
	_ =	swait.ge @!p0 [sflag:s8], $0x0  }
0x24: {  	s3 =	sadd.s32 $0x88, s3;
	s6 =	simm.s32 @!p1 $0x1082;
	[sflag:s4] =	ssyncset.s32 $0xFFFFF086  }
0x25: {  	[simem:s6], [sflag:s4] =	dma.local [hbm:s3], $0xF7A  }
0x26: {  	[smem:$0x3F8E] =	sst s1;
	(tag) =	ssettag s2;
	_ =	strace s9  }
0x27: {  	s1 =	sld [smem:$0x3F9E]  }
0x28: {  	s2 =	sld [smem:$0x3F9F]  }
0x29: {  	s4 =	sld [smem:$0x3FA1]  }
0x2a: {  	p0 =	seq.s32 s5, $0x0;
	s5 =	sld [smem:$0x3FA2]  }
0x2b: {  	s6 =	sld [smem:$0x3FA3]  }
0x2c: {  	s7 =	sld [smem:$0x3FA4]  }
0x2d: {  	s3 =	simm.s32 $0x108;
	s8 =	sld [smem:$0x3FA5]  }
0x2e: {  	s3 =	simm.s32 @!p0 $0x1082;
	s9 =	sld [smem:$0x3FA6]  }
0x2f: {  	lr =	sadd.s32 s0, s3;
	s0 =	sld [smem:$0x3F9D]  }
0x30: {  	s3 =	sld [smem:$0x3FA0]  }
0x31: {  	[smem:$0x3FA9] =	sst s10  }
0x32: {  	s10 =	sld [smem:$0x3FA7];
	_ =	sdelay $0x3  }
0x33: {  	p0 =	seq.s32 s10, $0x1;
	s10 =	sld [smem:$0x3FA9];
	_ =	sdelay $0x3  }
0x34: {  	[smem:$0x3FA9] =	sst s10  }
0x35: {  	s10 =	sld [smem:$0x3FA8];
	_ =	sdelay $0x3  }
0x36: {  	p1 =	seq.s32 s10, $0x1;
	s10 =	sld [smem:$0x3FA9];
	_ =	sdelay $0x3  }
0x37: {  	[smem:$0x3FA9] =	sst s10  }
0x38: {  	s10 =	sld [smem:$0x3FAA]  }
0x39: {  	_ = 	snop;
	(pc) =	sbr.ind lr, $3  }
0x3a: {  	_ = 	snop  }
0x3b: {  	_ = 	snop  }
0x3c: {  	p2 =	seq.s32 s10, $0x1;
	s10 =	sld [smem:$0x3FA9]  }
0x3d: {  	_ =	shalt  }
0x3e: {  	_ =	shalt  }
0x3f: {  	_ =	shalt  }
0x40: {  	_ =	shalt  }
0x41: {  	_ =	shalt  }
0x42: {  	_ =	shalt  }
0x43: {  	_ =	shalt  }
0x44: {  	_ =	shalt  }
0x45: {  	_ =	shalt  }
0x46: {  	_ =	shalt  }
0x47: {  	_ =	shalt  }
0x48: {  	_ =	shalt  }
0x49: {  	_ =	shalt  }
0x4a: {  	_ =	shalt  }
0x4b: {  	_ =	shalt  }
0x4c: {  	_ =	shalt  }
0x4d: {  	_ =	shalt  }
0x4e: {  	_ =	shalt  }
0x4f: {  	_ =	shalt  }
0x50: {  	_ =	shalt  }
0x51: {  	_ =	shalt  }
0x52: {  	_ =	shalt  }
0x53: {  	_ =	shalt  }
0x54: {  	_ =	shalt  }
0x55: {  	_ =	shalt  }
0x56: {  	_ =	shalt  }
0x57: {  	_ =	shalt  }
0x58: {  	_ =	shalt  }
0x59: {  	_ =	shalt  }
0x5a: {  	_ =	shalt  }
0x5b: {  	_ =	shalt  }
0x5c: {  	_ =	shalt  }
0x5d: {  	_ =	shalt  }
0x5e: {  	_ =	shalt  }
0x5f: {  	_ =	shalt  }
0x60: {  	_ =	shalt  }
0x61: {  	_ =	shalt  }
0x62: {  	_ =	shalt  }
0x63: {  	_ =	shalt  }
0x64: {  	_ =	shalt  }
0x65: {  	_ =	shalt  }
0x66: {  	_ =	shalt  }
0x67: {  	_ =	shalt  }
0x68: {  	_ =	shalt  }
0x69: {  	_ =	shalt  }
0x6a: {  	_ =	shalt  }
0x6b: {  	_ =	shalt  }
0x6c: {  	_ =	shalt  }
0x6d: {  	_ =	shalt  }
0x6e: {  	_ =	shalt  }
0x6f: {  	_ =	shalt  }
0x70: {  	_ =	shalt  }
0x71: {  	_ =	shalt  }
0x72: {  	_ =	shalt  }
0x73: {  	_ =	shalt  }
0x74: {  	_ =	shalt  }
0x75: {  	_ =	shalt  }
0x76: {  	_ =	shalt  }
0x77: {  	_ =	shalt  }
0x78: {  	_ =	shalt  }
0x79: {  	_ =	shalt  }
0x7a: {  	_ =	shalt  }
0x7b: {  	_ =	shalt  }
0x7c: {  	_ =	shalt  }
0x7d: {  	_ =	shalt  }
0x7e: {  	_ =	shalt  }
0x7f: {  	_ =	shalt  }
0x80: {  	_ =	shalt  }
0x81: {  	_ =	shalt  }
0x82: {  	_ =	shalt  }
0x83: {  	_ =	shalt  }
0x84: {  	_ =	shalt  }
0x85: {  	_ =	shalt  }
0x86: {  	_ =	shalt  }
0x87: {  	_ =	shalt  }
.Lfunc_end0:
.L_simem_size_0:
called_computation_lowered:
.L_overlay_start_0:
0x88: {  	s2 =	sld [smem:$0x3FD9]  }
0x89: {  	s3 =	sld [smem:$0x3FFE];
	_ =	sdelay $0x1  }
0x8a: {  	s1 =	srdreg.scid  }
0x8b: {  	s0 =	sand.u32 $0x1, s1  }
0x8c: {  	s17 =	sshll.u32 s0, $0xA;
	s2 =	sadd.s32 s3, s2  }
0x8d: {  	s2 =	sadd.s32 s2, s17  }
0x8e: {  	[smem:$0x3FB5] =	sst s2  }
0x8f: {  	_ = 	snop  }
0x90: {  	s2 =	sld [smem:$0x3FD0];
	(tm) =	ssettm $0x1  }
0x91: {  	s18 =	sld [smem:$0x3FFB];
	_ =	sdelay $0x3  }
0x92: {  	_ =	strace s18  }
0x93: {  	s3 =	sld [smem:$0x3FFC];
	_ =	sdelay $0x3  }
0x94: {  	_ =	strace s3  }
0x95: {  	s3 =	sld [smem:$0x3FFD];
	_ =	sdelay $0x3  }
0x96: {  	_ =	strace s3  }
0x97: {  	_ =	strace $0x8FFFFFFF  }
0x98: {  	s19 =	sld [smem:$0x3FDB];
	_ =	sdelay $0x1  }
0x99: {  	s4 =	simm.s32 $_scs_section_size  }
0x9a: {  	s5 =	simm.s32 $_size__tile_overlayer_lowered;
	s6 =	simm.s32 $_tile_overlayer_lowered  }
0x9b: {  	s22 =	simm.s32 $0x1BFF;
	s21 =	sshll.u32 s6, $0x1;
	s3 =	sadd.s32 s4, s19  }
0x9c: {  	s7 =	simm.s32 $0x0;
	s20 =	sshll.u32 s5, $0x1;
	s5 =	sadd.s32 s21, s3  }
0x9d: {  	[timem:s7], [sflag:s22] =	dma.local [hbm:s5], s20  }
0x9e: {  	_ =	swait.ge [sflag:s22], s20  }
0x9f: {  	s4 =	ssub.s32 $0x0, s20;
	[sflag:s22] =	ssyncset.done $0x0  }
0xa0: {  	[sflag:s22] =	ssyncadd.s32 s4;
	_ =	sdelay $0x1  }
0xa1: {  	s23 =	simm.s32 $0x1B8B  }
0xa2: {  	_ =	swait.ge [sflag:s23], $0x1  }
0xa3: {  	[sflag:s23] =	ssyncset.done $0x0  }
0xa4: {  	s25 =	simm.s32 $0x1B8E;
	s24 =	sld [smem:$0x3FFE];
	[sflag:s23] =	ssyncadd.s32 $0xFFFFFFFF  }
0xa5: {  	s26 =	simm.s32 $execute0_lowered;
	[smem:$0x3FD2] =	sst s25  }
0xa6: {  	s5 =	sshll.u32 s26, $0x1;
	_ =	strace $0x80000046;
	[dreg:$0x1] =	wrdreg $0xFFFFFFFF  }
0xa7: {  	s28 =	simm.s32 $_size_execute0_lowered;
	s3 =	sadd.s32 s3, s5;
	[dreg:$0x0] =	wrdreg $0x0  }
0xa8: {  	s5 =	sshll.u32 s28, $0x1;
	[dreg:$0x2] =	wrdreg s3  }
0xa9: {  	[dreg:$0x3] =	wrdreg s5  }
0xaa: {  	[dreg:$0x4] =	wrdreg $0xC0  }
0xab: {  	_ =	task [dreg:s7], $0x5FFFF  }
0xac: {  	[dreg:$0x1] =	wrdreg $0xFFFFFFFF  }
0xad: {  	[dreg:$0x0] =	wrdreg $0x60  }
0xae: {  	[dreg:$0x2] =	wrdreg s24  }
0xaf: {  	[dreg:$0x3] =	wrdreg s2  }
0xb0: {  	[dreg:$0x4] =	wrdreg $0x120000  }
0xb1: {  	[dreg:$0x5] =	wrdreg $0x9  }
0xb2: {  	_ =	task.clear_ibuf [dreg:s7], $0x6FFFF;
	_ =	strace $0x90000046  }
0xb3: {  	s29 =	simm.s32 $0x9;
	_ =	strace $0x80000048  }
0xb4: {  	_ =	swait.ge [sflag:s29], $0x1  }
0xb5: {  	[sflag:s29] =	ssyncadd.s32 $0xFFFFFFFF  }
0xb6: {  	_ =	strace $0x90000048  }
0xb7: {  	_ =	sfence  }
0xb8: {  	s30 =	sld [smem:$0x0];
	_ =	sdelay $0x2  }
0xb9: {  	s31 =	sshll.u32 s1, $0xD;
	s1 =	sshrl.u32 s1, $0x2  }
0xba: {  	s3 =	sand.u32 $0x4000, s31;
	s1 =	sadd.s32 s1, s30  }
0xbb: {  	s0 =	sor.u32 s3, s0;
	s1 =	sshll.u32 s1, $0x11  }
0xbc: {  	s0 =	sor.u32 s1, s0  }
0xbd: {  	s0 =	sadd.s32 $0x8F2B, s0  }
0xbe: {  	[sflag:s0] =	ssyncadd.remote.s32 $0x1  }
0xbf: {  	_ =	sfence.sel $0xFFFF  }
0xc0: {  	[dreg:$0x0] =	wrdreg $0xFFFFFFFF;
	(pc) =	sbr.abs _section_cstart, $3  }
0xc1: {  	[dreg:$0x1] =	wrdreg $0xFFFFFFFF  }
0xc2: {  	_ =	task.clear_ibuf [dreg:s7], $0x2FFFF;
	_ =	strace $0x9FFFFFFF  }
0xc3: {  	(tm) =	ssettm $0x7FFFFFFF  }
tec
execute0_lowered:
.L_overlay_start_1:
0x0: {  	(tag) =	ssettag $0x1  }
0x1: {  	s0 =	rddreg [dreg:$0x0]  }
0x2: {  	s2 =	rddreg [dreg:$0x1]  }
0x3: {  	s3 =	rddreg [dreg:$0x2]  }
0x4: {  	s15 =	stileid.u32;
	s4 =	simm.s32 $0x0;
	s6 =	srdreg.scid  }
0x5: {  	s28 =	simm.s32 $0xA000;
	s29 =	simm.s32 $0xC000;
	s30 =	simm.s32 $0x100  }
0x6: {  	s31 =	simm.s32 $0xE000;
	s1 =	smul.u32 $0xA00, s15;
	[smem:$0x7FF] =	sst s4  }
0x7: {  	s25 =	smul.u32 $0xA000, s15;
	s9 =	sand.u32 $0x1, s6;
	s6 =	sadd.s32 $0xA0800, s0  }
0x8: {  	s7 =	sadd.s32 $0x2B200, s0;
	s12 =	sadd.s32 $0x79600, s0;
	s13 =	smul.u32 $0x280, s15  }
0x9: {  	s17 =	sadd.s32 $0x96000, s3;
	s20 =	smul.u32 $0x28000, s15;
	p0 =	seq.s32 s15, $0xF  }
0xa: {  	s15 =	simm.s32 $0x9F80;
	_ =	strace $0x80000047;
	s14 =	smul.u32 $0x2710, s9  }
0xb: {  	s10 =	ssub.s32 $0x2, s9;
	s16 =	smul.u32 $0x9C400, s9;
	[dreg:$0x7] =	wrdreg s17  }
0xc: {  	s9 =	simm.s32 $0x4;
	s1 =	sadd.s32 s1, s0;
	s5 =	sshrl.u32 s25, $0x3  }
0xd: {  	s11 =	sshrl.u32 s10, $0x1;
	s8 =	sadd.s32 s5, s0;
	s5 =	sadd.s32 $0x52400, s0  }
0xe: {  	s10 =	ssub.s32 s10, s11;
	s26 =	sadd.s32 $0x3800, s1;
	s1 =	sadd.s32 $0xD800, s1  }
0xf: {  	s11 =	sadd.s32 s25, s3;
	s18 =	sadd.s32 s13, s14;
	[dreg:$0x4] =	wrdreg s26  }
0x10: {  	s13 =	sadd.s32 $0x2A400, s0;
	v0 =	vmov s14;
	s14 =	simm.s32 $0x9F00;
	[dreg:$0x5] =	wrdreg s1  }
0x11: {  	[dreg:$0x6] =	wrdreg s11;
	s19 =	sshll.u32 s18, $0x3;
	s26 =	smax.u32 s10, $0x1  }
0x12: {  	s11 =	sadd.s32 $0x17800, s8;
	s4 =	sadd.s32 s5, s19;
	[dreg:$0x10] =	wrdreg s26  }
0x13: {  	s1 =	sshrl.u32 s16, $0x3;
	s22 =	sadd.s32 s6, s19;
	[dreg:$0x8] =	wrdreg s4  }
0x14: {  	s8 =	simm.s32 $0x3;
	s24 =	sadd.s32 s7, s19;
	[dreg:$0xa] =	wrdreg s22  }
0x15: {  	s1 =	sadd.s32 $0x12C00, s1;
	s0 =	sadd.s32 s12, s19;
	[dreg:$0xc] =	wrdreg s24  }
0x16: {  	s10 =	simm.s32 $0x9E00;
	s21 =	sadd.s32 s5, s1;
	[dreg:$0xe] =	wrdreg s0  }
0x17: {  	s16 =	simm.s32 $0x0;
	s23 =	sadd.s32 s6, s1;
	[dreg:$0x9] =	wrdreg s21  }
0x18: {  	s26 =	simm.s32 $0x80;
	s25 =	sadd.s32 s7, s1;
	[dreg:$0xb] =	wrdreg s23  }
0x19: {  	s4 =	sshrl.u32 s20, $0x2;
	s1 =	sadd.s32 s12, s1;
	[dreg:$0xd] =	wrdreg s25  }
0x1a: {  	s12 =	simm.s32 $0x9E80;
	s0 =	sadd.s32 s4, s3;
	[dreg:$0xf] =	wrdreg s1  }
0x1b: {  	s23 =	simm.s32 $0x5;
	s25 =	simm.s32 $0x10000;
	s1 =	simm.s32 $0x1  }
0x1c: {  	s4 =	simm.s32 $0x2;
	s24 =	sshrl.u32 @!p0 s0, $0x3;
	s0 =	simm.s32 $0x180  }
.LBB2_1:
0x1d: {  	s17 =	simm.s32 $0x0;
	s18 =	rddreg [dreg:$0x4]  }
0x1e: {  	[tilespmem:s17], [sflag:$0x5] =	stream.linear.gather [hbm4b:s18+s17], $0x5000, $0x38;
	[tilespmem:$0x1BC80] =	vst v63  }
0x1f: {  	_ =	swait.ge [sflag:s23], $0x5000  }
0x20: {  	[sflag:s23] =	ssyncset.done $0x0  }
0x21: {  	s19 =	simm.s32 $0x5000;
	s22 =	rddreg [dreg:$0x5];
	[sflag:s23] =	ssyncadd.s32 $0xFFFFB000  }
0x22: {  	[tilespmem:s19], [sflag:$0x5] =	stream.linear.gather [hbm4b:s22+s17], $0x5000, $0x38;
	[tilespmem:$0x1BC80] =	vst v63  }
0x23: {  	_ =	swait.ge [sflag:s23], $0x5000  }
0x24: {  	[sflag:s23] =	ssyncset.done $0x0  }
0x25: {  	s17 =	simm.s32 $0x0;
	[sflag:s23] =	ssyncadd.s32 $0xFFFFB000  }
0x26: {  	v3 =	vld [tilespmem:s17+$0x0]  }
0x27: {  	v5 =	vld [tilespmem:s17+$0x10]  }
0x28: {  	v4 =	vld [tilespmem:s17+$0x20]  }
0x29: {  	v2 =	vld [tilespmem:s17+$0x30]  }
0x2a: {  	v1 =	vld [tilespmem:s17+$0x40]  }
0x2b: {  	v6 =	vadd.s32 v0, v3;
	v3 =	vld [tilespmem:s17+$0x50]  }
0x2c: {  	s18 =	simm.s32 $0x200;
	[tilespmem:s17+$0x0] =	vst v6;
	v6 =	vadd.s32 v0, v5;
	v5 =	vld [tilespmem:s17+$0x60]  }
.LBB2_2:
0x2d: {  	s19 =	sshra.s32 s18, $0x2;
	p1 =	sne.s32 s18, $0x13E00;
	[tilespmem:s17+$0x10] =	vst v6;
	v4 =	vadd.s32 v0, v4;
	v6 =	vld [tilespmem:s17+$0x70]  }
0x2e: {  	v7 =	vld [tilespmem:s19+$0x0];
	[tilespmem:s17+$0x20] =	vst v4;
	v2 =	vadd.s32 v0, v2  }
0x2f: {  	v8 =	vld [tilespmem:s19+$0x10];
	[tilespmem:s17+$0x30] =	vst v2;
	v1 =	vadd.s32 v0, v1  }
.Ltmp0:
0x30: {  	v4 =	vld [tilespmem:s19+$0x20];
	[tilespmem:s17+$0x40] =	vst v1;
	v1 =	vadd.s32 v0, v3;
	(pc) =	sbr.rel @p1 .LBB2_2-.Ltmp0, $4  }
0x31: {  	v2 =	vld [tilespmem:s19+$0x30];
	[tilespmem:s17+$0x50] =	vst v1;
	v3 =	vadd.s32 v0, v5  }
0x32: {  	v1 =	vld [tilespmem:s19+$0x40];
	[tilespmem:s17+$0x60] =	vst v3;
	v5 =	vadd.s32 v0, v6  }
0x33: {  	v6 =	vadd.s32 v0, v7;
	v3 =	vld [tilespmem:s19+$0x50];
	[tilespmem:s17+$0x70] =	vst v5;
	s17 =	smov.u32 s19  }
0x34: {  	s18 =	sadd.s32 $0x200, s18;
	[tilespmem:s17+$0x0] =	vst v6;
	v6 =	vadd.s32 v0, v8;
	v5 =	vld [tilespmem:s17+$0x60]  }
0x35: {  	[tilespmem:s17+$0x10] =	vst v6;
	v4 =	vadd.s32 v0, v4;
	v63 =	vld [tilespmem:s17+$0x70]  }
0x36: {  	[tilespmem:s17+$0x20] =	vst v4;
	v2 =	vadd.s32 v0, v2  }
0x37: {  	[tilespmem:s17+$0x30] =	vst v2;
	v1 =	vadd.s32 v0, v1  }
0x38: {  	[tilespmem:s17+$0x40] =	vst v1;
	v1 =	vadd.s32 v0, v3  }
0x39: {  	[tilespmem:s17+$0x50] =	vst v1;
	v1 =	vadd.s32 v0, v5  }
0x3a: {  	[tilespmem:s17+$0x60] =	vst v1;
	v1 =	vadd.s32 v0, v63  }
0x3b: {  	[tilespmem:s17+$0x70] =	vst v1;
	s17 =	rddreg [dreg:$0x7]  }
0x3c: {  	s18 =	simm.s32 @p0 $0x1FC5;
	s17 =	sshrl.u32 @p0 s17, $0x3  }
0x3d: {  	[spmem:s17], [sflag:s18] =	dma.local @p0 [hbm:s13], $0xD00  }
0x3e: {  	s18 =	simm.s32 @p0 $0x5  }
0x3f: {  	s19 =	stileid.u32;
	_ =	swait.ge @p0 [sflag:s18], $0xD00  }
0x40: {  	s19 =	sshll.u32 @!p0 s19, $0x6;
	[sflag:s18] =	ssyncset.done @p0 $0x0  }
0x41: {  	[sflag:s18] =	ssyncadd.s32 @p0 $0xFFFFF300;
	s18 =	sor.u32 @!p0 $0x1C05, s19;
	s19 =	rddreg [dreg:$0x6]  }
0x42: {  	s20 =	simm.s32 @!p0 $0x5;
	s19 =	sshrl.u32 @!p0 s19, $0x3  }
0x43: {  	[spmem:s19], [sflag:s18] =	dma.local @!p0 [hbm:s11], $0x1400  }
0x44: {  	_ =	swait.ge @!p0 [sflag:s20], $0x1400  }
0x45: {  	[sflag:s20] =	ssyncset.done @!p0 $0x0  }
0x46: {  	[sflag:s20] =	ssyncadd.s32 @!p0 $0xFFFFEC00  }
0x47: {  	s21 =	simm.s32 $0x0;
	[bflag:$0x0] =	sbarrier.arrive $0xFFFF  }
0x48: {  	[tilespmem:s28], [sflag:$0x1] =	stream.indirect.gather [hbm4b:s2+s26], $0x40, s21, s26, $0xb8;
	[tilespmem:$0x1BC80] =	vst v63  }
0x49: {  	_ = 	snop  }
0x4a: {  	[tilespmem:s29], [sflag:$0x2] =	stream.indirect.gather [hbm4b:s2+s26], $0x40, s26, s26, $0xb8;
	[tilespmem:$0x1BC80] =	vst v63  }
0x4b: {  	_ = 	snop  }
0x4c: {  	[tilespmem:s31], [sflag:$0x3] =	stream.indirect.gather [hbm4b:s2+s26], $0x40, s30, s26, $0xb8;
	[tilespmem:$0x1BC80] =	vst v63  }
0x4d: {  	_ = 	snop  }
0x4e: {  	[tilespmem:s25], [sflag:$0x4] =	stream.indirect.gather [hbm4b:s2+s26], $0x40, s0, s26, $0xb8;
	[tilespmem:$0x1BC80] =	vst v63  }
0x4f: {  	_ =	swait.ge [sflag:s1], $0x2000  }
0x50: {  	[sflag:s1] =	ssyncset.done $0x0  }
0x51: {  	s22 =	simm.s32 $0x5000;
	[sflag:s1] =	ssyncadd.s32 $0xFFFFE000  }
0x52: {  	[spmem:s3] =	stream.indirect.scatter.add.f32 [tilespmem:s28], [sflag:$0x5], $0x40, s22, s26, $0xb8;
	[tilespmem:$0x1BC80] =	vst v63  }
0x53: {  	_ =	swait.ge [sflag:s23], $0x2000  }
0x54: {  	[sflag:s23] =	ssyncset.done $0x0  }
0x55: {  	s21 =	simm.s32 $0x200;
	[sflag:s23] =	ssyncadd.s32 $0xFFFFE000  }
0x56: {  	[tilespmem:s28], [sflag:$0x1] =	stream.indirect.gather [hbm4b:s2+s26], $0x40, s21, s26, $0xb8;
	[tilespmem:$0x1BC80] =	vst v63  }
0x57: {  	_ =	swait.ge [sflag:s4], $0x2000  }
0x58: {  	[sflag:s4] =	ssyncset.done $0x0  }
0x59: {  	s22 =	simm.s32 $0x5080;
	[sflag:s4] =	ssyncadd.s32 $0xFFFFE000  }
0x5a: {  	[spmem:s3] =	stream.indirect.scatter.add.f32 [tilespmem:s29], [sflag:$0x5], $0x40, s22, s26, $0xb8;
	[tilespmem:$0x1BC80] =	vst v63  }
0x5b: {  	_ =	swait.ge [sflag:s23], $0x2000  }
0x5c: {  	[sflag:s23] =	ssyncset.done $0x0  }
0x5d: {  	s21 =	simm.s32 $0x280;
	[sflag:s23] =	ssyncadd.s32 $0xFFFFE000  }
0x5e: {  	[tilespmem:s29], [sflag:$0x2] =	stream.indirect.gather [hbm4b:s2+s26], $0x40, s21, s26, $0xb8;
	[tilespmem:$0x1BC80] =	vst v63  }
0x5f: {  	_ =	swait.ge [sflag:s8], $0x2000  }
0x60: {  	[sflag:s8] =	ssyncset.done $0x0  }
0x61: {  	s22 =	simm.s32 $0x5100;
	[sflag:s8] =	ssyncadd.s32 $0xFFFFE000  }
0x62: {  	[spmem:s3] =	stream.indirect.scatter.add.f32 [tilespmem:s31], [sflag:$0x5], $0x40, s22, s26, $0xb8;
	[tilespmem:$0x1BC80] =	vst v63  }
0x63: {  	_ =	swait.ge [sflag:s23], $0x2000  }
0x64: {  	[sflag:s23] =	ssyncset.done $0x0  }
0x65: {  	s21 =	simm.s32 $0x300;
	[sflag:s23] =	ssyncadd.s32 $0xFFFFE000  }
0x66: {  	[tilespmem:s31], [sflag:$0x3] =	stream.indirect.gather [hbm4b:s2+s26], $0x40, s21, s26, $0xb8;
	[tilespmem:$0x1BC80] =	vst v63  }
0x67: {  	_ =	swait.ge [sflag:s9], $0x2000  }
0x68: {  	[sflag:s9] =	ssyncset.done $0x0  }
0x69: {  	s22 =	simm.s32 $0x5180;
	[sflag:s9] =	ssyncadd.s32 $0xFFFFE000  }
0x6a: {  	[spmem:s3] =	stream.indirect.scatter.add.f32 [tilespmem:s25], [sflag:$0x5], $0x40, s22, s26, $0xb8;
	[tilespmem:$0x1BC80] =	vst v63  }
0x6b: {  	_ =	swait.ge [sflag:s23], $0x2000  }
0x6c: {  	[sflag:s23] =	ssyncset.done $0x0  }
0x6d: {  	s20 =	simm.s32 $0x800;
	s21 =	simm.s32 $0x380;
	[sflag:s23] =	ssyncadd.s32 $0xFFFFE000  }
.LBB2_4:
0x6e: {  	[tilespmem:s25], [sflag:$0x4] =	stream.indirect.gather [hbm4b:s2+s26], $0x40, s21, s26, $0xb8;
	[tilespmem:$0x1BC80] =	vst v63  }
0x6f: {  	s21 =	smov.u32 s20  }
0x70: {  	p1 =	sne.s32 s20, $0x13000;
	s20 =	sadd.s32 $0x800, s20;
	_ =	swait.ge [sflag:s1], $0x2000  }
0x71: {  	s21 =	sshra.s32 s21, $0x2;
	[sflag:s1] =	ssyncset.done $0x0  }
0x72: {  	s22 =	sadd.s32 $0x5000, s21;
	[sflag:s1] =	ssyncadd.s32 $0xFFFFE000  }
0x73: {  	[spmem:s3] =	stream.indirect.scatter.add.f32 [tilespmem:s28], [sflag:$0x5], $0x40, s22, s26, $0xb8;
	[tilespmem:$0x1BC80] =	vst v63  }
0x74: {  	_ =	swait.ge [sflag:s23], $0x2000  }
0x75: {  	[sflag:s23] =	ssyncset.done $0x0  }
0x76: {  	s22 =	sadd.s32 $0x200, s21;
	[sflag:s23] =	ssyncadd.s32 $0xFFFFE000  }
0x77: {  	[tilespmem:s28], [sflag:$0x1] =	stream.indirect.gather [hbm4b:s2+s26], $0x40, s22, s26, $0xb8;
	[tilespmem:$0x1BC80] =	vst v63  }
0x78: {  	_ =	swait.ge [sflag:s4], $0x2000  }
0x79: {  	[sflag:s4] =	ssyncset.done $0x0  }
0x7a: {  	s22 =	sadd.s32 $0x5080, s21;
	[sflag:s4] =	ssyncadd.s32 $0xFFFFE000  }
0x7b: {  	[spmem:s3] =	stream.indirect.scatter.add.f32 [tilespmem:s29], [sflag:$0x5], $0x40, s22, s26, $0xb8;
	[tilespmem:$0x1BC80] =	vst v63  }
0x7c: {  	_ =	swait.ge [sflag:s23], $0x2000  }
0x7d: {  	[sflag:s23] =	ssyncset.done $0x0  }
0x7e: {  	s22 =	sadd.s32 $0x280, s21;
	[sflag:s23] =	ssyncadd.s32 $0xFFFFE000  }
0x7f: {  	[tilespmem:s29], [sflag:$0x2] =	stream.indirect.gather [hbm4b:s2+s26], $0x40, s22, s26, $0xb8;
	[tilespmem:$0x1BC80] =	vst v63  }
0x80: {  	_ =	swait.ge [sflag:s8], $0x2000  }
0x81: {  	[sflag:s8] =	ssyncset.done $0x0  }
0x82: {  	s22 =	sadd.s32 $0x5100, s21;
	[sflag:s8] =	ssyncadd.s32 $0xFFFFE000  }
0x83: {  	[spmem:s3] =	stream.indirect.scatter.add.f32 [tilespmem:s31], [sflag:$0x5], $0x40, s22, s26, $0xb8;
	[tilespmem:$0x1BC80] =	vst v63  }
0x84: {  	_ =	swait.ge [sflag:s23], $0x2000  }
0x85: {  	[sflag:s23] =	ssyncset.done $0x0  }
0x86: {  	s22 =	sadd.s32 $0x300, s21;
	[sflag:s23] =	ssyncadd.s32 $0xFFFFE000  }
0x87: {  	[tilespmem:s31], [sflag:$0x3] =	stream.indirect.gather [hbm4b:s2+s26], $0x40, s22, s26, $0xb8;
	[tilespmem:$0x1BC80] =	vst v63  }
0x88: {  	_ =	swait.ge [sflag:s9], $0x2000  }
0x89: {  	[sflag:s9] =	ssyncset.done $0x0  }
.Ltmp1:
0x8a: {  	s22 =	sadd.s32 $0x5180, s21;
	[sflag:s9] =	ssyncadd.s32 $0xFFFFE000;
	(pc) =	sbr.rel @p1 .LBB2_4-.Ltmp1, $4  }
0x8b: {  	[spmem:s3] =	stream.indirect.scatter.add.f32 [tilespmem:s25], [sflag:$0x5], $0x40, s22, s26, $0xb8;
	[tilespmem:$0x1BC80] =	vst v63  }
0x8c: {  	_ =	swait.ge [sflag:s23], $0x2000  }
0x8d: {  	[sflag:s23] =	ssyncset.done $0x0  }
0x8e: {  	s21 =	sadd.s32 $0x380, s21;
	[sflag:s23] =	ssyncadd.s32 $0xFFFFE000  }
0x8f: {  	[tilespmem:s25], [sflag:$0x4] =	stream.indirect.gather [hbm4b:s2+s26], $0x40, s21, s26, $0xb8;
	[tilespmem:$0x1BC80] =	vst v63  }
0x90: {  	_ =	swait.ge [sflag:s1], $0x2000  }
0x91: {  	[sflag:s1] =	ssyncset.done $0x0  }
0x92: {  	[sflag:s1] =	ssyncadd.s32 $0xFFFFE000  }
0x93: {  	[spmem:s3] =	stream.indirect.scatter.add.f32 [tilespmem:s28], [sflag:$0x5], $0x40, s10, s26, $0xb8;
	[tilespmem:$0x1BC80] =	vst v63  }
0x94: {  	_ =	swait.ge [sflag:s23], $0x2000  }
0x95: {  	[sflag:s23] =	ssyncset.done $0x0  }
0x96: {  	[sflag:s23] =	ssyncadd.s32 $0xFFFFE000  }
0x97: {  	_ =	swait.ge [sflag:s4], $0x2000  }
0x98: {  	[sflag:s4] =	ssyncset.done $0x0  }
0x99: {  	[sflag:s4] =	ssyncadd.s32 $0xFFFFE000  }
0x9a: {  	[spmem:s3] =	stream.indirect.scatter.add.f32 [tilespmem:s29], [sflag:$0x5], $0x40, s12, s26, $0xb8;
	[tilespmem:$0x1BC80] =	vst v63  }
0x9b: {  	_ =	swait.ge [sflag:s23], $0x2000  }
0x9c: {  	[sflag:s23] =	ssyncset.done $0x0  }
0x9d: {  	[sflag:s23] =	ssyncadd.s32 $0xFFFFE000  }
0x9e: {  	_ =	swait.ge [sflag:s8], $0x2000  }
0x9f: {  	[sflag:s8] =	ssyncset.done $0x0  }
0xa0: {  	[sflag:s8] =	ssyncadd.s32 $0xFFFFE000  }
0xa1: {  	[spmem:s3] =	stream.indirect.scatter.add.f32 [tilespmem:s31], [sflag:$0x5], $0x40, s14, s26, $0xb8;
	[tilespmem:$0x1BC80] =	vst v63  }
0xa2: {  	_ =	swait.ge [sflag:s23], $0x2000  }
0xa3: {  	[sflag:s23] =	ssyncset.done $0x0  }
0xa4: {  	[sflag:s23] =	ssyncadd.s32 $0xFFFFE000  }
0xa5: {  	_ =	swait.ge [sflag:s9], $0x2000  }
0xa6: {  	[sflag:s9] =	ssyncset.done $0x0  }
0xa7: {  	[sflag:s9] =	ssyncadd.s32 $0xFFFFE000  }
0xa8: {  	[spmem:s3] =	stream.indirect.scatter.add.f32 [tilespmem:s25], [sflag:$0x5], $0x40, s15, s26, $0xb8;
	[tilespmem:$0x1BC80] =	vst v63  }
0xa9: {  	_ =	swait.ge [sflag:s23], $0x2000  }
0xaa: {  	[sflag:s23] =	ssyncset.done $0x0  }
0xab: {  	[sflag:s23] =	ssyncadd.s32 $0xFFFFE000  }
0xac: {  	[bflag:$0x0] =	sbarrier.arrive $0xFFFF  }
0xad: {  	s20 =	simm.s32 @p0 $0x1FC5;
	s21 =	rddreg [dreg:$0x9]  }
0xae: {  	[hbm:s21], [sflag:s20] =	dma.local @p0 [spmem:s17], $0xC80  }
0xaf: {  	s21 =	simm.s32 @p0 $0x5  }
0xb0: {  	_ =	swait.ge @p0 [sflag:s21], $0xC80  }
0xb1: {  	[sflag:s21] =	ssyncset.done @p0 $0x0  }
0xb2: {  	[sflag:s21] =	ssyncadd.s32 @p0 $0xFFFFF380  }
0xb3: {  	[spmem:s17], [sflag:s20] =	dma.local @p0 [hbm:s13], $0xD00  }
0xb4: {  	_ =	swait.ge @p0 [sflag:s21], $0xD00  }
0xb5: {  	[sflag:s21] =	ssyncset.done @p0 $0x0  }
0xb6: {  	s20 =	rddreg [dreg:$0x8];
	[sflag:s21] =	ssyncadd.s32 @p0 $0xFFFFF300  }
0xb7: {  	[hbm:s20], [sflag:s18] =	dma.local @!p0 [spmem:s19], $0x1400  }
0xb8: {  	s20 =	simm.s32 @!p0 $0x5  }
0xb9: {  	_ =	swait.ge @!p0 [sflag:s20], $0x1400  }
0xba: {  	[sflag:s20] =	ssyncset.done @!p0 $0x0  }
0xbb: {  	[sflag:s20] =	ssyncadd.s32 @!p0 $0xFFFFEC00  }
0xbc: {  	[spmem:s19], [sflag:s18] =	dma.local @!p0 [hbm:s11], $0x1400  }
0xbd: {  	_ =	swait.ge @!p0 [sflag:s20], $0x1400  }
0xbe: {  	[sflag:s20] =	ssyncset.done @!p0 $0x0  }
0xbf: {  	[sflag:s20] =	ssyncadd.s32 @!p0 $0xFFFFEC00  }
0xc0: {  	s21 =	simm.s32 $0x0;
	[bflag:$0x0] =	sbarrier.arrive $0xFFFF  }
0xc1: {  	[tilespmem:s28], [sflag:$0x1] =	stream.indirect.gather [hbm4b:s5+s26], $0x40, s21, s26, $0xb8;
	[tilespmem:$0x1BC80] =	vst v63  }
0xc2: {  	_ = 	snop  }
0xc3: {  	[tilespmem:s29], [sflag:$0x2] =	stream.indirect.gather [hbm4b:s5+s26], $0x40, s26, s26, $0xb8;
	[tilespmem:$0x1BC80] =	vst v63  }
0xc4: {  	_ = 	snop  }
0xc5: {  	[tilespmem:s31], [sflag:$0x3] =	stream.indirect.gather [hbm4b:s5+s26], $0x40, s30, s26, $0xb8;
	[tilespmem:$0x1BC80] =	vst v63  }
0xc6: {  	_ = 	snop  }
0xc7: {  	[tilespmem:s25], [sflag:$0x4] =	stream.indirect.gather [hbm4b:s5+s26], $0x40, s0, s26, $0xb8;
	[tilespmem:$0x1BC80] =	vst v63  }
0xc8: {  	_ =	swait.ge [sflag:s1], $0x2000  }
0xc9: {  	[sflag:s1] =	ssyncset.done $0x0  }
0xca: {  	s22 =	simm.s32 $0x5000;
	[sflag:s1] =	ssyncadd.s32 $0xFFFFE000  }
0xcb: {  	[spmem:s3] =	stream.indirect.scatter.add.f32 [tilespmem:s28], [sflag:$0x5], $0x40, s22, s26, $0xb8;
	[tilespmem:$0x1BC80] =	vst v63  }
0xcc: {  	_ =	swait.ge [sflag:s23], $0x2000  }
0xcd: {  	[sflag:s23] =	ssyncset.done $0x0  }
0xce: {  	s21 =	simm.s32 $0x200;
	[sflag:s23] =	ssyncadd.s32 $0xFFFFE000  }
0xcf: {  	[tilespmem:s28], [sflag:$0x1] =	stream.indirect.gather [hbm4b:s5+s26], $0x40, s21, s26, $0xb8;
	[tilespmem:$0x1BC80] =	vst v63  }
0xd0: {  	_ =	swait.ge [sflag:s4], $0x2000  }
0xd1: {  	[sflag:s4] =	ssyncset.done $0x0  }
0xd2: {  	s22 =	simm.s32 $0x5080;
	[sflag:s4] =	ssyncadd.s32 $0xFFFFE000  }
0xd3: {  	[spmem:s3] =	stream.indirect.scatter.add.f32 [tilespmem:s29], [sflag:$0x5], $0x40, s22, s26, $0xb8;
	[tilespmem:$0x1BC80] =	vst v63  }
0xd4: {  	_ =	swait.ge [sflag:s23], $0x2000  }
0xd5: {  	[sflag:s23] =	ssyncset.done $0x0  }
0xd6: {  	s21 =	simm.s32 $0x280;
	[sflag:s23] =	ssyncadd.s32 $0xFFFFE000  }
0xd7: {  	[tilespmem:s29], [sflag:$0x2] =	stream.indirect.gather [hbm4b:s5+s26], $0x40, s21, s26, $0xb8;
	[tilespmem:$0x1BC80] =	vst v63  }
0xd8: {  	_ =	swait.ge [sflag:s8], $0x2000  }
0xd9: {  	[sflag:s8] =	ssyncset.done $0x0  }
0xda: {  	s22 =	simm.s32 $0x5100;
	[sflag:s8] =	ssyncadd.s32 $0xFFFFE000  }
0xdb: {  	[spmem:s3] =	stream.indirect.scatter.add.f32 [tilespmem:s31], [sflag:$0x5], $0x40, s22, s26, $0xb8;
	[tilespmem:$0x1BC80] =	vst v63  }
0xdc: {  	_ =	swait.ge [sflag:s23], $0x2000  }
0xdd: {  	[sflag:s23] =	ssyncset.done $0x0  }
0xde: {  	s21 =	simm.s32 $0x300;
	[sflag:s23] =	ssyncadd.s32 $0xFFFFE000  }
0xdf: {  	[tilespmem:s31], [sflag:$0x3] =	stream.indirect.gather [hbm4b:s5+s26], $0x40, s21, s26, $0xb8;
	[tilespmem:$0x1BC80] =	vst v63  }
0xe0: {  	_ =	swait.ge [sflag:s9], $0x2000  }
0xe1: {  	[sflag:s9] =	ssyncset.done $0x0  }
0xe2: {  	s22 =	simm.s32 $0x5180;
	[sflag:s9] =	ssyncadd.s32 $0xFFFFE000  }
0xe3: {  	[spmem:s3] =	stream.indirect.scatter.add.f32 [tilespmem:s25], [sflag:$0x5], $0x40, s22, s26, $0xb8;
	[tilespmem:$0x1BC80] =	vst v63  }
0xe4: {  	_ =	swait.ge [sflag:s23], $0x2000  }
0xe5: {  	[sflag:s23] =	ssyncset.done $0x0  }
0xe6: {  	s20 =	simm.s32 $0x800;
	s21 =	simm.s32 $0x380;
	[sflag:s23] =	ssyncadd.s32 $0xFFFFE000  }
.LBB2_6:
0xe7: {  	[tilespmem:s25], [sflag:$0x4] =	stream.indirect.gather [hbm4b:s5+s26], $0x40, s21, s26, $0xb8;
	[tilespmem:$0x1BC80] =	vst v63  }
0xe8: {  	s21 =	smov.u32 s20  }
0xe9: {  	p1 =	sne.s32 s20, $0x13000;
	s20 =	sadd.s32 $0x800, s20;
	_ =	swait.ge [sflag:s1], $0x2000  }
0xea: {  	s21 =	sshra.s32 s21, $0x2;
	[sflag:s1] =	ssyncset.done $0x0  }
0xeb: {  	s22 =	sadd.s32 $0x5000, s21;
	[sflag:s1] =	ssyncadd.s32 $0xFFFFE000  }
0xec: {  	[spmem:s3] =	stream.indirect.scatter.add.f32 [tilespmem:s28], [sflag:$0x5], $0x40, s22, s26, $0xb8;
	[tilespmem:$0x1BC80] =	vst v63  }
0xed: {  	_ =	swait.ge [sflag:s23], $0x2000  }
0xee: {  	[sflag:s23] =	ssyncset.done $0x0  }
0xef: {  	s22 =	sadd.s32 $0x200, s21;
	[sflag:s23] =	ssyncadd.s32 $0xFFFFE000  }
0xf0: {  	[tilespmem:s28], [sflag:$0x1] =	stream.indirect.gather [hbm4b:s5+s26], $0x40, s22, s26, $0xb8;
	[tilespmem:$0x1BC80] =	vst v63  }
0xf1: {  	_ =	swait.ge [sflag:s4], $0x2000  }
0xf2: {  	[sflag:s4] =	ssyncset.done $0x0  }
0xf3: {  	s22 =	sadd.s32 $0x5080, s21;
	[sflag:s4] =	ssyncadd.s32 $0xFFFFE000  }
0xf4: {  	[spmem:s3] =	stream.indirect.scatter.add.f32 [tilespmem:s29], [sflag:$0x5], $0x40, s22, s26, $0xb8;
	[tilespmem:$0x1BC80] =	vst v63  }
0xf5: {  	_ =	swait.ge [sflag:s23], $0x2000  }
0xf6: {  	[sflag:s23] =	ssyncset.done $0x0  }
0xf7: {  	s22 =	sadd.s32 $0x280, s21;
	[sflag:s23] =	ssyncadd.s32 $0xFFFFE000  }
0xf8: {  	[tilespmem:s29], [sflag:$0x2] =	stream.indirect.gather [hbm4b:s5+s26], $0x40, s22, s26, $0xb8;
	[tilespmem:$0x1BC80] =	vst v63  }
0xf9: {  	_ =	swait.ge [sflag:s8], $0x2000  }
0xfa: {  	[sflag:s8] =	ssyncset.done $0x0  }
0xfb: {  	s22 =	sadd.s32 $0x5100, s21;
	[sflag:s8] =	ssyncadd.s32 $0xFFFFE000  }
0xfc: {  	[spmem:s3] =	stream.indirect.scatter.add.f32 [tilespmem:s31], [sflag:$0x5], $0x40, s22, s26, $0xb8;
	[tilespmem:$0x1BC80] =	vst v63  }
0xfd: {  	_ =	swait.ge [sflag:s23], $0x2000  }
0xfe: {  	[sflag:s23] =	ssyncset.done $0x0  }
0xff: {  	s22 =	sadd.s32 $0x300, s21;
	[sflag:s23] =	ssyncadd.s32 $0xFFFFE000  }
0x100: {  	[tilespmem:s31], [sflag:$0x3] =	stream.indirect.gather [hbm4b:s5+s26], $0x40, s22, s26, $0xb8;
	[tilespmem:$0x1BC80] =	vst v63  }
0x101: {  	_ =	swait.ge [sflag:s9], $0x2000  }
0x102: {  	[sflag:s9] =	ssyncset.done $0x0  }
.Ltmp2:
0x103: {  	s22 =	sadd.s32 $0x5180, s21;
	[sflag:s9] =	ssyncadd.s32 $0xFFFFE000;
	(pc) =	sbr.rel @p1 .LBB2_6-.Ltmp2, $4  }
0x104: {  	[spmem:s3] =	stream.indirect.scatter.add.f32 [tilespmem:s25], [sflag:$0x5], $0x40, s22, s26, $0xb8;
	[tilespmem:$0x1BC80] =	vst v63  }
0x105: {  	_ =	swait.ge [sflag:s23], $0x2000  }
0x106: {  	[sflag:s23] =	ssyncset.done $0x0  }
0x107: {  	s21 =	sadd.s32 $0x380, s21;
	[sflag:s23] =	ssyncadd.s32 $0xFFFFE000  }
0x108: {  	[tilespmem:s25], [sflag:$0x4] =	stream.indirect.gather [hbm4b:s5+s26], $0x40, s21, s26, $0xb8;
	[tilespmem:$0x1BC80] =	vst v63  }
0x109: {  	_ =	swait.ge [sflag:s1], $0x2000  }
0x10a: {  	[sflag:s1] =	ssyncset.done $0x0  }
0x10b: {  	[sflag:s1] =	ssyncadd.s32 $0xFFFFE000  }
0x10c: {  	[spmem:s3] =	stream.indirect.scatter.add.f32 [tilespmem:s28], [sflag:$0x5], $0x40, s10, s26, $0xb8;
	[tilespmem:$0x1BC80] =	vst v63  }
0x10d: {  	_ =	swait.ge [sflag:s23], $0x2000  }
0x10e: {  	[sflag:s23] =	ssyncset.done $0x0  }
0x10f: {  	[sflag:s23] =	ssyncadd.s32 $0xFFFFE000  }
0x110: {  	_ =	swait.ge [sflag:s4], $0x2000  }
0x111: {  	[sflag:s4] =	ssyncset.done $0x0  }
0x112: {  	[sflag:s4] =	ssyncadd.s32 $0xFFFFE000  }
0x113: {  	[spmem:s3] =	stream.indirect.scatter.add.f32 [tilespmem:s29], [sflag:$0x5], $0x40, s12, s26, $0xb8;
	[tilespmem:$0x1BC80] =	vst v63  }
0x114: {  	_ =	swait.ge [sflag:s23], $0x2000  }
0x115: {  	[sflag:s23] =	ssyncset.done $0x0  }
0x116: {  	[sflag:s23] =	ssyncadd.s32 $0xFFFFE000  }
0x117: {  	_ =	swait.ge [sflag:s8], $0x2000  }
0x118: {  	[sflag:s8] =	ssyncset.done $0x0  }
0x119: {  	[sflag:s8] =	ssyncadd.s32 $0xFFFFE000  }
0x11a: {  	[spmem:s3] =	stream.indirect.scatter.add.f32 [tilespmem:s31], [sflag:$0x5], $0x40, s14, s26, $0xb8;
	[tilespmem:$0x1BC80] =	vst v63  }
0x11b: {  	_ =	swait.ge [sflag:s23], $0x2000  }
0x11c: {  	[sflag:s23] =	ssyncset.done $0x0  }
0x11d: {  	[sflag:s23] =	ssyncadd.s32 $0xFFFFE000  }
0x11e: {  	_ =	swait.ge [sflag:s9], $0x2000  }
0x11f: {  	[sflag:s9] =	ssyncset.done $0x0  }
0x120: {  	[sflag:s9] =	ssyncadd.s32 $0xFFFFE000  }
0x121: {  	[spmem:s3] =	stream.indirect.scatter.add.f32 [tilespmem:s25], [sflag:$0x5], $0x40, s15, s26, $0xb8;
	[tilespmem:$0x1BC80] =	vst v63  }
0x122: {  	_ =	swait.ge [sflag:s23], $0x2000  }
0x123: {  	[sflag:s23] =	ssyncset.done $0x0  }
0x124: {  	[sflag:s23] =	ssyncadd.s32 $0xFFFFE000  }
0x125: {  	[bflag:$0x0] =	sbarrier.arrive $0xFFFF  }
0x126: {  	s20 =	simm.s32 @p0 $0x1FC5;
	s21 =	rddreg [dreg:$0xb]  }
0x127: {  	[hbm:s21], [sflag:s20] =	dma.local @p0 [spmem:s17], $0xC80  }
0x128: {  	s21 =	simm.s32 @p0 $0x5  }
0x129: {  	_ =	swait.ge @p0 [sflag:s21], $0xC80  }
0x12a: {  	[sflag:s21] =	ssyncset.done @p0 $0x0  }
0x12b: {  	[sflag:s21] =	ssyncadd.s32 @p0 $0xFFFFF380  }
0x12c: {  	[spmem:s17], [sflag:s20] =	dma.local @p0 [hbm:s13], $0xD00  }
0x12d: {  	_ =	swait.ge @p0 [sflag:s21], $0xD00  }
0x12e: {  	[sflag:s21] =	ssyncset.done @p0 $0x0  }
0x12f: {  	s20 =	rddreg [dreg:$0xa];
	[sflag:s21] =	ssyncadd.s32 @p0 $0xFFFFF300  }
0x130: {  	[hbm:s20], [sflag:s18] =	dma.local @!p0 [spmem:s19], $0x1400  }
0x131: {  	s20 =	simm.s32 @!p0 $0x5  }
0x132: {  	_ =	swait.ge @!p0 [sflag:s20], $0x1400  }
0x133: {  	[sflag:s20] =	ssyncset.done @!p0 $0x0  }
0x134: {  	[sflag:s20] =	ssyncadd.s32 @!p0 $0xFFFFEC00  }
0x135: {  	[spmem:s19], [sflag:s18] =	dma.local @!p0 [hbm:s11], $0x1400  }
0x136: {  	_ =	swait.ge @!p0 [sflag:s20], $0x1400  }
0x137: {  	[sflag:s20] =	ssyncset.done @!p0 $0x0  }
0x138: {  	[sflag:s20] =	ssyncadd.s32 @!p0 $0xFFFFEC00  }
0x139: {  	s21 =	simm.s32 $0x0;
	[bflag:$0x0] =	sbarrier.arrive $0xFFFF  }
0x13a: {  	[tilespmem:s28], [sflag:$0x1] =	stream.indirect.gather [hbm4b:s6+s26], $0x40, s21, s26, $0xb8;
	[tilespmem:$0x1BC80] =	vst v63  }
0x13b: {  	_ = 	snop  }
0x13c: {  	[tilespmem:s29], [sflag:$0x2] =	stream.indirect.gather [hbm4b:s6+s26], $0x40, s26, s26, $0xb8;
	[tilespmem:$0x1BC80] =	vst v63  }
0x13d: {  	_ = 	snop  }
0x13e: {  	[tilespmem:s31], [sflag:$0x3] =	stream.indirect.gather [hbm4b:s6+s26], $0x40, s30, s26, $0xb8;
	[tilespmem:$0x1BC80] =	vst v63  }
0x13f: {  	_ = 	snop  }
0x140: {  	[tilespmem:s25], [sflag:$0x4] =	stream.indirect.gather [hbm4b:s6+s26], $0x40, s0, s26, $0xb8;
	[tilespmem:$0x1BC80] =	vst v63  }
0x141: {  	_ =	swait.ge [sflag:s1], $0x2000  }
0x142: {  	[sflag:s1] =	ssyncset.done $0x0  }
0x143: {  	s22 =	simm.s32 $0x5000;
	[sflag:s1] =	ssyncadd.s32 $0xFFFFE000  }
0x144: {  	[spmem:s3] =	stream.indirect.scatter.add.f32 [tilespmem:s28], [sflag:$0x5], $0x40, s22, s26, $0xb8;
	[tilespmem:$0x1BC80] =	vst v63  }
0x145: {  	_ =	swait.ge [sflag:s23], $0x2000  }
0x146: {  	[sflag:s23] =	ssyncset.done $0x0  }
0x147: {  	s21 =	simm.s32 $0x200;
	[sflag:s23] =	ssyncadd.s32 $0xFFFFE000  }
0x148: {  	[tilespmem:s28], [sflag:$0x1] =	stream.indirect.gather [hbm4b:s6+s26], $0x40, s21, s26, $0xb8;
	[tilespmem:$0x1BC80] =	vst v63  }
0x149: {  	_ =	swait.ge [sflag:s4], $0x2000  }
0x14a: {  	[sflag:s4] =	ssyncset.done $0x0  }
0x14b: {  	s22 =	simm.s32 $0x5080;
	[sflag:s4] =	ssyncadd.s32 $0xFFFFE000  }
0x14c: {  	[spmem:s3] =	stream.indirect.scatter.add.f32 [tilespmem:s29], [sflag:$0x5], $0x40, s22, s26, $0xb8;
	[tilespmem:$0x1BC80] =	vst v63  }
0x14d: {  	_ =	swait.ge [sflag:s23], $0x2000  }
0x14e: {  	[sflag:s23] =	ssyncset.done $0x0  }
0x14f: {  	s21 =	simm.s32 $0x280;
	[sflag:s23] =	ssyncadd.s32 $0xFFFFE000  }
0x150: {  	[tilespmem:s29], [sflag:$0x2] =	stream.indirect.gather [hbm4b:s6+s26], $0x40, s21, s26, $0xb8;
	[tilespmem:$0x1BC80] =	vst v63  }
0x151: {  	_ =	swait.ge [sflag:s8], $0x2000  }
0x152: {  	[sflag:s8] =	ssyncset.done $0x0  }
0x153: {  	s22 =	simm.s32 $0x5100;
	[sflag:s8] =	ssyncadd.s32 $0xFFFFE000  }
0x154: {  	[spmem:s3] =	stream.indirect.scatter.add.f32 [tilespmem:s31], [sflag:$0x5], $0x40, s22, s26, $0xb8;
	[tilespmem:$0x1BC80] =	vst v63  }
0x155: {  	_ =	swait.ge [sflag:s23], $0x2000  }
0x156: {  	[sflag:s23] =	ssyncset.done $0x0  }
0x157: {  	s21 =	simm.s32 $0x300;
	[sflag:s23] =	ssyncadd.s32 $0xFFFFE000  }
0x158: {  	[tilespmem:s31], [sflag:$0x3] =	stream.indirect.gather [hbm4b:s6+s26], $0x40, s21, s26, $0xb8;
	[tilespmem:$0x1BC80] =	vst v63  }
0x159: {  	_ =	swait.ge [sflag:s9], $0x2000  }
0x15a: {  	[sflag:s9] =	ssyncset.done $0x0  }
0x15b: {  	s22 =	simm.s32 $0x5180;
	[sflag:s9] =	ssyncadd.s32 $0xFFFFE000  }
0x15c: {  	[spmem:s3] =	stream.indirect.scatter.add.f32 [tilespmem:s25], [sflag:$0x5], $0x40, s22, s26, $0xb8;
	[tilespmem:$0x1BC80] =	vst v63  }
0x15d: {  	_ =	swait.ge [sflag:s23], $0x2000  }
0x15e: {  	[sflag:s23] =	ssyncset.done $0x0  }
0x15f: {  	s20 =	simm.s32 $0x800;
	s21 =	simm.s32 $0x380;
	[sflag:s23] =	ssyncadd.s32 $0xFFFFE000  }
.LBB2_8:
0x160: {  	[tilespmem:s25], [sflag:$0x4] =	stream.indirect.gather [hbm4b:s6+s26], $0x40, s21, s26, $0xb8;
	[tilespmem:$0x1BC80] =	vst v63  }
0x161: {  	s21 =	smov.u32 s20  }
0x162: {  	p1 =	sne.s32 s20, $0x13000;
	s20 =	sadd.s32 $0x800, s20;
	_ =	swait.ge [sflag:s1], $0x2000  }
0x163: {  	s21 =	sshra.s32 s21, $0x2;
	[sflag:s1] =	ssyncset.done $0x0  }
0x164: {  	s22 =	sadd.s32 $0x5000, s21;
	[sflag:s1] =	ssyncadd.s32 $0xFFFFE000  }
0x165: {  	[spmem:s3] =	stream.indirect.scatter.add.f32 [tilespmem:s28], [sflag:$0x5], $0x40, s22, s26, $0xb8;
	[tilespmem:$0x1BC80] =	vst v63  }
0x166: {  	_ =	swait.ge [sflag:s23], $0x2000  }
0x167: {  	[sflag:s23] =	ssyncset.done $0x0  }
0x168: {  	s22 =	sadd.s32 $0x200, s21;
	[sflag:s23] =	ssyncadd.s32 $0xFFFFE000  }
0x169: {  	[tilespmem:s28], [sflag:$0x1] =	stream.indirect.gather [hbm4b:s6+s26], $0x40, s22, s26, $0xb8;
	[tilespmem:$0x1BC80] =	vst v63  }
0x16a: {  	_ =	swait.ge [sflag:s4], $0x2000  }
0x16b: {  	[sflag:s4] =	ssyncset.done $0x0  }
0x16c: {  	s22 =	sadd.s32 $0x5080, s21;
	[sflag:s4] =	ssyncadd.s32 $0xFFFFE000  }
0x16d: {  	[spmem:s3] =	stream.indirect.scatter.add.f32 [tilespmem:s29], [sflag:$0x5], $0x40, s22, s26, $0xb8;
	[tilespmem:$0x1BC80] =	vst v63  }
0x16e: {  	_ =	swait.ge [sflag:s23], $0x2000  }
0x16f: {  	[sflag:s23] =	ssyncset.done $0x0  }
0x170: {  	s22 =	sadd.s32 $0x280, s21;
	[sflag:s23] =	ssyncadd.s32 $0xFFFFE000  }
0x171: {  	[tilespmem:s29], [sflag:$0x2] =	stream.indirect.gather [hbm4b:s6+s26], $0x40, s22, s26, $0xb8;
	[tilespmem:$0x1BC80] =	vst v63  }
0x172: {  	_ =	swait.ge [sflag:s8], $0x2000  }
0x173: {  	[sflag:s8] =	ssyncset.done $0x0  }
0x174: {  	s22 =	sadd.s32 $0x5100, s21;
	[sflag:s8] =	ssyncadd.s32 $0xFFFFE000  }
0x175: {  	[spmem:s3] =	stream.indirect.scatter.add.f32 [tilespmem:s31], [sflag:$0x5], $0x40, s22, s26, $0xb8;
	[tilespmem:$0x1BC80] =	vst v63  }
0x176: {  	_ =	swait.ge [sflag:s23], $0x2000  }
0x177: {  	[sflag:s23] =	ssyncset.done $0x0  }
0x178: {  	s22 =	sadd.s32 $0x300, s21;
	[sflag:s23] =	ssyncadd.s32 $0xFFFFE000  }
0x179: {  	[tilespmem:s31], [sflag:$0x3] =	stream.indirect.gather [hbm4b:s6+s26], $0x40, s22, s26, $0xb8;
	[tilespmem:$0x1BC80] =	vst v63  }
0x17a: {  	_ =	swait.ge [sflag:s9], $0x2000  }
0x17b: {  	[sflag:s9] =	ssyncset.done $0x0  }
.Ltmp3:
0x17c: {  	s22 =	sadd.s32 $0x5180, s21;
	[sflag:s9] =	ssyncadd.s32 $0xFFFFE000;
	(pc) =	sbr.rel @p1 .LBB2_8-.Ltmp3, $4  }
0x17d: {  	[spmem:s3] =	stream.indirect.scatter.add.f32 [tilespmem:s25], [sflag:$0x5], $0x40, s22, s26, $0xb8;
	[tilespmem:$0x1BC80] =	vst v63  }
0x17e: {  	_ =	swait.ge [sflag:s23], $0x2000  }
0x17f: {  	[sflag:s23] =	ssyncset.done $0x0  }
0x180: {  	s21 =	sadd.s32 $0x380, s21;
	[sflag:s23] =	ssyncadd.s32 $0xFFFFE000  }
0x181: {  	[tilespmem:s25], [sflag:$0x4] =	stream.indirect.gather [hbm4b:s6+s26], $0x40, s21, s26, $0xb8;
	[tilespmem:$0x1BC80] =	vst v63  }
0x182: {  	_ =	swait.ge [sflag:s1], $0x2000  }
0x183: {  	[sflag:s1] =	ssyncset.done $0x0  }
0x184: {  	[sflag:s1] =	ssyncadd.s32 $0xFFFFE000  }
0x185: {  	[spmem:s3] =	stream.indirect.scatter.add.f32 [tilespmem:s28], [sflag:$0x5], $0x40, s10, s26, $0xb8;
	[tilespmem:$0x1BC80] =	vst v63  }
0x186: {  	_ =	swait.ge [sflag:s23], $0x2000  }
0x187: {  	[sflag:s23] =	ssyncset.done $0x0  }
0x188: {  	[sflag:s23] =	ssyncadd.s32 $0xFFFFE000  }
0x189: {  	_ =	swait.ge [sflag:s4], $0x2000  }
0x18a: {  	[sflag:s4] =	ssyncset.done $0x0  }
0x18b: {  	[sflag:s4] =	ssyncadd.s32 $0xFFFFE000  }
0x18c: {  	[spmem:s3] =	stream.indirect.scatter.add.f32 [tilespmem:s29], [sflag:$0x5], $0x40, s12, s26, $0xb8;
	[tilespmem:$0x1BC80] =	vst v63  }
0x18d: {  	_ =	swait.ge [sflag:s23], $0x2000  }
0x18e: {  	[sflag:s23] =	ssyncset.done $0x0  }
0x18f: {  	[sflag:s23] =	ssyncadd.s32 $0xFFFFE000  }
0x190: {  	_ =	swait.ge [sflag:s8], $0x2000  }
0x191: {  	[sflag:s8] =	ssyncset.done $0x0  }
0x192: {  	[sflag:s8] =	ssyncadd.s32 $0xFFFFE000  }
0x193: {  	[spmem:s3] =	stream.indirect.scatter.add.f32 [tilespmem:s31], [sflag:$0x5], $0x40, s14, s26, $0xb8;
	[tilespmem:$0x1BC80] =	vst v63  }
0x194: {  	_ =	swait.ge [sflag:s23], $0x2000  }
0x195: {  	[sflag:s23] =	ssyncset.done $0x0  }
0x196: {  	[sflag:s23] =	ssyncadd.s32 $0xFFFFE000  }
0x197: {  	_ =	swait.ge [sflag:s9], $0x2000  }
0x198: {  	[sflag:s9] =	ssyncset.done $0x0  }
0x199: {  	[sflag:s9] =	ssyncadd.s32 $0xFFFFE000  }
0x19a: {  	[spmem:s3] =	stream.indirect.scatter.add.f32 [tilespmem:s25], [sflag:$0x5], $0x40, s15, s26, $0xb8;
	[tilespmem:$0x1BC80] =	vst v63  }
0x19b: {  	_ =	swait.ge [sflag:s23], $0x2000  }
0x19c: {  	[sflag:s23] =	ssyncset.done $0x0  }
0x19d: {  	[sflag:s23] =	ssyncadd.s32 $0xFFFFE000  }
0x19e: {  	[bflag:$0x0] =	sbarrier.arrive $0xFFFF  }
0x19f: {  	s20 =	simm.s32 @p0 $0x1FC5;
	s21 =	rddreg [dreg:$0xd]  }
0x1a0: {  	[hbm:s21], [sflag:s20] =	dma.local @p0 [spmem:s17], $0xC80  }
0x1a1: {  	s21 =	simm.s32 @p0 $0x5  }
0x1a2: {  	_ =	swait.ge @p0 [sflag:s21], $0xC80  }
0x1a3: {  	[sflag:s21] =	ssyncset.done @p0 $0x0  }
0x1a4: {  	[sflag:s21] =	ssyncadd.s32 @p0 $0xFFFFF380  }
0x1a5: {  	[spmem:s17], [sflag:s20] =	dma.local @p0 [hbm:s13], $0xD00  }
0x1a6: {  	_ =	swait.ge @p0 [sflag:s21], $0xD00  }
0x1a7: {  	[sflag:s21] =	ssyncset.done @p0 $0x0  }
0x1a8: {  	s20 =	rddreg [dreg:$0xc];
	[sflag:s21] =	ssyncadd.s32 @p0 $0xFFFFF300  }
0x1a9: {  	[hbm:s20], [sflag:s18] =	dma.local @!p0 [spmem:s19], $0x1400  }
0x1aa: {  	s20 =	simm.s32 @!p0 $0x5  }
0x1ab: {  	_ =	swait.ge @!p0 [sflag:s20], $0x1400  }
0x1ac: {  	[sflag:s20] =	ssyncset.done @!p0 $0x0  }
0x1ad: {  	[sflag:s20] =	ssyncadd.s32 @!p0 $0xFFFFEC00  }
0x1ae: {  	[spmem:s19], [sflag:s18] =	dma.local @!p0 [hbm:s11], $0x1400  }
0x1af: {  	_ =	swait.ge @!p0 [sflag:s20], $0x1400  }
0x1b0: {  	[sflag:s20] =	ssyncset.done @!p0 $0x0  }
0x1b1: {  	[sflag:s20] =	ssyncadd.s32 @!p0 $0xFFFFEC00  }
0x1b2: {  	s21 =	simm.s32 $0x0;
	[bflag:$0x0] =	sbarrier.arrive $0xFFFF  }
0x1b3: {  	[tilespmem:s28], [sflag:$0x1] =	stream.indirect.gather [hbm4b:s7+s26], $0x40, s21, s26, $0xb8;
	[tilespmem:$0x1BC80] =	vst v63  }
0x1b4: {  	_ = 	snop  }
0x1b5: {  	[tilespmem:s29], [sflag:$0x2] =	stream.indirect.gather [hbm4b:s7+s26], $0x40, s26, s26, $0xb8;
	[tilespmem:$0x1BC80] =	vst v63  }
0x1b6: {  	_ = 	snop  }
0x1b7: {  	[tilespmem:s31], [sflag:$0x3] =	stream.indirect.gather [hbm4b:s7+s26], $0x40, s30, s26, $0xb8;
	[tilespmem:$0x1BC80] =	vst v63  }
0x1b8: {  	_ = 	snop  }
0x1b9: {  	[tilespmem:s25], [sflag:$0x4] =	stream.indirect.gather [hbm4b:s7+s26], $0x40, s0, s26, $0xb8;
	[tilespmem:$0x1BC80] =	vst v63  }
0x1ba: {  	_ =	swait.ge [sflag:s1], $0x2000  }
0x1bb: {  	[sflag:s1] =	ssyncset.done $0x0  }
0x1bc: {  	s22 =	simm.s32 $0x5000;
	[sflag:s1] =	ssyncadd.s32 $0xFFFFE000  }
0x1bd: {  	[spmem:s3] =	stream.indirect.scatter.add.f32 [tilespmem:s28], [sflag:$0x5], $0x40, s22, s26, $0xb8;
	[tilespmem:$0x1BC80] =	vst v63  }
0x1be: {  	_ =	swait.ge [sflag:s23], $0x2000  }
0x1bf: {  	[sflag:s23] =	ssyncset.done $0x0  }
0x1c0: {  	s20 =	simm.s32 $0x200;
	[sflag:s23] =	ssyncadd.s32 $0xFFFFE000  }
0x1c1: {  	[tilespmem:s28], [sflag:$0x1] =	stream.indirect.gather [hbm4b:s7+s26], $0x40, s20, s26, $0xb8;
	[tilespmem:$0x1BC80] =	vst v63  }
0x1c2: {  	_ =	swait.ge [sflag:s4], $0x2000  }
0x1c3: {  	[sflag:s4] =	ssyncset.done $0x0  }
0x1c4: {  	s21 =	simm.s32 $0x5080;
	[sflag:s4] =	ssyncadd.s32 $0xFFFFE000  }
0x1c5: {  	[spmem:s3] =	stream.indirect.scatter.add.f32 [tilespmem:s29], [sflag:$0x5], $0x40, s21, s26, $0xb8;
	[tilespmem:$0x1BC80] =	vst v63  }
0x1c6: {  	_ =	swait.ge [sflag:s23], $0x2000  }
0x1c7: {  	[sflag:s23] =	ssyncset.done $0x0  }
0x1c8: {  	s22 =	simm.s32 $0x280;
	[sflag:s23] =	ssyncadd.s32 $0xFFFFE000  }
0x1c9: {  	[tilespmem:s29], [sflag:$0x2] =	stream.indirect.gather [hbm4b:s7+s26], $0x40, s22, s26, $0xb8;
	[tilespmem:$0x1BC80] =	vst v63  }
0x1ca: {  	_ =	swait.ge [sflag:s8], $0x2000  }
0x1cb: {  	[sflag:s8] =	ssyncset.done $0x0  }
0x1cc: {  	s20 =	simm.s32 $0x5100;
	[sflag:s8] =	ssyncadd.s32 $0xFFFFE000  }
0x1cd: {  	[spmem:s3] =	stream.indirect.scatter.add.f32 [tilespmem:s31], [sflag:$0x5], $0x40, s20, s26, $0xb8;
	[tilespmem:$0x1BC80] =	vst v63  }
0x1ce: {  	_ =	swait.ge [sflag:s23], $0x2000  }
0x1cf: {  	[sflag:s23] =	ssyncset.done $0x0  }
0x1d0: {  	s21 =	simm.s32 $0x300;
	[sflag:s23] =	ssyncadd.s32 $0xFFFFE000  }
0x1d1: {  	[tilespmem:s31], [sflag:$0x3] =	stream.indirect.gather [hbm4b:s7+s26], $0x40, s21, s26, $0xb8;
	[tilespmem:$0x1BC80] =	vst v63  }
0x1d2: {  	_ =	swait.ge [sflag:s9], $0x2000  }
0x1d3: {  	[sflag:s9] =	ssyncset.done $0x0  }
0x1d4: {  	s22 =	simm.s32 $0x5180;
	[sflag:s9] =	ssyncadd.s32 $0xFFFFE000  }
0x1d5: {  	[spmem:s3] =	stream.indirect.scatter.add.f32 [tilespmem:s25], [sflag:$0x5], $0x40, s22, s26, $0xb8;
	[tilespmem:$0x1BC80] =	vst v63  }
0x1d6: {  	_ =	swait.ge [sflag:s23], $0x2000  }
0x1d7: {  	[sflag:s23] =	ssyncset.done $0x0  }
0x1d8: {  	s19 =	simm.s32 $0x800;
	s20 =	simm.s32 $0x380;
	[sflag:s23] =	ssyncadd.s32 $0xFFFFE000  }
.LBB2_10:
0x1d9: {  	[tilespmem:s25], [sflag:$0x4] =	stream.indirect.gather [hbm4b:s7+s26], $0x40, s20, s26, $0xb8;
	[tilespmem:$0x1BC80] =	vst v63  }
0x1da: {  	s20 =	smov.u32 s19  }
0x1db: {  	p1 =	sne.s32 s19, $0x13000;
	s19 =	sadd.s32 $0x800, s19;
	_ =	swait.ge [sflag:s1], $0x2000  }
0x1dc: {  	s20 =	sshra.s32 s20, $0x2;
	[sflag:s1] =	ssyncset.done $0x0  }
0x1dd: {  	s21 =	sadd.s32 $0x5000, s20;
	[sflag:s1] =	ssyncadd.s32 $0xFFFFE000  }
0x1de: {  	[spmem:s3] =	stream.indirect.scatter.add.f32 [tilespmem:s28], [sflag:$0x5], $0x40, s21, s26, $0xb8;
	[tilespmem:$0x1BC80] =	vst v63  }
0x1df: {  	_ =	swait.ge [sflag:s23], $0x2000  }
0x1e0: {  	[sflag:s23] =	ssyncset.done $0x0  }
0x1e1: {  	s21 =	sadd.s32 $0x200, s20;
	[sflag:s23] =	ssyncadd.s32 $0xFFFFE000  }
0x1e2: {  	[tilespmem:s28], [sflag:$0x1] =	stream.indirect.gather [hbm4b:s7+s26], $0x40, s21, s26, $0xb8;
	[tilespmem:$0x1BC80] =	vst v63  }
0x1e3: {  	_ =	swait.ge [sflag:s4], $0x2000  }
0x1e4: {  	[sflag:s4] =	ssyncset.done $0x0  }
0x1e5: {  	s21 =	sadd.s32 $0x5080, s20;
	[sflag:s4] =	ssyncadd.s32 $0xFFFFE000  }
0x1e6: {  	[spmem:s3] =	stream.indirect.scatter.add.f32 [tilespmem:s29], [sflag:$0x5], $0x40, s21, s26, $0xb8;
	[tilespmem:$0x1BC80] =	vst v63  }
0x1e7: {  	_ =	swait.ge [sflag:s23], $0x2000  }
0x1e8: {  	[sflag:s23] =	ssyncset.done $0x0  }
0x1e9: {  	s21 =	sadd.s32 $0x280, s20;
	[sflag:s23] =	ssyncadd.s32 $0xFFFFE000  }
0x1ea: {  	[tilespmem:s29], [sflag:$0x2] =	stream.indirect.gather [hbm4b:s7+s26], $0x40, s21, s26, $0xb8;
	[tilespmem:$0x1BC80] =	vst v63  }
0x1eb: {  	_ =	swait.ge [sflag:s8], $0x2000  }
0x1ec: {  	[sflag:s8] =	ssyncset.done $0x0  }
0x1ed: {  	s21 =	sadd.s32 $0x5100, s20;
	[sflag:s8] =	ssyncadd.s32 $0xFFFFE000  }
0x1ee: {  	[spmem:s3] =	stream.indirect.scatter.add.f32 [tilespmem:s31], [sflag:$0x5], $0x40, s21, s26, $0xb8;
	[tilespmem:$0x1BC80] =	vst v63  }
0x1ef: {  	_ =	swait.ge [sflag:s23], $0x2000  }
0x1f0: {  	[sflag:s23] =	ssyncset.done $0x0  }
0x1f1: {  	s21 =	sadd.s32 $0x300, s20;
	[sflag:s23] =	ssyncadd.s32 $0xFFFFE000  }
0x1f2: {  	[tilespmem:s31], [sflag:$0x3] =	stream.indirect.gather [hbm4b:s7+s26], $0x40, s21, s26, $0xb8;
	[tilespmem:$0x1BC80] =	vst v63  }
0x1f3: {  	_ =	swait.ge [sflag:s9], $0x2000  }
0x1f4: {  	[sflag:s9] =	ssyncset.done $0x0  }
.Ltmp4:
0x1f5: {  	s21 =	sadd.s32 $0x5180, s20;
	[sflag:s9] =	ssyncadd.s32 $0xFFFFE000;
	(pc) =	sbr.rel @p1 .LBB2_10-.Ltmp4, $4  }
0x1f6: {  	[spmem:s3] =	stream.indirect.scatter.add.f32 [tilespmem:s25], [sflag:$0x5], $0x40, s21, s26, $0xb8;
	[tilespmem:$0x1BC80] =	vst v63  }
0x1f7: {  	_ =	swait.ge [sflag:s23], $0x2000  }
0x1f8: {  	[sflag:s23] =	ssyncset.done $0x0  }
0x1f9: {  	s20 =	sadd.s32 $0x380, s20;
	[sflag:s23] =	ssyncadd.s32 $0xFFFFE000  }
0x1fa: {  	[tilespmem:s25], [sflag:$0x4] =	stream.indirect.gather [hbm4b:s7+s26], $0x40, s20, s26, $0xb8;
	[tilespmem:$0x1BC80] =	vst v63  }
0x1fb: {  	_ =	swait.ge [sflag:s1], $0x2000  }
0x1fc: {  	[sflag:s1] =	ssyncset.done $0x0  }
0x1fd: {  	[sflag:s1] =	ssyncadd.s32 $0xFFFFE000  }
0x1fe: {  	[spmem:s3] =	stream.indirect.scatter.add.f32 [tilespmem:s28], [sflag:$0x5], $0x40, s10, s26, $0xb8;
	[tilespmem:$0x1BC80] =	vst v63  }
0x1ff: {  	_ =	swait.ge [sflag:s23], $0x2000  }
0x200: {  	[sflag:s23] =	ssyncset.done $0x0  }
0x201: {  	[sflag:s23] =	ssyncadd.s32 $0xFFFFE000  }
0x202: {  	_ =	swait.ge [sflag:s4], $0x2000  }
0x203: {  	[sflag:s4] =	ssyncset.done $0x0  }
0x204: {  	[sflag:s4] =	ssyncadd.s32 $0xFFFFE000  }
0x205: {  	[spmem:s3] =	stream.indirect.scatter.add.f32 [tilespmem:s29], [sflag:$0x5], $0x40, s12, s26, $0xb8;
	[tilespmem:$0x1BC80] =	vst v63  }
0x206: {  	_ =	swait.ge [sflag:s23], $0x2000  }
0x207: {  	[sflag:s23] =	ssyncset.done $0x0  }
0x208: {  	[sflag:s23] =	ssyncadd.s32 $0xFFFFE000  }
0x209: {  	_ =	swait.ge [sflag:s8], $0x2000  }
0x20a: {  	[sflag:s8] =	ssyncset.done $0x0  }
0x20b: {  	[sflag:s8] =	ssyncadd.s32 $0xFFFFE000  }
0x20c: {  	[spmem:s3] =	stream.indirect.scatter.add.f32 [tilespmem:s31], [sflag:$0x5], $0x40, s14, s26, $0xb8;
	[tilespmem:$0x1BC80] =	vst v63  }
0x20d: {  	_ =	swait.ge [sflag:s23], $0x2000  }
0x20e: {  	[sflag:s23] =	ssyncset.done $0x0  }
0x20f: {  	[sflag:s23] =	ssyncadd.s32 $0xFFFFE000  }
0x210: {  	_ =	swait.ge [sflag:s9], $0x2000  }
0x211: {  	[sflag:s9] =	ssyncset.done $0x0  }
0x212: {  	[sflag:s9] =	ssyncadd.s32 $0xFFFFE000  }
0x213: {  	[spmem:s3] =	stream.indirect.scatter.add.f32 [tilespmem:s25], [sflag:$0x5], $0x40, s15, s26, $0xb8;
	[tilespmem:$0x1BC80] =	vst v63  }
0x214: {  	_ =	swait.ge [sflag:s23], $0x2000  }
0x215: {  	[sflag:s23] =	ssyncset.done $0x0  }
0x216: {  	[sflag:s23] =	ssyncadd.s32 $0xFFFFE000  }
0x217: {  	[bflag:$0x0] =	sbarrier.arrive $0xFFFF  }
0x218: {  	s19 =	simm.s32 @p0 $0x1FC5;
	s20 =	rddreg [dreg:$0xf]  }
0x219: {  	[hbm:s20], [sflag:s19] =	dma.local @p0 [spmem:s17], $0xC80  }
0x21a: {  	s17 =	simm.s32 @p0 $0x5  }
0x21b: {  	_ =	swait.ge @p0 [sflag:s17], $0xC80  }
0x21c: {  	[sflag:s17] =	ssyncset.done @p0 $0x0  }
0x21d: {  	[sflag:s17] =	ssyncadd.s32 @p0 $0xFFFFF380;
	s17 =	rddreg [dreg:$0xe]  }
0x21e: {  	[hbm:s17], [sflag:s18] =	dma.local @!p0 [spmem:s24], $0x1400  }
0x21f: {  	s17 =	simm.s32 @!p0 $0x5  }
0x220: {  	_ =	swait.ge @!p0 [sflag:s17], $0x1400  }
0x221: {  	s16 =	sadd.s32 $0x1, s16;
	s22 =	rddreg [dreg:$0x10]  }
0x222: {  	p1 =	sne.s32 s16, s22  }
.Ltmp5:
0x223: {  	_ = 	snop;
	(pc) =	sbr.rel @p1 .LBB2_1-.Ltmp5, $3  }
0x224: {  	[sflag:s17] =	ssyncset.done @!p0 $0x0  }
0x225: {  	[sflag:s17] =	ssyncadd.s32 @!p0 $0xFFFFEC00  }
0x226: {  	[bflag:$0x0] =	sbarrier.arrive $0xFFFF;
	_ =	sdelay $0x1  }
0x227: {  	_ =	sfence.sel $0x180000  }
0x228: {  	[bflag:$0x0] =	sbarrier.arrive $0xFFFF  }
0x229: {  	_ =	strace $0x90000047  }
0x22a: {  	s0 =	stileid.u32;
	[bflag:$0x2] =	sbarrier.arrive $0xFFFF  }
0x22b: {  	p0 =	sne.s32 s0, $0x0;
	s0 =	rddreg [dreg:$0x3]  }
0x22c: {  	s0 =	sadd.s32 @!p0 $0x100000, s0  }
0x22d: {  	[sflag:s0] =	ssyncadd.tile.s32 @!p0 $0x1;
	_ =	shalt  }
.Lfunc_end2:
_tile_overlayer_lowered:
.L_overlay_start_2:
0x22e: {  	(tag) =	ssettag $0x2  }
0x22f: {  	s0 =	rddreg [dreg:$0x0];
	s2 =	stileid.u32  }
0x230: {  	s1 =	rddreg [dreg:$0x1];
	p0 =	sne.s32 s2, $0x0  }
0x231: {  	s3 =	rddreg [dreg:$0x2];
	[bflag:$0x3] =	sbarrier.arrive $0xFFFF;
	s2 =	simm.s32 @!p0 $0x1C05  }
0x232: {  	[timem:s3], [sflag:s2] =	dma.local @!p0 [hbm:s0], s1  }
0x233: {  	s0 =	simm.s32 @!p0 $0x5  }
0x234: {  	_ =	swait.ge @!p0 [sflag:s0], s1  }
0x235: {  	s1 =	ssub.s32 @!p0 $0x0, s1;
	[sflag:s0] =	ssyncset.done @!p0 $0x0  }
0x236: {  	[sflag:s0] =	ssyncadd.s32 @!p0 s1  }
0x237: {  	[bflag:$0x3] =	sbarrier.arrive $0xFFFF  }
0x238: {  	_ =	shalt  }

</sc_bundles>
